<compile_context>
chip_gen: v7x
topology: tpu7x:2x2x1
jax: 0.10.2.dev20260603
libtpu: 0.0.44.dev20260713+nightly
codegen_flags: <defaults>
</compile_context>

<pallas_src>
import functools

import jax
import jax.numpy as jnp
from jax import lax
from jax.experimental import pallas as pl
from jax.experimental.pallas import tpu as pltpu
from jax.experimental.pallas import tpu_sc as plsc

EMBED = 64
WIDE = 128
SEQ = 50
NUM_WORKERS = 32
BATCH = 4096
FLAT = BATCH * SEQ
PER_W = FLAT // NUM_WORKERS
CHUNK = 200
GATHER = 100
PACKED = CHUNK // 2
NCHUNK = PER_W // CHUNK
NBUF = 4
LANES = 16


def _build_kernel():
    mesh = plsc.VectorSubcoreMesh(core_axis_name="c", subcore_axis_name="s")

    @functools.partial(
        pl.kernel,
        mesh=mesh,
        out_type=jax.ShapeDtypeStruct((BATCH, SEQ, WIDE), jnp.float32),
        scratch_types=[
            pltpu.VMEM((PER_W // GATHER, GATHER), jnp.int32),
            pltpu.VMEM((SEQ, EMBED), jnp.float32),
        ]
        + [pltpu.VMEM((CHUNK, WIDE), jnp.float32) for _ in range(NBUF)]
        + [pltpu.SemaphoreType.DMA for _ in range(2 * NBUF)],
    )
    def k(x_hbm, table_hbm, pe_hbm, out_hbm, idx_v, pe_v, *rest):
        gbuf = rest[:NBUF]
        sem_g = rest[NBUF:2 * NBUF]
        sem_w = rest[2 * NBUF:]
        cid = lax.axis_index("c")
        sid = lax.axis_index("s")
        wid = sid * 2 + cid
        base_g = wid * (PER_W // GATHER)
        base_e = wid * (PER_W // SEQ)
        pltpu.sync_copy(pe_hbm, pe_v)
        pltpu.sync_copy(x_hbm.at[pl.ds(base_g, PER_W // GATHER)], idx_v)

        def start_gather(c, b):
            for g in range(CHUNK // GATHER):
                pltpu.async_copy(
                    table_hbm.at[idx_v.at[c * (CHUNK // GATHER) + g]],
                    gbuf[b].at[pl.ds(g * GATHER, GATHER)],
                    sem_g[b],
                )

        def wait_gather(c, b):
            for g in range(CHUNK // GATHER):
                pltpu.make_async_copy(
                    table_hbm.at[idx_v.at[c * (CHUNK // GATHER) + g]],
                    gbuf[b].at[pl.ds(g * GATHER, GATHER)],
                    sem_g[b],
                ).wait()

        def start_write(c, b):
            for e in range(CHUNK // SEQ):
                pltpu.async_copy(
                    gbuf[b].at[pl.ds(e * SEQ, SEQ)],
                    out_hbm.at[base_e + c * (CHUNK // SEQ) + e],
                    sem_w[b],
                )

        def wait_write(c, b):
            for e in range(CHUNK // SEQ):
                pltpu.make_async_copy(
                    gbuf[b].at[pl.ds(e * SEQ, SEQ)],
                    out_hbm.at[base_e + c * (CHUNK // SEQ) + e],
                    sem_w[b],
                ).wait()

        for b in range(NBUF):
            start_gather(b, b)

        def it_body(it, carry):
            for b in range(NBUF):
                c = it * NBUF + b
                wait_gather(c, b)

                def add_t(t, inner):
                    for j in range(EMBED // LANES):
                        sl = pl.ds(j * LANES, LANES)
                        pe_vec = pe_v[t, sl]
                        for e in range(CHUNK // SEQ):
                            plsc.addupdate(gbuf[b].at[e * SEQ + t, sl], pe_vec)
                    return inner

                lax.fori_loop(0, SEQ, add_t, 0)
                start_write(c, b)
                wait_write(c, b)

                @pl.when(it < NCHUNK // NBUF - 1)
                def _():
                    start_gather(c + NBUF, b)

            return carry

        lax.fori_loop(0, NCHUNK // NBUF, it_body, 0)

    return k


_sc_kernel = _build_kernel()


@jax.jit
def kernel(x, table, pe):
    x2 = x.reshape(FLAT // GATHER, GATHER).astype(jnp.int32)
    tab128 = jnp.pad(table, ((0, 0), (0, WIDE - EMBED)))
    out = _sc_kernel(x2, tab128, pe)
    return out[:, :, :EMBED]

# --- scband reference (transcript-rebuilt; emitter-appended) ---
"""Pipeline reference for scband-ctleembedding-38637525795196 (READ-ONLY COPY).

The authoritative reference and input builder live on the scoring server;
editing this copy changes nothing except your own understanding.
"""

import jax, jax.numpy as jnp
import numpy as np

EMBED_SIZE = 64
NUM_VOCAB = 1000000
MAX_LEN = 50


def _make_pe(max_len, d):
    # Sinusoidal positional encoding (standard CTLE PositionalEncoding layer)
    pos = np.arange(max_len, dtype=np.float32)[:, None]
    div = np.exp(np.arange(0, d, 2, dtype=np.float32) * (-np.log(10000.0) / d))
    pe = np.zeros((max_len, d), dtype=np.float32)
    pe[:, 0::2] = np.sin(pos * div)
    pe[:, 1::2] = np.cos(pos * div)
    return jnp.asarray(pe)


def setup_inputs(seed: int = 0):
    key = jax.random.key(seed)
    kx, kt = jax.random.split(key)
    x = jax.random.randint(kx, (4096, 50), 0, NUM_VOCAB)
    # token_embed table: (num_vocab + 2, embed_size), padding_idx = num_vocab -> zero row
    table = jax.random.normal(kt, (NUM_VOCAB + 2, EMBED_SIZE), dtype=jnp.float32) * 0.02
    table = table.at[NUM_VOCAB].set(0.0)
    pe = _make_pe(MAX_LEN, EMBED_SIZE)
    return {"x": x, "table": table, "pe": pe}


def reference(x, table, pe):
    # token_embed = self.token_embed(x)
    token_embed = jnp.take(table, x, axis=0)
    # pos_embed = self.encoding_layer(x): sinusoidal PE broadcast over batch
    pos_embed = pe[: x.shape[1]][None, :, :]
    return token_embed + pos_embed

if __name__ == "__main__":
    import jax
    _d = setup_inputs()
    print(jax.jit(kernel)(*tuple(_d.values())))

</pallas_src>

<mosaic_0001>
#map = affine_map<(d0, d1) -> (0, 0)>
#map1 = affine_map<(d0, d1) -> (0, 0, 0)>
module attributes {stable_mosaic.version = 14 : i64} {
  func.func @k(%arg0: i32, %arg1: i32, %arg2: memref<2048x100xi32, #tpu.memory_space<hbm>>, %arg3: memref<1000002x128xf32, #tpu.memory_space<hbm>>, %arg4: memref<50x64xf32, #tpu.memory_space<hbm>>, %arg5: memref<4096x50x128xf32, #tpu.memory_space<hbm>>, %arg6: memref<64x100xi32, #tpu.memory_space<vmem>>, %arg7: memref<50x64xf32, #tpu.memory_space<vmem>>, %arg8: memref<200x128xf32, #tpu.memory_space<vmem>>, %arg9: memref<200x128xf32, #tpu.memory_space<vmem>>, %arg10: memref<200x128xf32, #tpu.memory_space<vmem>>, %arg11: memref<200x128xf32, #tpu.memory_space<vmem>>, %arg12: memref<!tpu.dma_semaphore, #tpu.memory_space<semaphore_mem>>, %arg13: memref<!tpu.dma_semaphore, #tpu.memory_space<semaphore_mem>>, %arg14: memref<!tpu.dma_semaphore, #tpu.memory_space<semaphore_mem>>, %arg15: memref<!tpu.dma_semaphore, #tpu.memory_space<semaphore_mem>>, %arg16: memref<!tpu.dma_semaphore, #tpu.memory_space<semaphore_mem>>, %arg17: memref<!tpu.dma_semaphore, #tpu.memory_space<semaphore_mem>>, %arg18: memref<!tpu.dma_semaphore, #tpu.memory_space<semaphore_mem>>, %arg19: memref<!tpu.dma_semaphore, #tpu.memory_space<semaphore_mem>>) attributes {dimension_semantics = [#tpu.dimension_semantics<core_parallel>, #tpu.dimension_semantics<subcore_parallel>], iteration_bounds = array<i64: 2, 16>, scalar_prefetch = 0 : i64, scratch_operands = 14 : i64, tpu.core_type = #tpu.core_type<sc_vector_subcore>, window_params = [{transform_indices = #map}, {transform_indices = #map}, {transform_indices = #map}, {transform_indices = #map1}]} {
    %mul3A = arith.constant 2 : i32
    %mul3A_0 = arith.muli %arg1, %mul3A : i32
    %add3A = arith.addi %mul3A_0, %arg0 : i32
    %mul3A_1 = arith.constant 64 : i32
    %mul3A_2 = arith.muli %add3A, %mul3A_1 : i32
    %mul3A_3 = arith.constant 128 : i32
    %mul3A_4 = arith.muli %add3A, %mul3A_3 : i32
    "tpu.region"() ({
      %run_scoped3A = tpu.sem_alloc : memref<!tpu.dma_semaphore, #tpu.memory_space<semaphore_mem>>
      tpu.enqueue_dma source(%arg4 : memref<50x64xf32, #tpu.memory_space<hbm>>) target(%arg7 : memref<50x64xf32, #tpu.memory_space<vmem>>) target_semaphore(%run_scoped3A : memref<!tpu.dma_semaphore, #tpu.memory_space<semaphore_mem>>)
      tpu.wait_dma2 semaphore(%run_scoped3A : memref<!tpu.dma_semaphore, #tpu.memory_space<semaphore_mem>>) src(%arg4 : memref<50x64xf32, #tpu.memory_space<hbm>>) dst(%arg7 : memref<50x64xf32, #tpu.memory_space<vmem>>)
      tpu.yield
    }) : () -> ()
    "tpu.region"() ({
      %run_scoped3A = tpu.sem_alloc : memref<!tpu.dma_semaphore, #tpu.memory_space<semaphore_mem>>
      %dma_start3A_89 = arith.constant 0 : i32
      %dma_start3A_90 = tpu.memref_slice %arg2[%mul3A_2, %dma_start3A_89] : memref<2048x100xi32, #tpu.memory_space<hbm>> -> memref<64x100xi32, #tpu.memory_space<hbm>>
      %dma_start3A_91 = arith.constant 0 : i32
      %dma_start3A_92 = tpu.memref_slice %arg2[%mul3A_2, %dma_start3A_91] : memref<2048x100xi32, #tpu.memory_space<hbm>> -> memref<64x100xi32, #tpu.memory_space<hbm>>
      tpu.enqueue_dma source(%dma_start3A_92 : memref<64x100xi32, #tpu.memory_space<hbm>>) target(%arg6 : memref<64x100xi32, #tpu.memory_space<vmem>>) target_semaphore(%run_scoped3A : memref<!tpu.dma_semaphore, #tpu.memory_space<semaphore_mem>>)
      %dma_wait3A = arith.constant 0 : i32
      %dma_wait3A_93 = tpu.memref_slice %arg2[%mul3A_2, %dma_wait3A] : memref<2048x100xi32, #tpu.memory_space<hbm>> -> memref<64x100xi32, #tpu.memory_space<hbm>>
      %dma_wait3A_94 = arith.constant 0 : i32
      %dma_wait3A_95 = tpu.memref_slice %arg2[%mul3A_2, %dma_wait3A_94] : memref<2048x100xi32, #tpu.memory_space<hbm>> -> memref<64x100xi32, #tpu.memory_space<hbm>>
      tpu.wait_dma2 semaphore(%run_scoped3A : memref<!tpu.dma_semaphore, #tpu.memory_space<semaphore_mem>>) src(%dma_wait3A_95 : memref<64x100xi32, #tpu.memory_space<hbm>>) dst(%arg6 : memref<64x100xi32, #tpu.memory_space<vmem>>)
      tpu.yield
    }) : () -> ()
    %dma_start3A = arith.constant 0 : i32
    %dma_start3A_5 = arith.constant 0 : i32
    %dma_start3A_6 = arith.constant 0 : i32
    %dma_start3A_7 = tpu.memref_slice %arg8[%dma_start3A_5, %dma_start3A_6] : memref<200x128xf32, #tpu.memory_space<vmem>> -> memref<100x128xf32, #tpu.memory_space<vmem>>
    %dma_start3A_8 = arith.constant 0 : i32
    %dma_start3A_9 = tpu.memref_slice %arg6[%dma_start3A, %dma_start3A_8] : memref<64x100xi32, #tpu.memory_space<vmem>> -> memref<1x100xi32, #tpu.memory_space<vmem>>
    %dma_start3A_10 = tpu.memref_squeeze %dma_start3A_9 : memref<1x100xi32, #tpu.memory_space<vmem>> -> memref<100xi32, #tpu.memory_space<vmem>>
    %dma_start3A_11 = arith.constant 0 : i32
    %dma_start3A_12 = arith.constant 0 : i32
    %dma_start3A_13 = tpu.memref_slice %arg3[%dma_start3A_11, %dma_start3A_12] : memref<1000002x128xf32, #tpu.memory_space<hbm>> -> memref<1000002x128xf32, #tpu.memory_space<hbm>>
    tpu.enqueue_indirect_dma source(%dma_start3A_13 : memref<1000002x128xf32, #tpu.memory_space<hbm>>) target(%dma_start3A_7 : memref<100x128xf32, #tpu.memory_space<vmem>>) offsets(%dma_start3A_10 : memref<100xi32, #tpu.memory_space<vmem>>) semaphore(%arg12 : memref<!tpu.dma_semaphore, #tpu.memory_space<semaphore_mem>>)
    %dma_start3A_14 = arith.constant 1 : i32
    %dma_start3A_15 = arith.constant 100 : i32
    %dma_start3A_16 = arith.constant 0 : i32
    %dma_start3A_17 = tpu.memref_slice %arg8[%dma_start3A_15, %dma_start3A_16] : memref<200x128xf32, #tpu.memory_space<vmem>> -> memref<100x128xf32, #tpu.memory_space<vmem>>
    %dma_start3A_18 = arith.constant 0 : i32
    %dma_start3A_19 = tpu.memref_slice %arg6[%dma_start3A_14, %dma_start3A_18] : memref<64x100xi32, #tpu.memory_space<vmem>> -> memref<1x100xi32, #tpu.memory_space<vmem>>
    %dma_start3A_20 = tpu.memref_squeeze %dma_start3A_19 : memref<1x100xi32, #tpu.memory_space<vmem>> -> memref<100xi32, #tpu.memory_space<vmem>>
    %dma_start3A_21 = arith.constant 0 : i32
    %dma_start3A_22 = arith.constant 0 : i32
    %dma_start3A_23 = tpu.memref_slice %arg3[%dma_start3A_21, %dma_start3A_22] : memref<1000002x128xf32, #tpu.memory_space<hbm>> -> memref<1000002x128xf32, #tpu.memory_space<hbm>>
    tpu.enqueue_indirect_dma source(%dma_start3A_23 : memref<1000002x128xf32, #tpu.memory_space<hbm>>) target(%dma_start3A_17 : memref<100x128xf32, #tpu.memory_space<vmem>>) offsets(%dma_start3A_20 : memref<100xi32, #tpu.memory_space<vmem>>) semaphore(%arg12 : memref<!tpu.dma_semaphore, #tpu.memory_space<semaphore_mem>>)
    %dma_start3A_24 = arith.constant 2 : i32
    %dma_start3A_25 = arith.constant 0 : i32
    %dma_start3A_26 = arith.constant 0 : i32
    %dma_start3A_27 = tpu.memref_slice %arg9[%dma_start3A_25, %dma_start3A_26] : memref<200x128xf32, #tpu.memory_space<vmem>> -> memref<100x128xf32, #tpu.memory_space<vmem>>
    %dma_start3A_28 = arith.constant 0 : i32
    %dma_start3A_29 = tpu.memref_slice %arg6[%dma_start3A_24, %dma_start3A_28] : memref<64x100xi32, #tpu.memory_space<vmem>> -> memref<1x100xi32, #tpu.memory_space<vmem>>
    %dma_start3A_30 = tpu.memref_squeeze %dma_start3A_29 : memref<1x100xi32, #tpu.memory_space<vmem>> -> memref<100xi32, #tpu.memory_space<vmem>>
    %dma_start3A_31 = arith.constant 0 : i32
    %dma_start3A_32 = arith.constant 0 : i32
    %dma_start3A_33 = tpu.memref_slice %arg3[%dma_start3A_31, %dma_start3A_32] : memref<1000002x128xf32, #tpu.memory_space<hbm>> -> memref<1000002x128xf32, #tpu.memory_space<hbm>>
    tpu.enqueue_indirect_dma source(%dma_start3A_33 : memref<1000002x128xf32, #tpu.memory_space<hbm>>) target(%dma_start3A_27 : memref<100x128xf32, #tpu.memory_space<vmem>>) offsets(%dma_start3A_30 : memref<100xi32, #tpu.memory_space<vmem>>) semaphore(%arg13 : memref<!tpu.dma_semaphore, #tpu.memory_space<semaphore_mem>>)
    %dma_start3A_34 = arith.constant 3 : i32
    %dma_start3A_35 = arith.constant 100 : i32
    %dma_start3A_36 = arith.constant 0 : i32
    %dma_start3A_37 = tpu.memref_slice %arg9[%dma_start3A_35, %dma_start3A_36] : memref<200x128xf32, #tpu.memory_space<vmem>> -> memref<100x128xf32, #tpu.memory_space<vmem>>
    %dma_start3A_38 = arith.constant 0 : i32
    %dma_start3A_39 = tpu.memref_slice %arg6[%dma_start3A_34, %dma_start3A_38] : memref<64x100xi32, #tpu.memory_space<vmem>> -> memref<1x100xi32, #tpu.memory_space<vmem>>
    %dma_start3A_40 = tpu.memref_squeeze %dma_start3A_39 : memref<1x100xi32, #tpu.memory_space<vmem>> -> memref<100xi32, #tpu.memory_space<vmem>>
    %dma_start3A_41 = arith.constant 0 : i32
    %dma_start3A_42 = arith.constant 0 : i32
    %dma_start3A_43 = tpu.memref_slice %arg3[%dma_start3A_41, %dma_start3A_42] : memref<1000002x128xf32, #tpu.memory_space<hbm>> -> memref<1000002x128xf32, #tpu.memory_space<hbm>>
    tpu.enqueue_indirect_dma source(%dma_start3A_43 : memref<1000002x128xf32, #tpu.memory_space<hbm>>) target(%dma_start3A_37 : memref<100x128xf32, #tpu.memory_space<vmem>>) offsets(%dma_start3A_40 : memref<100xi32, #tpu.memory_space<vmem>>) semaphore(%arg13 : memref<!tpu.dma_semaphore, #tpu.memory_space<semaphore_mem>>)
    %dma_start3A_44 = arith.constant 4 : i32
    %dma_start3A_45 = arith.constant 0 : i32
    %dma_start3A_46 = arith.constant 0 : i32
    %dma_start3A_47 = tpu.memref_slice %arg10[%dma_start3A_45, %dma_start3A_46] : memref<200x128xf32, #tpu.memory_space<vmem>> -> memref<100x128xf32, #tpu.memory_space<vmem>>
    %dma_start3A_48 = arith.constant 0 : i32
    %dma_start3A_49 = tpu.memref_slice %arg6[%dma_start3A_44, %dma_start3A_48] : memref<64x100xi32, #tpu.memory_space<vmem>> -> memref<1x100xi32, #tpu.memory_space<vmem>>
    %dma_start3A_50 = tpu.memref_squeeze %dma_start3A_49 : memref<1x100xi32, #tpu.memory_space<vmem>> -> memref<100xi32, #tpu.memory_space<vmem>>
    %dma_start3A_51 = arith.constant 0 : i32
    %dma_start3A_52 = arith.constant 0 : i32
    %dma_start3A_53 = tpu.memref_slice %arg3[%dma_start3A_51, %dma_start3A_52] : memref<1000002x128xf32, #tpu.memory_space<hbm>> -> memref<1000002x128xf32, #tpu.memory_space<hbm>>
    tpu.enqueue_indirect_dma source(%dma_start3A_53 : memref<1000002x128xf32, #tpu.memory_space<hbm>>) target(%dma_start3A_47 : memref<100x128xf32, #tpu.memory_space<vmem>>) offsets(%dma_start3A_50 : memref<100xi32, #tpu.memory_space<vmem>>) semaphore(%arg14 : memref<!tpu.dma_semaphore, #tpu.memory_space<semaphore_mem>>)
    %dma_start3A_54 = arith.constant 5 : i32
    %dma_start3A_55 = arith.constant 100 : i32
    %dma_start3A_56 = arith.constant 0 : i32
    %dma_start3A_57 = tpu.memref_slice %arg10[%dma_start3A_55, %dma_start3A_56] : memref<200x128xf32, #tpu.memory_space<vmem>> -> memref<100x128xf32, #tpu.memory_space<vmem>>
    %dma_start3A_58 = arith.constant 0 : i32
    %dma_start3A_59 = tpu.memref_slice %arg6[%dma_start3A_54, %dma_start3A_58] : memref<64x100xi32, #tpu.memory_space<vmem>> -> memref<1x100xi32, #tpu.memory_space<vmem>>
    %dma_start3A_60 = tpu.memref_squeeze %dma_start3A_59 : memref<1x100xi32, #tpu.memory_space<vmem>> -> memref<100xi32, #tpu.memory_space<vmem>>
    %dma_start3A_61 = arith.constant 0 : i32
    %dma_start3A_62 = arith.constant 0 : i32
    %dma_start3A_63 = tpu.memref_slice %arg3[%dma_start3A_61, %dma_start3A_62] : memref<1000002x128xf32, #tpu.memory_space<hbm>> -> memref<1000002x128xf32, #tpu.memory_space<hbm>>
    tpu.enqueue_indirect_dma source(%dma_start3A_63 : memref<1000002x128xf32, #tpu.memory_space<hbm>>) target(%dma_start3A_57 : memref<100x128xf32, #tpu.memory_space<vmem>>) offsets(%dma_start3A_60 : memref<100xi32, #tpu.memory_space<vmem>>) semaphore(%arg14 : memref<!tpu.dma_semaphore, #tpu.memory_space<semaphore_mem>>)
    %dma_start3A_64 = arith.constant 6 : i32
    %dma_start3A_65 = arith.constant 0 : i32
    %dma_start3A_66 = arith.constant 0 : i32
    %dma_start3A_67 = tpu.memref_slice %arg11[%dma_start3A_65, %dma_start3A_66] : memref<200x128xf32, #tpu.memory_space<vmem>> -> memref<100x128xf32, #tpu.memory_space<vmem>>
    %dma_start3A_68 = arith.constant 0 : i32
    %dma_start3A_69 = tpu.memref_slice %arg6[%dma_start3A_64, %dma_start3A_68] : memref<64x100xi32, #tpu.memory_space<vmem>> -> memref<1x100xi32, #tpu.memory_space<vmem>>
    %dma_start3A_70 = tpu.memref_squeeze %dma_start3A_69 : memref<1x100xi32, #tpu.memory_space<vmem>> -> memref<100xi32, #tpu.memory_space<vmem>>
    %dma_start3A_71 = arith.constant 0 : i32
    %dma_start3A_72 = arith.constant 0 : i32
    %dma_start3A_73 = tpu.memref_slice %arg3[%dma_start3A_71, %dma_start3A_72] : memref<1000002x128xf32, #tpu.memory_space<hbm>> -> memref<1000002x128xf32, #tpu.memory_space<hbm>>
    tpu.enqueue_indirect_dma source(%dma_start3A_73 : memref<1000002x128xf32, #tpu.memory_space<hbm>>) target(%dma_start3A_67 : memref<100x128xf32, #tpu.memory_space<vmem>>) offsets(%dma_start3A_70 : memref<100xi32, #tpu.memory_space<vmem>>) semaphore(%arg15 : memref<!tpu.dma_semaphore, #tpu.memory_space<semaphore_mem>>)
    %dma_start3A_74 = arith.constant 7 : i32
    %dma_start3A_75 = arith.constant 100 : i32
    %dma_start3A_76 = arith.constant 0 : i32
    %dma_start3A_77 = tpu.memref_slice %arg11[%dma_start3A_75, %dma_start3A_76] : memref<200x128xf32, #tpu.memory_space<vmem>> -> memref<100x128xf32, #tpu.memory_space<vmem>>
    %dma_start3A_78 = arith.constant 0 : i32
    %dma_start3A_79 = tpu.memref_slice %arg6[%dma_start3A_74, %dma_start3A_78] : memref<64x100xi32, #tpu.memory_space<vmem>> -> memref<1x100xi32, #tpu.memory_space<vmem>>
    %dma_start3A_80 = tpu.memref_squeeze %dma_start3A_79 : memref<1x100xi32, #tpu.memory_space<vmem>> -> memref<100xi32, #tpu.memory_space<vmem>>
    %dma_start3A_81 = arith.constant 0 : i32
    %dma_start3A_82 = arith.constant 0 : i32
    %dma_start3A_83 = tpu.memref_slice %arg3[%dma_start3A_81, %dma_start3A_82] : memref<1000002x128xf32, #tpu.memory_space<hbm>> -> memref<1000002x128xf32, #tpu.memory_space<hbm>>
    tpu.enqueue_indirect_dma source(%dma_start3A_83 : memref<1000002x128xf32, #tpu.memory_space<hbm>>) target(%dma_start3A_77 : memref<100x128xf32, #tpu.memory_space<vmem>>) offsets(%dma_start3A_80 : memref<100xi32, #tpu.memory_space<vmem>>) semaphore(%arg15 : memref<!tpu.dma_semaphore, #tpu.memory_space<semaphore_mem>>)
    %scan3A = arith.constant 0 : i32
    %scan3A_84 = arith.constant 0 : i32
    %scan3A_85 = arith.constant 8 : i32
    %scan3A_86 = arith.addi %scan3A_84, %scan3A_85 : i32
    %scan3A_87 = arith.constant 1 : i32
    scf.for %scan3A_89 = %scan3A_84 to %scan3A_86 step %scan3A_87  : i32 {
      %mul3A_90 = arith.constant 4 : i32
      %mul3A_91 = arith.muli %scan3A_89, %mul3A_90 : i32
      %add3A_92 = arith.constant 0 : i32
      %add3A_93 = arith.addi %mul3A_91, %add3A_92 : i32
      %mul3A_94 = arith.constant 2 : i32
      %mul3A_95 = arith.muli %add3A_93, %mul3A_94 : i32
      %add3A_96 = arith.constant 0 : i32
      %add3A_97 = arith.addi %mul3A_95, %add3A_96 : i32
      %dma_wait3A = arith.constant 0 : i32
      %dma_wait3A_98 = arith.constant 0 : i32
      %dma_wait3A_99 = tpu.memref_slice %arg8[%dma_wait3A, %dma_wait3A_98] : memref<200x128xf32, #tpu.memory_space<vmem>> -> memref<100x128xf32, #tpu.memory_space<vmem>>
      %dma_wait3A_100 = arith.constant 0 : i32
      %dma_wait3A_101 = tpu.memref_slice %arg6[%add3A_97, %dma_wait3A_100] : memref<64x100xi32, #tpu.memory_space<vmem>> -> memref<1x100xi32, #tpu.memory_space<vmem>>
      %dma_wait3A_102 = tpu.memref_squeeze %dma_wait3A_101 : memref<1x100xi32, #tpu.memory_space<vmem>> -> memref<100xi32, #tpu.memory_space<vmem>>
      %dma_wait3A_103 = arith.constant 0 : i32
      %dma_wait3A_104 = arith.constant 0 : i32
      %dma_wait3A_105 = tpu.memref_slice %arg3[%dma_wait3A_103, %dma_wait3A_104] : memref<1000002x128xf32, #tpu.memory_space<hbm>> -> memref<1000002x128xf32, #tpu.memory_space<hbm>>
      tpu.wait_indirect_dma semaphore(%arg12 : memref<!tpu.dma_semaphore, #tpu.memory_space<semaphore_mem>>) src(%dma_wait3A_105 : memref<1000002x128xf32, #tpu.memory_space<hbm>>) dst(%dma_wait3A_99 : memref<100x128xf32, #tpu.memory_space<vmem>>)
      %mul3A_106 = arith.constant 2 : i32
      %mul3A_107 = arith.muli %add3A_93, %mul3A_106 : i32
      %add3A_108 = arith.constant 1 : i32
      %add3A_109 = arith.addi %mul3A_107, %add3A_108 : i32
      %dma_wait3A_110 = arith.constant 100 : i32
      %dma_wait3A_111 = arith.constant 0 : i32
      %dma_wait3A_112 = tpu.memref_slice %arg8[%dma_wait3A_110, %dma_wait3A_111] : memref<200x128xf32, #tpu.memory_space<vmem>> -> memref<100x128xf32, #tpu.memory_space<vmem>>
      %dma_wait3A_113 = arith.constant 0 : i32
      %dma_wait3A_114 = tpu.memref_slice %arg6[%add3A_109, %dma_wait3A_113] : memref<64x100xi32, #tpu.memory_space<vmem>> -> memref<1x100xi32, #tpu.memory_space<vmem>>
      %dma_wait3A_115 = tpu.memref_squeeze %dma_wait3A_114 : memref<1x100xi32, #tpu.memory_space<vmem>> -> memref<100xi32, #tpu.memory_space<vmem>>
      %dma_wait3A_116 = arith.constant 0 : i32
      %dma_wait3A_117 = arith.constant 0 : i32
      %dma_wait3A_118 = tpu.memref_slice %arg3[%dma_wait3A_116, %dma_wait3A_117] : memref<1000002x128xf32, #tpu.memory_space<hbm>> -> memref<1000002x128xf32, #tpu.memory_space<hbm>>
      tpu.wait_indirect_dma semaphore(%arg12 : memref<!tpu.dma_semaphore, #tpu.memory_space<semaphore_mem>>) src(%dma_wait3A_118 : memref<1000002x128xf32, #tpu.memory_space<hbm>>) dst(%dma_wait3A_112 : memref<100x128xf32, #tpu.memory_space<vmem>>)
      %scan3A_119 = arith.constant 0 : i32
      %scan3A_120 = arith.constant 0 : i32
      %scan3A_121 = arith.constant 50 : i32
      %scan3A_122 = arith.addi %scan3A_120, %scan3A_121 : i32
      %scan3A_123 = arith.constant 1 : i32
      scf.for %scan3A_858 = %scan3A_120 to %scan3A_122 step %scan3A_123  : i32 {
        %get3A = arith.index_cast %scan3A_858 : i32 to index
        %get3A_859 = arith.constant 0 : index
        %get3A_860 = tpu.vector_load %arg7[%get3A, %get3A_859] {strides = array<i32>} : memref<50x64xf32, #tpu.memory_space<vmem>>, vector<1x16xf32>,
        %get3A_861 = vector.shape_cast %get3A_860 : vector<1x16xf32> to vector<16xf32>
        %add3A_862 = arith.constant 0 : i32
        %add3A_863 = arith.addi %add3A_862, %scan3A_858 : i32
        %swap3A = arith.index_cast %add3A_863 : i32 to index
        %swap3A_864 = arith.constant 0 : index
        %swap3A_865 = tpu.vector_load %arg8[%swap3A, %swap3A_864] {strides = array<i32>} : memref<200x128xf32, #tpu.memory_space<vmem>>, vector<1x16xf32>,
        %swap3A_866 = vector.shape_cast %swap3A_865 : vector<1x16xf32> to vector<16xf32>
        %swap3A_867 = vector.shape_cast %get3A_861 : vector<16xf32> to vector<1x16xf32>
        tpu.vector_store %arg8[%swap3A, %swap3A_864], %swap3A_867 {add = true, strides = array<i32>} : memref<200x128xf32, #tpu.memory_space<vmem>>, vector<1x16xf32>,
        %add3A_868 = arith.constant 50 : i32
        %add3A_869 = arith.addi %add3A_868, %scan3A_858 : i32
        %swap3A_870 = arith.index_cast %add3A_869 : i32 to index
        %swap3A_871 = arith.constant 0 : index
        %swap3A_872 = tpu.vector_load %arg8[%swap3A_870, %swap3A_871] {strides = array<i32>} : memref<200x128xf32, #tpu.memory_space<vmem>>, vector<1x16xf32>,
        %swap3A_873 = vector.shape_cast %swap3A_872 : vector<1x16xf32> to vector<16xf32>
        %swap3A_874 = vector.shape_cast %get3A_861 : vector<16xf32> to vector<1x16xf32>
        tpu.vector_store %arg8[%swap3A_870, %swap3A_871], %swap3A_874 {add = true, strides = array<i32>} : memref<200x128xf32, #tpu.memory_space<vmem>>, vector<1x16xf32>,
        %add3A_875 = arith.constant 100 : i32
        %add3A_876 = arith.addi %add3A_875, %scan3A_858 : i32
        %swap3A_877 = arith.index_cast %add3A_876 : i32 to index
        %swap3A_878 = arith.constant 0 : index
        %swap3A_879 = tpu.vector_load %arg8[%swap3A_877, %swap3A_878] {strides = array<i32>} : memref<200x128xf32, #tpu.memory_space<vmem>>, vector<1x16xf32>,
        %swap3A_880 = vector.shape_cast %swap3A_879 : vector<1x16xf32> to vector<16xf32>
        %swap3A_881 = vector.shape_cast %get3A_861 : vector<16xf32> to vector<1x16xf32>
        tpu.vector_store %arg8[%swap3A_877, %swap3A_878], %swap3A_881 {add = true, strides = array<i32>} : memref<200x128xf32, #tpu.memory_space<vmem>>, vector<1x16xf32>,
        %add3A_882 = arith.constant 150 : i32
        %add3A_883 = arith.addi %add3A_882, %scan3A_858 : i32
        %swap3A_884 = arith.index_cast %add3A_883 : i32 to index
        %swap3A_885 = arith.constant 0 : index
        %swap3A_886 = tpu.vector_load %arg8[%swap3A_884, %swap3A_885] {strides = array<i32>} : memref<200x128xf32, #tpu.memory_space<vmem>>, vector<1x16xf32>,
        %swap3A_887 = vector.shape_cast %swap3A_886 : vector<1x16xf32> to vector<16xf32>
        %swap3A_888 = vector.shape_cast %get3A_861 : vector<16xf32> to vector<1x16xf32>
        tpu.vector_store %arg8[%swap3A_884, %swap3A_885], %swap3A_888 {add = true, strides = array<i32>} : memref<200x128xf32, #tpu.memory_space<vmem>>, vector<1x16xf32>,
        %get3A_889 = arith.index_cast %scan3A_858 : i32 to index
        %get3A_890 = arith.constant 16 : index
        %get3A_891 = tpu.vector_load %arg7[%get3A_889, %get3A_890] {strides = array<i32>} : memref<50x64xf32, #tpu.memory_space<vmem>>, vector<1x16xf32>,
        %get3A_892 = vector.shape_cast %get3A_891 : vector<1x16xf32> to vector<16xf32>
        %add3A_893 = arith.constant 0 : i32
        %add3A_894 = arith.addi %add3A_893, %scan3A_858 : i32
        %swap3A_895 = arith.index_cast %add3A_894 : i32 to index
        %swap3A_896 = arith.constant 16 : index
        %swap3A_897 = tpu.vector_load %arg8[%swap3A_895, %swap3A_896] {strides = array<i32>} : memref<200x128xf32, #tpu.memory_space<vmem>>, vector<1x16xf32>,
        %swap3A_898 = vector.shape_cast %swap3A_897 : vector<1x16xf32> to vector<16xf32>
        %swap3A_899 = vector.shape_cast %get3A_892 : vector<16xf32> to vector<1x16xf32>
        tpu.vector_store %arg8[%swap3A_895, %swap3A_896], %swap3A_899 {add = true, strides = array<i32>} : memref<200x128xf32, #tpu.memory_space<vmem>>, vector<1x16xf32>,
        %add3A_900 = arith.constant 50 : i32
        %add3A_901 = arith.addi %add3A_900, %scan3A_858 : i32
        %swap3A_902 = arith.index_cast %add3A_901 : i32 to index
        %swap3A_903 = arith.constant 16 : index
        %swap3A_904 = tpu.vector_load %arg8[%swap3A_902, %swap3A_903] {strides = array<i32>} : memref<200x128xf32, #tpu.memory_space<vmem>>, vector<1x16xf32>,
        %swap3A_905 = vector.shape_cast %swap3A_904 : vector<1x16xf32> to vector<16xf32>
        %swap3A_906 = vector.shape_cast %get3A_892 : vector<16xf32> to vector<1x16xf32>
        tpu.vector_store %arg8[%swap3A_902, %swap3A_903], %swap3A_906 {add = true, strides = array<i32>} : memref<200x128xf32, #tpu.memory_space<vmem>>, vector<1x16xf32>,
        %add3A_907 = arith.constant 100 : i32
        %add3A_908 = arith.addi %add3A_907, %scan3A_858 : i32
        %swap3A_909 = arith.index_cast %add3A_908 : i32 to index
        %swap3A_910 = arith.constant 16 : index
        %swap3A_911 = tpu.vector_load %arg8[%swap3A_909, %swap3A_910] {strides = array<i32>} : memref<200x128xf32, #tpu.memory_space<vmem>>, vector<1x16xf32>,
        %swap3A_912 = vector.shape_cast %swap3A_911 : vector<1x16xf32> to vector<16xf32>
        %swap3A_913 = vector.shape_cast %get3A_892 : vector<16xf32> to vector<1x16xf32>
        tpu.vector_store %arg8[%swap3A_909, %swap3A_910], %swap3A_913 {add = true, strides = array<i32>} : memref<200x128xf32, #tpu.memory_space<vmem>>, vector<1x16xf32>,
        %add3A_914 = arith.constant 150 : i32
        %add3A_915 = arith.addi %add3A_914, %scan3A_858 : i32
        %swap3A_916 = arith.index_cast %add3A_915 : i32 to index
        %swap3A_917 = arith.constant 16 : index
        %swap3A_918 = tpu.vector_load %arg8[%swap3A_916, %swap3A_917] {strides = array<i32>} : memref<200x128xf32, #tpu.memory_space<vmem>>, vector<1x16xf32>,
        %swap3A_919 = vector.shape_cast %swap3A_918 : vector<1x16xf32> to vector<16xf32>
        %swap3A_920 = vector.shape_cast %get3A_892 : vector<16xf32> to vector<1x16xf32>
        tpu.vector_store %arg8[%swap3A_916, %swap3A_917], %swap3A_920 {add = true, strides = array<i32>} : memref<200x128xf32, #tpu.memory_space<vmem>>, vector<1x16xf32>,
        %get3A_921 = arith.index_cast %scan3A_858 : i32 to index
        %get3A_922 = arith.constant 32 : index
        %get3A_923 = tpu.vector_load %arg7[%get3A_921, %get3A_922] {strides = array<i32>} : memref<50x64xf32, #tpu.memory_space<vmem>>, vector<1x16xf32>,
        %get3A_924 = vector.shape_cast %get3A_923 : vector<1x16xf32> to vector<16xf32>
        %add3A_925 = arith.constant 0 : i32
        %add3A_926 = arith.addi %add3A_925, %scan3A_858 : i32
        %swap3A_927 = arith.index_cast %add3A_926 : i32 to index
        %swap3A_928 = arith.constant 32 : index
        %swap3A_929 = tpu.vector_load %arg8[%swap3A_927, %swap3A_928] {strides = array<i32>} : memref<200x128xf32, #tpu.memory_space<vmem>>, vector<1x16xf32>,
        %swap3A_930 = vector.shape_cast %swap3A_929 : vector<1x16xf32> to vector<16xf32>
        %swap3A_931 = vector.shape_cast %get3A_924 : vector<16xf32> to vector<1x16xf32>
        tpu.vector_store %arg8[%swap3A_927, %swap3A_928], %swap3A_931 {add = true, strides = array<i32>} : memref<200x128xf32, #tpu.memory_space<vmem>>, vector<1x16xf32>,
        %add3A_932 = arith.constant 50 : i32
        %add3A_933 = arith.addi %add3A_932, %scan3A_858 : i32
        %swap3A_934 = arith.index_cast %add3A_933 : i32 to index
        %swap3A_935 = arith.constant 32 : index
        %swap3A_936 = tpu.vector_load %arg8[%swap3A_934, %swap3A_935] {strides = array<i32>} : memref<200x128xf32, #tpu.memory_space<vmem>>, vector<1x16xf32>,
        %swap3A_937 = vector.shape_cast %swap3A_936 : vector<1x16xf32> to vector<16xf32>
        %swap3A_938 = vector.shape_cast %get3A_924 : vector<16xf32> to vector<1x16xf32>
        tpu.vector_store %arg8[%swap3A_934, %swap3A_935], %swap3A_938 {add = true, strides = array<i32>} : memref<200x128xf32, #tpu.memory_space<vmem>>, vector<1x16xf32>,
        %add3A_939 = arith.constant 100 : i32
        %add3A_940 = arith.addi %add3A_939, %scan3A_858 : i32
        %swap3A_941 = arith.index_cast %add3A_940 : i32 to index
        %swap3A_942 = arith.constant 32 : index
        %swap3A_943 = tpu.vector_load %arg8[%swap3A_941, %swap3A_942] {strides = array<i32>} : memref<200x128xf32, #tpu.memory_space<vmem>>, vector<1x16xf32>,
        %swap3A_944 = vector.shape_cast %swap3A_943 : vector<1x16xf32> to vector<16xf32>
        %swap3A_945 = vector.shape_cast %get3A_924 : vector<16xf32> to vector<1x16xf32>
        tpu.vector_store %arg8[%swap3A_941, %swap3A_942], %swap3A_945 {add = true, strides = array<i32>} : memref<200x128xf32, #tpu.memory_space<vmem>>, vector<1x16xf32>,
        %add3A_946 = arith.constant 150 : i32
        %add3A_947 = arith.addi %add3A_946, %scan3A_858 : i32
        %swap3A_948 = arith.index_cast %add3A_947 : i32 to index
        %swap3A_949 = arith.constant 32 : index
        %swap3A_950 = tpu.vector_load %arg8[%swap3A_948, %swap3A_949] {strides = array<i32>} : memref<200x128xf32, #tpu.memory_space<vmem>>, vector<1x16xf32>,
        %swap3A_951 = vector.shape_cast %swap3A_950 : vector<1x16xf32> to vector<16xf32>
        %swap3A_952 = vector.shape_cast %get3A_924 : vector<16xf32> to vector<1x16xf32>
        tpu.vector_store %arg8[%swap3A_948, %swap3A_949], %swap3A_952 {add = true, strides = array<i32>} : memref<200x128xf32, #tpu.memory_space<vmem>>, vector<1x16xf32>,
        %get3A_953 = arith.index_cast %scan3A_858 : i32 to index
        %get3A_954 = arith.constant 48 : index
        %get3A_955 = tpu.vector_load %arg7[%get3A_953, %get3A_954] {strides = array<i32>} : memref<50x64xf32, #tpu.memory_space<vmem>>, vector<1x16xf32>,
        %get3A_956 = vector.shape_cast %get3A_955 : vector<1x16xf32> to vector<16xf32>
        %add3A_957 = arith.constant 0 : i32
        %add3A_958 = arith.addi %add3A_957, %scan3A_858 : i32
        %swap3A_959 = arith.index_cast %add3A_958 : i32 to index
        %swap3A_960 = arith.constant 48 : index
        %swap3A_961 = tpu.vector_load %arg8[%swap3A_959, %swap3A_960] {strides = array<i32>} : memref<200x128xf32, #tpu.memory_space<vmem>>, vector<1x16xf32>,
        %swap3A_962 = vector.shape_cast %swap3A_961 : vector<1x16xf32> to vector<16xf32>
        %swap3A_963 = vector.shape_cast %get3A_956 : vector<16xf32> to vector<1x16xf32>
        tpu.vector_store %arg8[%swap3A_959, %swap3A_960], %swap3A_963 {add = true, strides = array<i32>} : memref<200x128xf32, #tpu.memory_space<vmem>>, vector<1x16xf32>,
        %add3A_964 = arith.constant 50 : i32
        %add3A_965 = arith.addi %add3A_964, %scan3A_858 : i32
        %swap3A_966 = arith.index_cast %add3A_965 : i32 to index
        %swap3A_967 = arith.constant 48 : index
        %swap3A_968 = tpu.vector_load %arg8[%swap3A_966, %swap3A_967] {strides = array<i32>} : memref<200x128xf32, #tpu.memory_space<vmem>>, vector<1x16xf32>,
        %swap3A_969 = vector.shape_cast %swap3A_968 : vector<1x16xf32> to vector<16xf32>
        %swap3A_970 = vector.shape_cast %get3A_956 : vector<16xf32> to vector<1x16xf32>
        tpu.vector_store %arg8[%swap3A_966, %swap3A_967], %swap3A_970 {add = true, strides = array<i32>} : memref<200x128xf32, #tpu.memory_space<vmem>>, vector<1x16xf32>,
        %add3A_971 = arith.constant 100 : i32
        %add3A_972 = arith.addi %add3A_971, %scan3A_858 : i32
        %swap3A_973 = arith.index_cast %add3A_972 : i32 to index
        %swap3A_974 = arith.constant 48 : index
        %swap3A_975 = tpu.vector_load %arg8[%swap3A_973, %swap3A_974] {strides = array<i32>} : memref<200x128xf32, #tpu.memory_space<vmem>>, vector<1x16xf32>,
        %swap3A_976 = vector.shape_cast %swap3A_975 : vector<1x16xf32> to vector<16xf32>
        %swap3A_977 = vector.shape_cast %get3A_956 : vector<16xf32> to vector<1x16xf32>
        tpu.vector_store %arg8[%swap3A_973, %swap3A_974], %swap3A_977 {add = true, strides = array<i32>} : memref<200x128xf32, #tpu.memory_space<vmem>>, vector<1x16xf32>,
        %add3A_978 = arith.constant 150 : i32
        %add3A_979 = arith.addi %add3A_978, %scan3A_858 : i32
        %swap3A_980 = arith.index_cast %add3A_979 : i32 to index
        %swap3A_981 = arith.constant 48 : index
        %swap3A_982 = tpu.vector_load %arg8[%swap3A_980, %swap3A_981] {strides = array<i32>} : memref<200x128xf32, #tpu.memory_space<vmem>>, vector<1x16xf32>,
        %swap3A_983 = vector.shape_cast %swap3A_982 : vector<1x16xf32> to vector<16xf32>
        %swap3A_984 = vector.shape_cast %get3A_956 : vector<16xf32> to vector<1x16xf32>
        tpu.vector_store %arg8[%swap3A_980, %swap3A_981], %swap3A_984 {add = true, strides = array<i32>} : memref<200x128xf32, #tpu.memory_space<vmem>>, vector<1x16xf32>,
      }
      %scan3A_124 = arith.constant 50 : i32
      %mul3A_125 = arith.constant 4 : i32
      %mul3A_126 = arith.muli %add3A_93, %mul3A_125 : i32
      %add3A_127 = arith.addi %mul3A_4, %mul3A_126 : i32
      %add3A_128 = arith.constant 0 : i32
      %add3A_129 = arith.addi %add3A_127, %add3A_128 : i32
      %dma_start3A_130 = arith.constant 0 : i32
      %dma_start3A_131 = arith.constant 0 : i32
      %dma_start3A_132 = tpu.memref_slice %arg8[%dma_start3A_130, %dma_start3A_131] : memref<200x128xf32, #tpu.memory_space<vmem>> -> memref<50x128xf32, #tpu.memory_space<vmem>>
      %dma_start3A_133 = arith.constant 0 : i32
      %dma_start3A_134 = arith.constant 0 : i32
      %dma_start3A_135 = tpu.memref_slice %arg5[%add3A_129, %dma_start3A_133, %dma_start3A_134] : memref<4096x50x128xf32, #tpu.memory_space<hbm>> -> memref<1x50x128xf32, #tpu.memory_space<hbm>>
      %dma_start3A_136 = tpu.memref_squeeze %dma_start3A_135 : memref<1x50x128xf32, #tpu.memory_space<hbm>> -> memref<50x128xf32, #tpu.memory_space<hbm>>
      %dma_start3A_137 = arith.constant 0 : i32
      %dma_start3A_138 = arith.constant 0 : i32
      %dma_start3A_139 = tpu.memref_slice %arg5[%add3A_129, %dma_start3A_137, %dma_start3A_138] : memref<4096x50x128xf32, #tpu.memory_space<hbm>> -> memref<1x50x128xf32, #tpu.memory_space<hbm>>
      %dma_start3A_140 = tpu.memref_squeeze %dma_start3A_139 : memref<1x50x128xf32, #tpu.memory_space<hbm>> -> memref<50x128xf32, #tpu.memory_space<hbm>>
      %dma_start3A_141 = arith.constant 0 : i32
      %dma_start3A_142 = arith.constant 0 : i32
      %dma_start3A_143 = tpu.memref_slice %arg8[%dma_start3A_141, %dma_start3A_142] : memref<200x128xf32, #tpu.memory_space<vmem>> -> memref<50x128xf32, #tpu.memory_space<vmem>>
      tpu.enqueue_dma source(%dma_start3A_143 : memref<50x128xf32, #tpu.memory_space<vmem>>) target(%dma_start3A_140 : memref<50x128xf32, #tpu.memory_space<hbm>>) target_semaphore(%arg16 : memref<!tpu.dma_semaphore, #tpu.memory_space<semaphore_mem>>)
      %mul3A_144 = arith.constant 4 : i32
      %mul3A_145 = arith.muli %add3A_93, %mul3A_144 : i32
      %add3A_146 = arith.addi %mul3A_4, %mul3A_145 : i32
      %add3A_147 = arith.constant 1 : i32
      %add3A_148 = arith.addi %add3A_146, %add3A_147 : i32
      %dma_start3A_149 = arith.constant 50 : i32
      %dma_start3A_150 = arith.constant 0 : i32
      %dma_start3A_151 = tpu.memref_slice %arg8[%dma_start3A_149, %dma_start3A_150] : memref<200x128xf32, #tpu.memory_space<vmem>> -> memref<50x128xf32, #tpu.memory_space<vmem>>
      %dma_start3A_152 = arith.constant 0 : i32
      %dma_start3A_153 = arith.constant 0 : i32
      %dma_start3A_154 = tpu.memref_slice %arg5[%add3A_148, %dma_start3A_152, %dma_start3A_153] : memref<4096x50x128xf32, #tpu.memory_space<hbm>> -> memref<1x50x128xf32, #tpu.memory_space<hbm>>
      %dma_start3A_155 = tpu.memref_squeeze %dma_start3A_154 : memref<1x50x128xf32, #tpu.memory_space<hbm>> -> memref<50x128xf32, #tpu.memory_space<hbm>>
      %dma_start3A_156 = arith.constant 0 : i32
      %dma_start3A_157 = arith.constant 0 : i32
      %dma_start3A_158 = tpu.memref_slice %arg5[%add3A_148, %dma_start3A_156, %dma_start3A_157] : memref<4096x50x128xf32, #tpu.memory_space<hbm>> -> memref<1x50x128xf32, #tpu.memory_space<hbm>>
      %dma_start3A_159 = tpu.memref_squeeze %dma_start3A_158 : memref<1x50x128xf32, #tpu.memory_space<hbm>> -> memref<50x128xf32, #tpu.memory_space<hbm>>
      %dma_start3A_160 = arith.constant 50 : i32
      %dma_start3A_161 = arith.constant 0 : i32
      %dma_start3A_162 = tpu.memref_slice %arg8[%dma_start3A_160, %dma_start3A_161] : memref<200x128xf32, #tpu.memory_space<vmem>> -> memref<50x128xf32, #tpu.memory_space<vmem>>
      tpu.enqueue_dma source(%dma_start3A_162 : memref<50x128xf32, #tpu.memory_space<vmem>>) target(%dma_start3A_159 : memref<50x128xf32, #tpu.memory_space<hbm>>) target_semaphore(%arg16 : memref<!tpu.dma_semaphore, #tpu.memory_space<semaphore_mem>>)
      %mul3A_163 = arith.constant 4 : i32
      %mul3A_164 = arith.muli %add3A_93, %mul3A_163 : i32
      %add3A_165 = arith.addi %mul3A_4, %mul3A_164 : i32
      %add3A_166 = arith.constant 2 : i32
      %add3A_167 = arith.addi %add3A_165, %add3A_166 : i32
      %dma_start3A_168 = arith.constant 100 : i32
      %dma_start3A_169 = arith.constant 0 : i32
      %dma_start3A_170 = tpu.memref_slice %arg8[%dma_start3A_168, %dma_start3A_169] : memref<200x128xf32, #tpu.memory_space<vmem>> -> memref<50x128xf32, #tpu.memory_space<vmem>>
      %dma_start3A_171 = arith.constant 0 : i32
      %dma_start3A_172 = arith.constant 0 : i32
      %dma_start3A_173 = tpu.memref_slice %arg5[%add3A_167, %dma_start3A_171, %dma_start3A_172] : memref<4096x50x128xf32, #tpu.memory_space<hbm>> -> memref<1x50x128xf32, #tpu.memory_space<hbm>>
      %dma_start3A_174 = tpu.memref_squeeze %dma_start3A_173 : memref<1x50x128xf32, #tpu.memory_space<hbm>> -> memref<50x128xf32, #tpu.memory_space<hbm>>
      %dma_start3A_175 = arith.constant 0 : i32
      %dma_start3A_176 = arith.constant 0 : i32
      %dma_start3A_177 = tpu.memref_slice %arg5[%add3A_167, %dma_start3A_175, %dma_start3A_176] : memref<4096x50x128xf32, #tpu.memory_space<hbm>> -> memref<1x50x128xf32, #tpu.memory_space<hbm>>
      %dma_start3A_178 = tpu.memref_squeeze %dma_start3A_177 : memref<1x50x128xf32, #tpu.memory_space<hbm>> -> memref<50x128xf32, #tpu.memory_space<hbm>>
      %dma_start3A_179 = arith.constant 100 : i32
      %dma_start3A_180 = arith.constant 0 : i32
      %dma_start3A_181 = tpu.memref_slice %arg8[%dma_start3A_179, %dma_start3A_180] : memref<200x128xf32, #tpu.memory_space<vmem>> -> memref<50x128xf32, #tpu.memory_space<vmem>>
      tpu.enqueue_dma source(%dma_start3A_181 : memref<50x128xf32, #tpu.memory_space<vmem>>) target(%dma_start3A_178 : memref<50x128xf32, #tpu.memory_space<hbm>>) target_semaphore(%arg16 : memref<!tpu.dma_semaphore, #tpu.memory_space<semaphore_mem>>)
      %mul3A_182 = arith.constant 4 : i32
      %mul3A_183 = arith.muli %add3A_93, %mul3A_182 : i32
      %add3A_184 = arith.addi %mul3A_4, %mul3A_183 : i32
      %add3A_185 = arith.constant 3 : i32
      %add3A_186 = arith.addi %add3A_184, %add3A_185 : i32
      %dma_start3A_187 = arith.constant 150 : i32
      %dma_start3A_188 = arith.constant 0 : i32
      %dma_start3A_189 = tpu.memref_slice %arg8[%dma_start3A_187, %dma_start3A_188] : memref<200x128xf32, #tpu.memory_space<vmem>> -> memref<50x128xf32, #tpu.memory_space<vmem>>
      %dma_start3A_190 = arith.constant 0 : i32
      %dma_start3A_191 = arith.constant 0 : i32
      %dma_start3A_192 = tpu.memref_slice %arg5[%add3A_186, %dma_start3A_190, %dma_start3A_191] : memref<4096x50x128xf32, #tpu.memory_space<hbm>> -> memref<1x50x128xf32, #tpu.memory_space<hbm>>
      %dma_start3A_193 = tpu.memref_squeeze %dma_start3A_192 : memref<1x50x128xf32, #tpu.memory_space<hbm>> -> memref<50x128xf32, #tpu.memory_space<hbm>>
      %dma_start3A_194 = arith.constant 0 : i32
      %dma_start3A_195 = arith.constant 0 : i32
      %dma_start3A_196 = tpu.memref_slice %arg5[%add3A_186, %dma_start3A_194, %dma_start3A_195] : memref<4096x50x128xf32, #tpu.memory_space<hbm>> -> memref<1x50x128xf32, #tpu.memory_space<hbm>>
      %dma_start3A_197 = tpu.memref_squeeze %dma_start3A_196 : memref<1x50x128xf32, #tpu.memory_space<hbm>> -> memref<50x128xf32, #tpu.memory_space<hbm>>
      %dma_start3A_198 = arith.constant 150 : i32
      %dma_start3A_199 = arith.constant 0 : i32
      %dma_start3A_200 = tpu.memref_slice %arg8[%dma_start3A_198, %dma_start3A_199] : memref<200x128xf32, #tpu.memory_space<vmem>> -> memref<50x128xf32, #tpu.memory_space<vmem>>
      tpu.enqueue_dma source(%dma_start3A_200 : memref<50x128xf32, #tpu.memory_space<vmem>>) target(%dma_start3A_197 : memref<50x128xf32, #tpu.memory_space<hbm>>) target_semaphore(%arg16 : memref<!tpu.dma_semaphore, #tpu.memory_space<semaphore_mem>>)
      %mul3A_201 = arith.constant 4 : i32
      %mul3A_202 = arith.muli %add3A_93, %mul3A_201 : i32
      %add3A_203 = arith.addi %mul3A_4, %mul3A_202 : i32
      %add3A_204 = arith.constant 0 : i32
      %add3A_205 = arith.addi %add3A_203, %add3A_204 : i32
      %dma_wait3A_206 = arith.constant 0 : i32
      %dma_wait3A_207 = arith.constant 0 : i32
      %dma_wait3A_208 = tpu.memref_slice %arg8[%dma_wait3A_206, %dma_wait3A_207] : memref<200x128xf32, #tpu.memory_space<vmem>> -> memref<50x128xf32, #tpu.memory_space<vmem>>
      %dma_wait3A_209 = arith.constant 0 : i32
      %dma_wait3A_210 = arith.constant 0 : i32
      %dma_wait3A_211 = tpu.memref_slice %arg5[%add3A_205, %dma_wait3A_209, %dma_wait3A_210] : memref<4096x50x128xf32, #tpu.memory_space<hbm>> -> memref<1x50x128xf32, #tpu.memory_space<hbm>>
      %dma_wait3A_212 = tpu.memref_squeeze %dma_wait3A_211 : memref<1x50x128xf32, #tpu.memory_space<hbm>> -> memref<50x128xf32, #tpu.memory_space<hbm>>
      %dma_wait3A_213 = arith.constant 0 : i32
      %dma_wait3A_214 = arith.constant 0 : i32
      %dma_wait3A_215 = tpu.memref_slice %arg5[%add3A_205, %dma_wait3A_213, %dma_wait3A_214] : memref<4096x50x128xf32, #tpu.memory_space<hbm>> -> memref<1x50x128xf32, #tpu.memory_space<hbm>>
      %dma_wait3A_216 = tpu.memref_squeeze %dma_wait3A_215 : memref<1x50x128xf32, #tpu.memory_space<hbm>> -> memref<50x128xf32, #tpu.memory_space<hbm>>
      %dma_wait3A_217 = arith.constant 0 : i32
      %dma_wait3A_218 = arith.constant 0 : i32
      %dma_wait3A_219 = tpu.memref_slice %arg8[%dma_wait3A_217, %dma_wait3A_218] : memref<200x128xf32, #tpu.memory_space<vmem>> -> memref<50x128xf32, #tpu.memory_space<vmem>>
      tpu.wait_dma2 semaphore(%arg16 : memref<!tpu.dma_semaphore, #tpu.memory_space<semaphore_mem>>) src(%dma_wait3A_219 : memref<50x128xf32, #tpu.memory_space<vmem>>) dst(%dma_wait3A_216 : memref<50x128xf32, #tpu.memory_space<hbm>>)
      %mul3A_220 = arith.constant 4 : i32
      %mul3A_221 = arith.muli %add3A_93, %mul3A_220 : i32
      %add3A_222 = arith.addi %mul3A_4, %mul3A_221 : i32
      %add3A_223 = arith.constant 1 : i32
      %add3A_224 = arith.addi %add3A_222, %add3A_223 : i32
      %dma_wait3A_225 = arith.constant 50 : i32
      %dma_wait3A_226 = arith.constant 0 : i32
      %dma_wait3A_227 = tpu.memref_slice %arg8[%dma_wait3A_225, %dma_wait3A_226] : memref<200x128xf32, #tpu.memory_space<vmem>> -> memref<50x128xf32, #tpu.memory_space<vmem>>
      %dma_wait3A_228 = arith.constant 0 : i32
      %dma_wait3A_229 = arith.constant 0 : i32
      %dma_wait3A_230 = tpu.memref_slice %arg5[%add3A_224, %dma_wait3A_228, %dma_wait3A_229] : memref<4096x50x128xf32, #tpu.memory_space<hbm>> -> memref<1x50x128xf32, #tpu.memory_space<hbm>>
      %dma_wait3A_231 = tpu.memref_squeeze %dma_wait3A_230 : memref<1x50x128xf32, #tpu.memory_space<hbm>> -> memref<50x128xf32, #tpu.memory_space<hbm>>
      %dma_wait3A_232 = arith.constant 0 : i32
      %dma_wait3A_233 = arith.constant 0 : i32
      %dma_wait3A_234 = tpu.memref_slice %arg5[%add3A_224, %dma_wait3A_232, %dma_wait3A_233] : memref<4096x50x128xf32, #tpu.memory_space<hbm>> -> memref<1x50x128xf32, #tpu.memory_space<hbm>>
      %dma_wait3A_235 = tpu.memref_squeeze %dma_wait3A_234 : memref<1x50x128xf32, #tpu.memory_space<hbm>> -> memref<50x128xf32, #tpu.memory_space<hbm>>
      %dma_wait3A_236 = arith.constant 50 : i32
      %dma_wait3A_237 = arith.constant 0 : i32
      %dma_wait3A_238 = tpu.memref_slice %arg8[%dma_wait3A_236, %dma_wait3A_237] : memref<200x128xf32, #tpu.memory_space<vmem>> -> memref<50x128xf32, #tpu.memory_space<vmem>>
      tpu.wait_dma2 semaphore(%arg16 : memref<!tpu.dma_semaphore, #tpu.memory_space<semaphore_mem>>) src(%dma_wait3A_238 : memref<50x128xf32, #tpu.memory_space<vmem>>) dst(%dma_wait3A_235 : memref<50x128xf32, #tpu.memory_space<hbm>>)
      %mul3A_239 = arith.constant 4 : i32
      %mul3A_240 = arith.muli %add3A_93, %mul3A_239 : i32
      %add3A_241 = arith.addi %mul3A_4, %mul3A_240 : i32
      %add3A_242 = arith.constant 2 : i32
      %add3A_243 = arith.addi %add3A_241, %add3A_242 : i32
      %dma_wait3A_244 = arith.constant 100 : i32
      %dma_wait3A_245 = arith.constant 0 : i32
      %dma_wait3A_246 = tpu.memref_slice %arg8[%dma_wait3A_244, %dma_wait3A_245] : memref<200x128xf32, #tpu.memory_space<vmem>> -> memref<50x128xf32, #tpu.memory_space<vmem>>
      %dma_wait3A_247 = arith.constant 0 : i32
      %dma_wait3A_248 = arith.constant 0 : i32
      %dma_wait3A_249 = tpu.memref_slice %arg5[%add3A_243, %dma_wait3A_247, %dma_wait3A_248] : memref<4096x50x128xf32, #tpu.memory_space<hbm>> -> memref<1x50x128xf32, #tpu.memory_space<hbm>>
      %dma_wait3A_250 = tpu.memref_squeeze %dma_wait3A_249 : memref<1x50x128xf32, #tpu.memory_space<hbm>> -> memref<50x128xf32, #tpu.memory_space<hbm>>
      %dma_wait3A_251 = arith.constant 0 : i32
      %dma_wait3A_252 = arith.constant 0 : i32
      %dma_wait3A_253 = tpu.memref_slice %arg5[%add3A_243, %dma_wait3A_251, %dma_wait3A_252] : memref<4096x50x128xf32, #tpu.memory_space<hbm>> -> memref<1x50x128xf32, #tpu.memory_space<hbm>>
      %dma_wait3A_254 = tpu.memref_squeeze %dma_wait3A_253 : memref<1x50x128xf32, #tpu.memory_space<hbm>> -> memref<50x128xf32, #tpu.memory_space<hbm>>
      %dma_wait3A_255 = arith.constant 100 : i32
      %dma_wait3A_256 = arith.constant 0 : i32
      %dma_wait3A_257 = tpu.memref_slice %arg8[%dma_wait3A_255, %dma_wait3A_256] : memref<200x128xf32, #tpu.memory_space<vmem>> -> memref<50x128xf32, #tpu.memory_space<vmem>>
      tpu.wait_dma2 semaphore(%arg16 : memref<!tpu.dma_semaphore, #tpu.memory_space<semaphore_mem>>) src(%dma_wait3A_257 : memref<50x128xf32, #tpu.memory_space<vmem>>) dst(%dma_wait3A_254 : memref<50x128xf32, #tpu.memory_space<hbm>>)
      %mul3A_258 = arith.constant 4 : i32
      %mul3A_259 = arith.muli %add3A_93, %mul3A_258 : i32
      %add3A_260 = arith.addi %mul3A_4, %mul3A_259 : i32
      %add3A_261 = arith.constant 3 : i32
      %add3A_262 = arith.addi %add3A_260, %add3A_261 : i32
      %dma_wait3A_263 = arith.constant 150 : i32
      %dma_wait3A_264 = arith.constant 0 : i32
      %dma_wait3A_265 = tpu.memref_slice %arg8[%dma_wait3A_263, %dma_wait3A_264] : memref<200x128xf32, #tpu.memory_space<vmem>> -> memref<50x128xf32, #tpu.memory_space<vmem>>
      %dma_wait3A_266 = arith.constant 0 : i32
      %dma_wait3A_267 = arith.constant 0 : i32
      %dma_wait3A_268 = tpu.memref_slice %arg5[%add3A_262, %dma_wait3A_266, %dma_wait3A_267] : memref<4096x50x128xf32, #tpu.memory_space<hbm>> -> memref<1x50x128xf32, #tpu.memory_space<hbm>>
      %dma_wait3A_269 = tpu.memref_squeeze %dma_wait3A_268 : memref<1x50x128xf32, #tpu.memory_space<hbm>> -> memref<50x128xf32, #tpu.memory_space<hbm>>
      %dma_wait3A_270 = arith.constant 0 : i32
      %dma_wait3A_271 = arith.constant 0 : i32
      %dma_wait3A_272 = tpu.memref_slice %arg5[%add3A_262, %dma_wait3A_270, %dma_wait3A_271] : memref<4096x50x128xf32, #tpu.memory_space<hbm>> -> memref<1x50x128xf32, #tpu.memory_space<hbm>>
      %dma_wait3A_273 = tpu.memref_squeeze %dma_wait3A_272 : memref<1x50x128xf32, #tpu.memory_space<hbm>> -> memref<50x128xf32, #tpu.memory_space<hbm>>
      %dma_wait3A_274 = arith.constant 150 : i32
      %dma_wait3A_275 = arith.constant 0 : i32
      %dma_wait3A_276 = tpu.memref_slice %arg8[%dma_wait3A_274, %dma_wait3A_275] : memref<200x128xf32, #tpu.memory_space<vmem>> -> memref<50x128xf32, #tpu.memory_space<vmem>>
      tpu.wait_dma2 semaphore(%arg16 : memref<!tpu.dma_semaphore, #tpu.memory_space<semaphore_mem>>) src(%dma_wait3A_276 : memref<50x128xf32, #tpu.memory_space<vmem>>) dst(%dma_wait3A_273 : memref<50x128xf32, #tpu.memory_space<hbm>>)
      %lt3A = arith.constant 7 : i32
      %lt3A_277 = arith.cmpi slt, %scan3A_89, %lt3A : i32
      %convert_element_type3A = arith.extui %lt3A_277 : i1 to i32
      %cond3A = arith.constant 0 : i32
      %cond3A_278 = arith.cmpi ne, %convert_element_type3A, %cond3A : i32
      scf.if %cond3A_278 {
        %add3A_858 = arith.constant 4 : i32
        %add3A_859 = arith.addi %add3A_93, %add3A_858 : i32
        %mul3A_860 = arith.constant 2 : i32
        %mul3A_861 = arith.muli %add3A_859, %mul3A_860 : i32
        %add3A_862 = arith.constant 0 : i32
        %add3A_863 = arith.addi %mul3A_861, %add3A_862 : i32
        %dma_start3A_864 = arith.constant 0 : i32
        %dma_start3A_865 = arith.constant 0 : i32
        %dma_start3A_866 = tpu.memref_slice %arg8[%dma_start3A_864, %dma_start3A_865] : memref<200x128xf32, #tpu.memory_space<vmem>> -> memref<100x128xf32, #tpu.memory_space<vmem>>
        %dma_start3A_867 = arith.constant 0 : i32
        %dma_start3A_868 = tpu.memref_slice %arg6[%add3A_863, %dma_start3A_867] : memref<64x100xi32, #tpu.memory_space<vmem>> -> memref<1x100xi32, #tpu.memory_space<vmem>>
        %dma_start3A_869 = tpu.memref_squeeze %dma_start3A_868 : memref<1x100xi32, #tpu.memory_space<vmem>> -> memref<100xi32, #tpu.memory_space<vmem>>
        %dma_start3A_870 = arith.constant 0 : i32
        %dma_start3A_871 = arith.constant 0 : i32
        %dma_start3A_872 = tpu.memref_slice %arg3[%dma_start3A_870, %dma_start3A_871] : memref<1000002x128xf32, #tpu.memory_space<hbm>> -> memref<1000002x128xf32, #tpu.memory_space<hbm>>
        tpu.enqueue_indirect_dma source(%dma_start3A_872 : memref<1000002x128xf32, #tpu.memory_space<hbm>>) target(%dma_start3A_866 : memref<100x128xf32, #tpu.memory_space<vmem>>) offsets(%dma_start3A_869 : memref<100xi32, #tpu.memory_space<vmem>>) semaphore(%arg12 : memref<!tpu.dma_semaphore, #tpu.memory_space<semaphore_mem>>)
        %mul3A_873 = arith.constant 2 : i32
        %mul3A_874 = arith.muli %add3A_859, %mul3A_873 : i32
        %add3A_875 = arith.constant 1 : i32
        %add3A_876 = arith.addi %mul3A_874, %add3A_875 : i32
        %dma_start3A_877 = arith.constant 100 : i32
        %dma_start3A_878 = arith.constant 0 : i32
        %dma_start3A_879 = tpu.memref_slice %arg8[%dma_start3A_877, %dma_start3A_878] : memref<200x128xf32, #tpu.memory_space<vmem>> -> memref<100x128xf32, #tpu.memory_space<vmem>>
        %dma_start3A_880 = arith.constant 0 : i32
        %dma_start3A_881 = tpu.memref_slice %arg6[%add3A_876, %dma_start3A_880] : memref<64x100xi32, #tpu.memory_space<vmem>> -> memref<1x100xi32, #tpu.memory_space<vmem>>
        %dma_start3A_882 = tpu.memref_squeeze %dma_start3A_881 : memref<1x100xi32, #tpu.memory_space<vmem>> -> memref<100xi32, #tpu.memory_space<vmem>>
        %dma_start3A_883 = arith.constant 0 : i32
        %dma_start3A_884 = arith.constant 0 : i32
        %dma_start3A_885 = tpu.memref_slice %arg3[%dma_start3A_883, %dma_start3A_884] : memref<1000002x128xf32, #tpu.memory_space<hbm>> -> memref<1000002x128xf32, #tpu.memory_space<hbm>>
        tpu.enqueue_indirect_dma source(%dma_start3A_885 : memref<1000002x128xf32, #tpu.memory_space<hbm>>) target(%dma_start3A_879 : memref<100x128xf32, #tpu.memory_space<vmem>>) offsets(%dma_start3A_882 : memref<100xi32, #tpu.memory_space<vmem>>) semaphore(%arg12 : memref<!tpu.dma_semaphore, #tpu.memory_space<semaphore_mem>>)
      } else {
      }
      %mul3A_279 = arith.constant 4 : i32
      %mul3A_280 = arith.muli %scan3A_89, %mul3A_279 : i32
      %add3A_281 = arith.constant 1 : i32
      %add3A_282 = arith.addi %mul3A_280, %add3A_281 : i32
      %mul3A_283 = arith.constant 2 : i32
      %mul3A_284 = arith.muli %add3A_282, %mul3A_283 : i32
      %add3A_285 = arith.constant 0 : i32
      %add3A_286 = arith.addi %mul3A_284, %add3A_285 : i32
      %dma_wait3A_287 = arith.constant 0 : i32
      %dma_wait3A_288 = arith.constant 0 : i32
      %dma_wait3A_289 = tpu.memref_slice %arg9[%dma_wait3A_287, %dma_wait3A_288] : memref<200x128xf32, #tpu.memory_space<vmem>> -> memref<100x128xf32, #tpu.memory_space<vmem>>
      %dma_wait3A_290 = arith.constant 0 : i32
      %dma_wait3A_291 = tpu.memref_slice %arg6[%add3A_286, %dma_wait3A_290] : memref<64x100xi32, #tpu.memory_space<vmem>> -> memref<1x100xi32, #tpu.memory_space<vmem>>
      %dma_wait3A_292 = tpu.memref_squeeze %dma_wait3A_291 : memref<1x100xi32, #tpu.memory_space<vmem>> -> memref<100xi32, #tpu.memory_space<vmem>>
      %dma_wait3A_293 = arith.constant 0 : i32
      %dma_wait3A_294 = arith.constant 0 : i32
      %dma_wait3A_295 = tpu.memref_slice %arg3[%dma_wait3A_293, %dma_wait3A_294] : memref<1000002x128xf32, #tpu.memory_space<hbm>> -> memref<1000002x128xf32, #tpu.memory_space<hbm>>
      tpu.wait_indirect_dma semaphore(%arg13 : memref<!tpu.dma_semaphore, #tpu.memory_space<semaphore_mem>>) src(%dma_wait3A_295 : memref<1000002x128xf32, #tpu.memory_space<hbm>>) dst(%dma_wait3A_289 : memref<100x128xf32, #tpu.memory_space<vmem>>)
      %mul3A_296 = arith.constant 2 : i32
      %mul3A_297 = arith.muli %add3A_282, %mul3A_296 : i32
      %add3A_298 = arith.constant 1 : i32
      %add3A_299 = arith.addi %mul3A_297, %add3A_298 : i32
      %dma_wait3A_300 = arith.constant 100 : i32
      %dma_wait3A_301 = arith.constant 0 : i32
      %dma_wait3A_302 = tpu.memref_slice %arg9[%dma_wait3A_300, %dma_wait3A_301] : memref<200x128xf32, #tpu.memory_space<vmem>> -> memref<100x128xf32, #tpu.memory_space<vmem>>
      %dma_wait3A_303 = arith.constant 0 : i32
      %dma_wait3A_304 = tpu.memref_slice %arg6[%add3A_299, %dma_wait3A_303] : memref<64x100xi32, #tpu.memory_space<vmem>> -> memref<1x100xi32, #tpu.memory_space<vmem>>
      %dma_wait3A_305 = tpu.memref_squeeze %dma_wait3A_304 : memref<1x100xi32, #tpu.memory_space<vmem>> -> memref<100xi32, #tpu.memory_space<vmem>>
      %dma_wait3A_306 = arith.constant 0 : i32
      %dma_wait3A_307 = arith.constant 0 : i32
      %dma_wait3A_308 = tpu.memref_slice %arg3[%dma_wait3A_306, %dma_wait3A_307] : memref<1000002x128xf32, #tpu.memory_space<hbm>> -> memref<1000002x128xf32, #tpu.memory_space<hbm>>
      tpu.wait_indirect_dma semaphore(%arg13 : memref<!tpu.dma_semaphore, #tpu.memory_space<semaphore_mem>>) src(%dma_wait3A_308 : memref<1000002x128xf32, #tpu.memory_space<hbm>>) dst(%dma_wait3A_302 : memref<100x128xf32, #tpu.memory_space<vmem>>)
      %scan3A_309 = arith.constant 0 : i32
      %scan3A_310 = arith.constant 0 : i32
      %scan3A_311 = arith.constant 50 : i32
      %scan3A_312 = arith.addi %scan3A_310, %scan3A_311 : i32
      %scan3A_313 = arith.constant 1 : i32
      scf.for %scan3A_858 = %scan3A_310 to %scan3A_312 step %scan3A_313  : i32 {
        %get3A = arith.index_cast %scan3A_858 : i32 to index
        %get3A_859 = arith.constant 0 : index
        %get3A_860 = tpu.vector_load %arg7[%get3A, %get3A_859] {strides = array<i32>} : memref<50x64xf32, #tpu.memory_space<vmem>>, vector<1x16xf32>,
        %get3A_861 = vector.shape_cast %get3A_860 : vector<1x16xf32> to vector<16xf32>
        %add3A_862 = arith.constant 0 : i32
        %add3A_863 = arith.addi %add3A_862, %scan3A_858 : i32
        %swap3A = arith.index_cast %add3A_863 : i32 to index
        %swap3A_864 = arith.constant 0 : index
        %swap3A_865 = tpu.vector_load %arg9[%swap3A, %swap3A_864] {strides = array<i32>} : memref<200x128xf32, #tpu.memory_space<vmem>>, vector<1x16xf32>,
        %swap3A_866 = vector.shape_cast %swap3A_865 : vector<1x16xf32> to vector<16xf32>
        %swap3A_867 = vector.shape_cast %get3A_861 : vector<16xf32> to vector<1x16xf32>
        tpu.vector_store %arg9[%swap3A, %swap3A_864], %swap3A_867 {add = true, strides = array<i32>} : memref<200x128xf32, #tpu.memory_space<vmem>>, vector<1x16xf32>,
        %add3A_868 = arith.constant 50 : i32
        %add3A_869 = arith.addi %add3A_868, %scan3A_858 : i32
        %swap3A_870 = arith.index_cast %add3A_869 : i32 to index
        %swap3A_871 = arith.constant 0 : index
        %swap3A_872 = tpu.vector_load %arg9[%swap3A_870, %swap3A_871] {strides = array<i32>} : memref<200x128xf32, #tpu.memory_space<vmem>>, vector<1x16xf32>,
        %swap3A_873 = vector.shape_cast %swap3A_872 : vector<1x16xf32> to vector<16xf32>
        %swap3A_874 = vector.shape_cast %get3A_861 : vector<16xf32> to vector<1x16xf32>
        tpu.vector_store %arg9[%swap3A_870, %swap3A_871], %swap3A_874 {add = true, strides = array<i32>} : memref<200x128xf32, #tpu.memory_space<vmem>>, vector<1x16xf32>,
        %add3A_875 = arith.constant 100 : i32
        %add3A_876 = arith.addi %add3A_875, %scan3A_858 : i32
        %swap3A_877 = arith.index_cast %add3A_876 : i32 to index
        %swap3A_878 = arith.constant 0 : index
        %swap3A_879 = tpu.vector_load %arg9[%swap3A_877, %swap3A_878] {strides = array<i32>} : memref<200x128xf32, #tpu.memory_space<vmem>>, vector<1x16xf32>,
        %swap3A_880 = vector.shape_cast %swap3A_879 : vector<1x16xf32> to vector<16xf32>
        %swap3A_881 = vector.shape_cast %get3A_861 : vector<16xf32> to vector<1x16xf32>
        tpu.vector_store %arg9[%swap3A_877, %swap3A_878], %swap3A_881 {add = true, strides = array<i32>} : memref<200x128xf32, #tpu.memory_space<vmem>>, vector<1x16xf32>,
        %add3A_882 = arith.constant 150 : i32
        %add3A_883 = arith.addi %add3A_882, %scan3A_858 : i32
        %swap3A_884 = arith.index_cast %add3A_883 : i32 to index
        %swap3A_885 = arith.constant 0 : index
        %swap3A_886 = tpu.vector_load %arg9[%swap3A_884, %swap3A_885] {strides = array<i32>} : memref<200x128xf32, #tpu.memory_space<vmem>>, vector<1x16xf32>,
        %swap3A_887 = vector.shape_cast %swap3A_886 : vector<1x16xf32> to vector<16xf32>
        %swap3A_888 = vector.shape_cast %get3A_861 : vector<16xf32> to vector<1x16xf32>
        tpu.vector_store %arg9[%swap3A_884, %swap3A_885], %swap3A_888 {add = true, strides = array<i32>} : memref<200x128xf32, #tpu.memory_space<vmem>>, vector<1x16xf32>,
        %get3A_889 = arith.index_cast %scan3A_858 : i32 to index
        %get3A_890 = arith.constant 16 : index
        %get3A_891 = tpu.vector_load %arg7[%get3A_889, %get3A_890] {strides = array<i32>} : memref<50x64xf32, #tpu.memory_space<vmem>>, vector<1x16xf32>,
        %get3A_892 = vector.shape_cast %get3A_891 : vector<1x16xf32> to vector<16xf32>
        %add3A_893 = arith.constant 0 : i32
        %add3A_894 = arith.addi %add3A_893, %scan3A_858 : i32
        %swap3A_895 = arith.index_cast %add3A_894 : i32 to index
        %swap3A_896 = arith.constant 16 : index
        %swap3A_897 = tpu.vector_load %arg9[%swap3A_895, %swap3A_896] {strides = array<i32>} : memref<200x128xf32, #tpu.memory_space<vmem>>, vector<1x16xf32>,
        %swap3A_898 = vector.shape_cast %swap3A_897 : vector<1x16xf32> to vector<16xf32>
        %swap3A_899 = vector.shape_cast %get3A_892 : vector<16xf32> to vector<1x16xf32>
        tpu.vector_store %arg9[%swap3A_895, %swap3A_896], %swap3A_899 {add = true, strides = array<i32>} : memref<200x128xf32, #tpu.memory_space<vmem>>, vector<1x16xf32>,
        %add3A_900 = arith.constant 50 : i32
        %add3A_901 = arith.addi %add3A_900, %scan3A_858 : i32
        %swap3A_902 = arith.index_cast %add3A_901 : i32 to index
        %swap3A_903 = arith.constant 16 : index
        %swap3A_904 = tpu.vector_load %arg9[%swap3A_902, %swap3A_903] {strides = array<i32>} : memref<200x128xf32, #tpu.memory_space<vmem>>, vector<1x16xf32>,
        %swap3A_905 = vector.shape_cast %swap3A_904 : vector<1x16xf32> to vector<16xf32>
        %swap3A_906 = vector.shape_cast %get3A_892 : vector<16xf32> to vector<1x16xf32>
        tpu.vector_store %arg9[%swap3A_902, %swap3A_903], %swap3A_906 {add = true, strides = array<i32>} : memref<200x128xf32, #tpu.memory_space<vmem>>, vector<1x16xf32>,
        %add3A_907 = arith.constant 100 : i32
        %add3A_908 = arith.addi %add3A_907, %scan3A_858 : i32
        %swap3A_909 = arith.index_cast %add3A_908 : i32 to index
        %swap3A_910 = arith.constant 16 : index
        %swap3A_911 = tpu.vector_load %arg9[%swap3A_909, %swap3A_910] {strides = array<i32>} : memref<200x128xf32, #tpu.memory_space<vmem>>, vector<1x16xf32>,
        %swap3A_912 = vector.shape_cast %swap3A_911 : vector<1x16xf32> to vector<16xf32>
        %swap3A_913 = vector.shape_cast %get3A_892 : vector<16xf32> to vector<1x16xf32>
        tpu.vector_store %arg9[%swap3A_909, %swap3A_910], %swap3A_913 {add = true, strides = array<i32>} : memref<200x128xf32, #tpu.memory_space<vmem>>, vector<1x16xf32>,
        %add3A_914 = arith.constant 150 : i32
        %add3A_915 = arith.addi %add3A_914, %scan3A_858 : i32
        %swap3A_916 = arith.index_cast %add3A_915 : i32 to index
        %swap3A_917 = arith.constant 16 : index
        %swap3A_918 = tpu.vector_load %arg9[%swap3A_916, %swap3A_917] {strides = array<i32>} : memref<200x128xf32, #tpu.memory_space<vmem>>, vector<1x16xf32>,
        %swap3A_919 = vector.shape_cast %swap3A_918 : vector<1x16xf32> to vector<16xf32>
        %swap3A_920 = vector.shape_cast %get3A_892 : vector<16xf32> to vector<1x16xf32>
        tpu.vector_store %arg9[%swap3A_916, %swap3A_917], %swap3A_920 {add = true, strides = array<i32>} : memref<200x128xf32, #tpu.memory_space<vmem>>, vector<1x16xf32>,
        %get3A_921 = arith.index_cast %scan3A_858 : i32 to index
        %get3A_922 = arith.constant 32 : index
        %get3A_923 = tpu.vector_load %arg7[%get3A_921, %get3A_922] {strides = array<i32>} : memref<50x64xf32, #tpu.memory_space<vmem>>, vector<1x16xf32>,
        %get3A_924 = vector.shape_cast %get3A_923 : vector<1x16xf32> to vector<16xf32>
        %add3A_925 = arith.constant 0 : i32
        %add3A_926 = arith.addi %add3A_925, %scan3A_858 : i32
        %swap3A_927 = arith.index_cast %add3A_926 : i32 to index
        %swap3A_928 = arith.constant 32 : index
        %swap3A_929 = tpu.vector_load %arg9[%swap3A_927, %swap3A_928] {strides = array<i32>} : memref<200x128xf32, #tpu.memory_space<vmem>>, vector<1x16xf32>,
        %swap3A_930 = vector.shape_cast %swap3A_929 : vector<1x16xf32> to vector<16xf32>
        %swap3A_931 = vector.shape_cast %get3A_924 : vector<16xf32> to vector<1x16xf32>
        tpu.vector_store %arg9[%swap3A_927, %swap3A_928], %swap3A_931 {add = true, strides = array<i32>} : memref<200x128xf32, #tpu.memory_space<vmem>>, vector<1x16xf32>,
        %add3A_932 = arith.constant 50 : i32
        %add3A_933 = arith.addi %add3A_932, %scan3A_858 : i32
        %swap3A_934 = arith.index_cast %add3A_933 : i32 to index
        %swap3A_935 = arith.constant 32 : index
        %swap3A_936 = tpu.vector_load %arg9[%swap3A_934, %swap3A_935] {strides = array<i32>} : memref<200x128xf32, #tpu.memory_space<vmem>>, vector<1x16xf32>,
        %swap3A_937 = vector.shape_cast %swap3A_936 : vector<1x16xf32> to vector<16xf32>
        %swap3A_938 = vector.shape_cast %get3A_924 : vector<16xf32> to vector<1x16xf32>
        tpu.vector_store %arg9[%swap3A_934, %swap3A_935], %swap3A_938 {add = true, strides = array<i32>} : memref<200x128xf32, #tpu.memory_space<vmem>>, vector<1x16xf32>,
        %add3A_939 = arith.constant 100 : i32
        %add3A_940 = arith.addi %add3A_939, %scan3A_858 : i32
        %swap3A_941 = arith.index_cast %add3A_940 : i32 to index
        %swap3A_942 = arith.constant 32 : index
        %swap3A_943 = tpu.vector_load %arg9[%swap3A_941, %swap3A_942] {strides = array<i32>} : memref<200x128xf32, #tpu.memory_space<vmem>>, vector<1x16xf32>,
        %swap3A_944 = vector.shape_cast %swap3A_943 : vector<1x16xf32> to vector<16xf32>
        %swap3A_945 = vector.shape_cast %get3A_924 : vector<16xf32> to vector<1x16xf32>
        tpu.vector_store %arg9[%swap3A_941, %swap3A_942], %swap3A_945 {add = true, strides = array<i32>} : memref<200x128xf32, #tpu.memory_space<vmem>>, vector<1x16xf32>,
        %add3A_946 = arith.constant 150 : i32
        %add3A_947 = arith.addi %add3A_946, %scan3A_858 : i32
        %swap3A_948 = arith.index_cast %add3A_947 : i32 to index
        %swap3A_949 = arith.constant 32 : index
        %swap3A_950 = tpu.vector_load %arg9[%swap3A_948, %swap3A_949] {strides = array<i32>} : memref<200x128xf32, #tpu.memory_space<vmem>>, vector<1x16xf32>,
        %swap3A_951 = vector.shape_cast %swap3A_950 : vector<1x16xf32> to vector<16xf32>
        %swap3A_952 = vector.shape_cast %get3A_924 : vector<16xf32> to vector<1x16xf32>
        tpu.vector_store %arg9[%swap3A_948, %swap3A_949], %swap3A_952 {add = true, strides = array<i32>} : memref<200x128xf32, #tpu.memory_space<vmem>>, vector<1x16xf32>,
        %get3A_953 = arith.index_cast %scan3A_858 : i32 to index
        %get3A_954 = arith.constant 48 : index
        %get3A_955 = tpu.vector_load %arg7[%get3A_953, %get3A_954] {strides = array<i32>} : memref<50x64xf32, #tpu.memory_space<vmem>>, vector<1x16xf32>,
        %get3A_956 = vector.shape_cast %get3A_955 : vector<1x16xf32> to vector<16xf32>
        %add3A_957 = arith.constant 0 : i32
        %add3A_958 = arith.addi %add3A_957, %scan3A_858 : i32
        %swap3A_959 = arith.index_cast %add3A_958 : i32 to index
        %swap3A_960 = arith.constant 48 : index
        %swap3A_961 = tpu.vector_load %arg9[%swap3A_959, %swap3A_960] {strides = array<i32>} : memref<200x128xf32, #tpu.memory_space<vmem>>, vector<1x16xf32>,
        %swap3A_962 = vector.shape_cast %swap3A_961 : vector<1x16xf32> to vector<16xf32>
        %swap3A_963 = vector.shape_cast %get3A_956 : vector<16xf32> to vector<1x16xf32>
        tpu.vector_store %arg9[%swap3A_959, %swap3A_960], %swap3A_963 {add = true, strides = array<i32>} : memref<200x128xf32, #tpu.memory_space<vmem>>, vector<1x16xf32>,
        %add3A_964 = arith.constant 50 : i32
        %add3A_965 = arith.addi %add3A_964, %scan3A_858 : i32
        %swap3A_966 = arith.index_cast %add3A_965 : i32 to index
        %swap3A_967 = arith.constant 48 : index
        %swap3A_968 = tpu.vector_load %arg9[%swap3A_966, %swap3A_967] {strides = array<i32>} : memref<200x128xf32, #tpu.memory_space<vmem>>, vector<1x16xf32>,
        %swap3A_969 = vector.shape_cast %swap3A_968 : vector<1x16xf32> to vector<16xf32>
        %swap3A_970 = vector.shape_cast %get3A_956 : vector<16xf32> to vector<1x16xf32>
        tpu.vector_store %arg9[%swap3A_966, %swap3A_967], %swap3A_970 {add = true, strides = array<i32>} : memref<200x128xf32, #tpu.memory_space<vmem>>, vector<1x16xf32>,
        %add3A_971 = arith.constant 100 : i32
        %add3A_972 = arith.addi %add3A_971, %scan3A_858 : i32
        %swap3A_973 = arith.index_cast %add3A_972 : i32 to index
        %swap3A_974 = arith.constant 48 : index
        %swap3A_975 = tpu.vector_load %arg9[%swap3A_973, %swap3A_974] {strides = array<i32>} : memref<200x128xf32, #tpu.memory_space<vmem>>, vector<1x16xf32>,
        %swap3A_976 = vector.shape_cast %swap3A_975 : vector<1x16xf32> to vector<16xf32>
        %swap3A_977 = vector.shape_cast %get3A_956 : vector<16xf32> to vector<1x16xf32>
        tpu.vector_store %arg9[%swap3A_973, %swap3A_974], %swap3A_977 {add = true, strides = array<i32>} : memref<200x128xf32, #tpu.memory_space<vmem>>, vector<1x16xf32>,
        %add3A_978 = arith.constant 150 : i32
        %add3A_979 = arith.addi %add3A_978, %scan3A_858 : i32
        %swap3A_980 = arith.index_cast %add3A_979 : i32 to index
        %swap3A_981 = arith.constant 48 : index
        %swap3A_982 = tpu.vector_load %arg9[%swap3A_980, %swap3A_981] {strides = array<i32>} : memref<200x128xf32, #tpu.memory_space<vmem>>, vector<1x16xf32>,
        %swap3A_983 = vector.shape_cast %swap3A_982 : vector<1x16xf32> to vector<16xf32>
        %swap3A_984 = vector.shape_cast %get3A_956 : vector<16xf32> to vector<1x16xf32>
        tpu.vector_store %arg9[%swap3A_980, %swap3A_981], %swap3A_984 {add = true, strides = array<i32>} : memref<200x128xf32, #tpu.memory_space<vmem>>, vector<1x16xf32>,
      }
      %scan3A_314 = arith.constant 50 : i32
      %mul3A_315 = arith.constant 4 : i32
      %mul3A_316 = arith.muli %add3A_282, %mul3A_315 : i32
      %add3A_317 = arith.addi %mul3A_4, %mul3A_316 : i32
      %add3A_318 = arith.constant 0 : i32
      %add3A_319 = arith.addi %add3A_317, %add3A_318 : i32
      %dma_start3A_320 = arith.constant 0 : i32
      %dma_start3A_321 = arith.constant 0 : i32
      %dma_start3A_322 = tpu.memref_slice %arg9[%dma_start3A_320, %dma_start3A_321] : memref<200x128xf32, #tpu.memory_space<vmem>> -> memref<50x128xf32, #tpu.memory_space<vmem>>
      %dma_start3A_323 = arith.constant 0 : i32
      %dma_start3A_324 = arith.constant 0 : i32
      %dma_start3A_325 = tpu.memref_slice %arg5[%add3A_319, %dma_start3A_323, %dma_start3A_324] : memref<4096x50x128xf32, #tpu.memory_space<hbm>> -> memref<1x50x128xf32, #tpu.memory_space<hbm>>
      %dma_start3A_326 = tpu.memref_squeeze %dma_start3A_325 : memref<1x50x128xf32, #tpu.memory_space<hbm>> -> memref<50x128xf32, #tpu.memory_space<hbm>>
      %dma_start3A_327 = arith.constant 0 : i32
      %dma_start3A_328 = arith.constant 0 : i32
      %dma_start3A_329 = tpu.memref_slice %arg5[%add3A_319, %dma_start3A_327, %dma_start3A_328] : memref<4096x50x128xf32, #tpu.memory_space<hbm>> -> memref<1x50x128xf32, #tpu.memory_space<hbm>>
      %dma_start3A_330 = tpu.memref_squeeze %dma_start3A_329 : memref<1x50x128xf32, #tpu.memory_space<hbm>> -> memref<50x128xf32, #tpu.memory_space<hbm>>
      %dma_start3A_331 = arith.constant 0 : i32
      %dma_start3A_332 = arith.constant 0 : i32
      %dma_start3A_333 = tpu.memref_slice %arg9[%dma_start3A_331, %dma_start3A_332] : memref<200x128xf32, #tpu.memory_space<vmem>> -> memref<50x128xf32, #tpu.memory_space<vmem>>
      tpu.enqueue_dma source(%dma_start3A_333 : memref<50x128xf32, #tpu.memory_space<vmem>>) target(%dma_start3A_330 : memref<50x128xf32, #tpu.memory_space<hbm>>) target_semaphore(%arg17 : memref<!tpu.dma_semaphore, #tpu.memory_space<semaphore_mem>>)
      %mul3A_334 = arith.constant 4 : i32
      %mul3A_335 = arith.muli %add3A_282, %mul3A_334 : i32
      %add3A_336 = arith.addi %mul3A_4, %mul3A_335 : i32
      %add3A_337 = arith.constant 1 : i32
      %add3A_338 = arith.addi %add3A_336, %add3A_337 : i32
      %dma_start3A_339 = arith.constant 50 : i32
      %dma_start3A_340 = arith.constant 0 : i32
      %dma_start3A_341 = tpu.memref_slice %arg9[%dma_start3A_339, %dma_start3A_340] : memref<200x128xf32, #tpu.memory_space<vmem>> -> memref<50x128xf32, #tpu.memory_space<vmem>>
      %dma_start3A_342 = arith.constant 0 : i32
      %dma_start3A_343 = arith.constant 0 : i32
      %dma_start3A_344 = tpu.memref_slice %arg5[%add3A_338, %dma_start3A_342, %dma_start3A_343] : memref<4096x50x128xf32, #tpu.memory_space<hbm>> -> memref<1x50x128xf32, #tpu.memory_space<hbm>>
      %dma_start3A_345 = tpu.memref_squeeze %dma_start3A_344 : memref<1x50x128xf32, #tpu.memory_space<hbm>> -> memref<50x128xf32, #tpu.memory_space<hbm>>
      %dma_start3A_346 = arith.constant 0 : i32
      %dma_start3A_347 = arith.constant 0 : i32
      %dma_start3A_348 = tpu.memref_slice %arg5[%add3A_338, %dma_start3A_346, %dma_start3A_347] : memref<4096x50x128xf32, #tpu.memory_space<hbm>> -> memref<1x50x128xf32, #tpu.memory_space<hbm>>
      %dma_start3A_349 = tpu.memref_squeeze %dma_start3A_348 : memref<1x50x128xf32, #tpu.memory_space<hbm>> -> memref<50x128xf32, #tpu.memory_space<hbm>>
      %dma_start3A_350 = arith.constant 50 : i32
      %dma_start3A_351 = arith.constant 0 : i32
      %dma_start3A_352 = tpu.memref_slice %arg9[%dma_start3A_350, %dma_start3A_351] : memref<200x128xf32, #tpu.memory_space<vmem>> -> memref<50x128xf32, #tpu.memory_space<vmem>>
      tpu.enqueue_dma source(%dma_start3A_352 : memref<50x128xf32, #tpu.memory_space<vmem>>) target(%dma_start3A_349 : memref<50x128xf32, #tpu.memory_space<hbm>>) target_semaphore(%arg17 : memref<!tpu.dma_semaphore, #tpu.memory_space<semaphore_mem>>)
      %mul3A_353 = arith.constant 4 : i32
      %mul3A_354 = arith.muli %add3A_282, %mul3A_353 : i32
      %add3A_355 = arith.addi %mul3A_4, %mul3A_354 : i32
      %add3A_356 = arith.constant 2 : i32
      %add3A_357 = arith.addi %add3A_355, %add3A_356 : i32
      %dma_start3A_358 = arith.constant 100 : i32
      %dma_start3A_359 = arith.constant 0 : i32
      %dma_start3A_360 = tpu.memref_slice %arg9[%dma_start3A_358, %dma_start3A_359] : memref<200x128xf32, #tpu.memory_space<vmem>> -> memref<50x128xf32, #tpu.memory_space<vmem>>
      %dma_start3A_361 = arith.constant 0 : i32
      %dma_start3A_362 = arith.constant 0 : i32
      %dma_start3A_363 = tpu.memref_slice %arg5[%add3A_357, %dma_start3A_361, %dma_start3A_362] : memref<4096x50x128xf32, #tpu.memory_space<hbm>> -> memref<1x50x128xf32, #tpu.memory_space<hbm>>
      %dma_start3A_364 = tpu.memref_squeeze %dma_start3A_363 : memref<1x50x128xf32, #tpu.memory_space<hbm>> -> memref<50x128xf32, #tpu.memory_space<hbm>>
      %dma_start3A_365 = arith.constant 0 : i32
      %dma_start3A_366 = arith.constant 0 : i32
      %dma_start3A_367 = tpu.memref_slice %arg5[%add3A_357, %dma_start3A_365, %dma_start3A_366] : memref<4096x50x128xf32, #tpu.memory_space<hbm>> -> memref<1x50x128xf32, #tpu.memory_space<hbm>>
      %dma_start3A_368 = tpu.memref_squeeze %dma_start3A_367 : memref<1x50x128xf32, #tpu.memory_space<hbm>> -> memref<50x128xf32, #tpu.memory_space<hbm>>
      %dma_start3A_369 = arith.constant 100 : i32
      %dma_start3A_370 = arith.constant 0 : i32
      %dma_start3A_371 = tpu.memref_slice %arg9[%dma_start3A_369, %dma_start3A_370] : memref<200x128xf32, #tpu.memory_space<vmem>> -> memref<50x128xf32, #tpu.memory_space<vmem>>
      tpu.enqueue_dma source(%dma_start3A_371 : memref<50x128xf32, #tpu.memory_space<vmem>>) target(%dma_start3A_368 : memref<50x128xf32, #tpu.memory_space<hbm>>) target_semaphore(%arg17 : memref<!tpu.dma_semaphore, #tpu.memory_space<semaphore_mem>>)
      %mul3A_372 = arith.constant 4 : i32
      %mul3A_373 = arith.muli %add3A_282, %mul3A_372 : i32
      %add3A_374 = arith.addi %mul3A_4, %mul3A_373 : i32
      %add3A_375 = arith.constant 3 : i32
      %add3A_376 = arith.addi %add3A_374, %add3A_375 : i32
      %dma_start3A_377 = arith.constant 150 : i32
      %dma_start3A_378 = arith.constant 0 : i32
      %dma_start3A_379 = tpu.memref_slice %arg9[%dma_start3A_377, %dma_start3A_378] : memref<200x128xf32, #tpu.memory_space<vmem>> -> memref<50x128xf32, #tpu.memory_space<vmem>>
      %dma_start3A_380 = arith.constant 0 : i32
      %dma_start3A_381 = arith.constant 0 : i32
      %dma_start3A_382 = tpu.memref_slice %arg5[%add3A_376, %dma_start3A_380, %dma_start3A_381] : memref<4096x50x128xf32, #tpu.memory_space<hbm>> -> memref<1x50x128xf32, #tpu.memory_space<hbm>>
      %dma_start3A_383 = tpu.memref_squeeze %dma_start3A_382 : memref<1x50x128xf32, #tpu.memory_space<hbm>> -> memref<50x128xf32, #tpu.memory_space<hbm>>
      %dma_start3A_384 = arith.constant 0 : i32
      %dma_start3A_385 = arith.constant 0 : i32
      %dma_start3A_386 = tpu.memref_slice %arg5[%add3A_376, %dma_start3A_384, %dma_start3A_385] : memref<4096x50x128xf32, #tpu.memory_space<hbm>> -> memref<1x50x128xf32, #tpu.memory_space<hbm>>
      %dma_start3A_387 = tpu.memref_squeeze %dma_start3A_386 : memref<1x50x128xf32, #tpu.memory_space<hbm>> -> memref<50x128xf32, #tpu.memory_space<hbm>>
      %dma_start3A_388 = arith.constant 150 : i32
      %dma_start3A_389 = arith.constant 0 : i32
      %dma_start3A_390 = tpu.memref_slice %arg9[%dma_start3A_388, %dma_start3A_389] : memref<200x128xf32, #tpu.memory_space<vmem>> -> memref<50x128xf32, #tpu.memory_space<vmem>>
      tpu.enqueue_dma source(%dma_start3A_390 : memref<50x128xf32, #tpu.memory_space<vmem>>) target(%dma_start3A_387 : memref<50x128xf32, #tpu.memory_space<hbm>>) target_semaphore(%arg17 : memref<!tpu.dma_semaphore, #tpu.memory_space<semaphore_mem>>)
      %mul3A_391 = arith.constant 4 : i32
      %mul3A_392 = arith.muli %add3A_282, %mul3A_391 : i32
      %add3A_393 = arith.addi %mul3A_4, %mul3A_392 : i32
      %add3A_394 = arith.constant 0 : i32
      %add3A_395 = arith.addi %add3A_393, %add3A_394 : i32
      %dma_wait3A_396 = arith.constant 0 : i32
      %dma_wait3A_397 = arith.constant 0 : i32
      %dma_wait3A_398 = tpu.memref_slice %arg9[%dma_wait3A_396, %dma_wait3A_397] : memref<200x128xf32, #tpu.memory_space<vmem>> -> memref<50x128xf32, #tpu.memory_space<vmem>>
      %dma_wait3A_399 = arith.constant 0 : i32
      %dma_wait3A_400 = arith.constant 0 : i32
      %dma_wait3A_401 = tpu.memref_slice %arg5[%add3A_395, %dma_wait3A_399, %dma_wait3A_400] : memref<4096x50x128xf32, #tpu.memory_space<hbm>> -> memref<1x50x128xf32, #tpu.memory_space<hbm>>
      %dma_wait3A_402 = tpu.memref_squeeze %dma_wait3A_401 : memref<1x50x128xf32, #tpu.memory_space<hbm>> -> memref<50x128xf32, #tpu.memory_space<hbm>>
      %dma_wait3A_403 = arith.constant 0 : i32
      %dma_wait3A_404 = arith.constant 0 : i32
      %dma_wait3A_405 = tpu.memref_slice %arg5[%add3A_395, %dma_wait3A_403, %dma_wait3A_404] : memref<4096x50x128xf32, #tpu.memory_space<hbm>> -> memref<1x50x128xf32, #tpu.memory_space<hbm>>
      %dma_wait3A_406 = tpu.memref_squeeze %dma_wait3A_405 : memref<1x50x128xf32, #tpu.memory_space<hbm>> -> memref<50x128xf32, #tpu.memory_space<hbm>>
      %dma_wait3A_407 = arith.constant 0 : i32
      %dma_wait3A_408 = arith.constant 0 : i32
      %dma_wait3A_409 = tpu.memref_slice %arg9[%dma_wait3A_407, %dma_wait3A_408] : memref<200x128xf32, #tpu.memory_space<vmem>> -> memref<50x128xf32, #tpu.memory_space<vmem>>
      tpu.wait_dma2 semaphore(%arg17 : memref<!tpu.dma_semaphore, #tpu.memory_space<semaphore_mem>>) src(%dma_wait3A_409 : memref<50x128xf32, #tpu.memory_space<vmem>>) dst(%dma_wait3A_406 : memref<50x128xf32, #tpu.memory_space<hbm>>)
      %mul3A_410 = arith.constant 4 : i32
      %mul3A_411 = arith.muli %add3A_282, %mul3A_410 : i32
      %add3A_412 = arith.addi %mul3A_4, %mul3A_411 : i32
      %add3A_413 = arith.constant 1 : i32
      %add3A_414 = arith.addi %add3A_412, %add3A_413 : i32
      %dma_wait3A_415 = arith.constant 50 : i32
      %dma_wait3A_416 = arith.constant 0 : i32
      %dma_wait3A_417 = tpu.memref_slice %arg9[%dma_wait3A_415, %dma_wait3A_416] : memref<200x128xf32, #tpu.memory_space<vmem>> -> memref<50x128xf32, #tpu.memory_space<vmem>>
      %dma_wait3A_418 = arith.constant 0 : i32
      %dma_wait3A_419 = arith.constant 0 : i32
      %dma_wait3A_420 = tpu.memref_slice %arg5[%add3A_414, %dma_wait3A_418, %dma_wait3A_419] : memref<4096x50x128xf32, #tpu.memory_space<hbm>> -> memref<1x50x128xf32, #tpu.memory_space<hbm>>
      %dma_wait3A_421 = tpu.memref_squeeze %dma_wait3A_420 : memref<1x50x128xf32, #tpu.memory_space<hbm>> -> memref<50x128xf32, #tpu.memory_space<hbm>>
      %dma_wait3A_422 = arith.constant 0 : i32
      %dma_wait3A_423 = arith.constant 0 : i32
      %dma_wait3A_424 = tpu.memref_slice %arg5[%add3A_414, %dma_wait3A_422, %dma_wait3A_423] : memref<4096x50x128xf32, #tpu.memory_space<hbm>> -> memref<1x50x128xf32, #tpu.memory_space<hbm>>
      %dma_wait3A_425 = tpu.memref_squeeze %dma_wait3A_424 : memref<1x50x128xf32, #tpu.memory_space<hbm>> -> memref<50x128xf32, #tpu.memory_space<hbm>>
      %dma_wait3A_426 = arith.constant 50 : i32
      %dma_wait3A_427 = arith.constant 0 : i32
      %dma_wait3A_428 = tpu.memref_slice %arg9[%dma_wait3A_426, %dma_wait3A_427] : memref<200x128xf32, #tpu.memory_space<vmem>> -> memref<50x128xf32, #tpu.memory_space<vmem>>
      tpu.wait_dma2 semaphore(%arg17 : memref<!tpu.dma_semaphore, #tpu.memory_space<semaphore_mem>>) src(%dma_wait3A_428 : memref<50x128xf32, #tpu.memory_space<vmem>>) dst(%dma_wait3A_425 : memref<50x128xf32, #tpu.memory_space<hbm>>)
      %mul3A_429 = arith.constant 4 : i32
      %mul3A_430 = arith.muli %add3A_282, %mul3A_429 : i32
      %add3A_431 = arith.addi %mul3A_4, %mul3A_430 : i32
      %add3A_432 = arith.constant 2 : i32
      %add3A_433 = arith.addi %add3A_431, %add3A_432 : i32
      %dma_wait3A_434 = arith.constant 100 : i32
      %dma_wait3A_435 = arith.constant 0 : i32
      %dma_wait3A_436 = tpu.memref_slice %arg9[%dma_wait3A_434, %dma_wait3A_435] : memref<200x128xf32, #tpu.memory_space<vmem>> -> memref<50x128xf32, #tpu.memory_space<vmem>>
      %dma_wait3A_437 = arith.constant 0 : i32
      %dma_wait3A_438 = arith.constant 0 : i32
      %dma_wait3A_439 = tpu.memref_slice %arg5[%add3A_433, %dma_wait3A_437, %dma_wait3A_438] : memref<4096x50x128xf32, #tpu.memory_space<hbm>> -> memref<1x50x128xf32, #tpu.memory_space<hbm>>
      %dma_wait3A_440 = tpu.memref_squeeze %dma_wait3A_439 : memref<1x50x128xf32, #tpu.memory_space<hbm>> -> memref<50x128xf32, #tpu.memory_space<hbm>>
      %dma_wait3A_441 = arith.constant 0 : i32
      %dma_wait3A_442 = arith.constant 0 : i32
      %dma_wait3A_443 = tpu.memref_slice %arg5[%add3A_433, %dma_wait3A_441, %dma_wait3A_442] : memref<4096x50x128xf32, #tpu.memory_space<hbm>> -> memref<1x50x128xf32, #tpu.memory_space<hbm>>
      %dma_wait3A_444 = tpu.memref_squeeze %dma_wait3A_443 : memref<1x50x128xf32, #tpu.memory_space<hbm>> -> memref<50x128xf32, #tpu.memory_space<hbm>>
      %dma_wait3A_445 = arith.constant 100 : i32
      %dma_wait3A_446 = arith.constant 0 : i32
      %dma_wait3A_447 = tpu.memref_slice %arg9[%dma_wait3A_445, %dma_wait3A_446] : memref<200x128xf32, #tpu.memory_space<vmem>> -> memref<50x128xf32, #tpu.memory_space<vmem>>
      tpu.wait_dma2 semaphore(%arg17 : memref<!tpu.dma_semaphore, #tpu.memory_space<semaphore_mem>>) src(%dma_wait3A_447 : memref<50x128xf32, #tpu.memory_space<vmem>>) dst(%dma_wait3A_444 : memref<50x128xf32, #tpu.memory_space<hbm>>)
      %mul3A_448 = arith.constant 4 : i32
      %mul3A_449 = arith.muli %add3A_282, %mul3A_448 : i32
      %add3A_450 = arith.addi %mul3A_4, %mul3A_449 : i32
      %add3A_451 = arith.constant 3 : i32
      %add3A_452 = arith.addi %add3A_450, %add3A_451 : i32
      %dma_wait3A_453 = arith.constant 150 : i32
      %dma_wait3A_454 = arith.constant 0 : i32
      %dma_wait3A_455 = tpu.memref_slice %arg9[%dma_wait3A_453, %dma_wait3A_454] : memref<200x128xf32, #tpu.memory_space<vmem>> -> memref<50x128xf32, #tpu.memory_space<vmem>>
      %dma_wait3A_456 = arith.constant 0 : i32
      %dma_wait3A_457 = arith.constant 0 : i32
      %dma_wait3A_458 = tpu.memref_slice %arg5[%add3A_452, %dma_wait3A_456, %dma_wait3A_457] : memref<4096x50x128xf32, #tpu.memory_space<hbm>> -> memref<1x50x128xf32, #tpu.memory_space<hbm>>
      %dma_wait3A_459 = tpu.memref_squeeze %dma_wait3A_458 : memref<1x50x128xf32, #tpu.memory_space<hbm>> -> memref<50x128xf32, #tpu.memory_space<hbm>>
      %dma_wait3A_460 = arith.constant 0 : i32
      %dma_wait3A_461 = arith.constant 0 : i32
      %dma_wait3A_462 = tpu.memref_slice %arg5[%add3A_452, %dma_wait3A_460, %dma_wait3A_461] : memref<4096x50x128xf32, #tpu.memory_space<hbm>> -> memref<1x50x128xf32, #tpu.memory_space<hbm>>
      %dma_wait3A_463 = tpu.memref_squeeze %dma_wait3A_462 : memref<1x50x128xf32, #tpu.memory_space<hbm>> -> memref<50x128xf32, #tpu.memory_space<hbm>>
      %dma_wait3A_464 = arith.constant 150 : i32
      %dma_wait3A_465 = arith.constant 0 : i32
      %dma_wait3A_466 = tpu.memref_slice %arg9[%dma_wait3A_464, %dma_wait3A_465] : memref<200x128xf32, #tpu.memory_space<vmem>> -> memref<50x128xf32, #tpu.memory_space<vmem>>
      tpu.wait_dma2 semaphore(%arg17 : memref<!tpu.dma_semaphore, #tpu.memory_space<semaphore_mem>>) src(%dma_wait3A_466 : memref<50x128xf32, #tpu.memory_space<vmem>>) dst(%dma_wait3A_463 : memref<50x128xf32, #tpu.memory_space<hbm>>)
      %lt3A_467 = arith.constant 7 : i32
      %lt3A_468 = arith.cmpi slt, %scan3A_89, %lt3A_467 : i32
      %convert_element_type3A_469 = arith.extui %lt3A_468 : i1 to i32
      %cond3A_470 = arith.constant 0 : i32
      %cond3A_471 = arith.cmpi ne, %convert_element_type3A_469, %cond3A_470 : i32
      scf.if %cond3A_471 {
        %add3A_858 = arith.constant 4 : i32
        %add3A_859 = arith.addi %add3A_282, %add3A_858 : i32
        %mul3A_860 = arith.constant 2 : i32
        %mul3A_861 = arith.muli %add3A_859, %mul3A_860 : i32
        %add3A_862 = arith.constant 0 : i32
        %add3A_863 = arith.addi %mul3A_861, %add3A_862 : i32
        %dma_start3A_864 = arith.constant 0 : i32
        %dma_start3A_865 = arith.constant 0 : i32
        %dma_start3A_866 = tpu.memref_slice %arg9[%dma_start3A_864, %dma_start3A_865] : memref<200x128xf32, #tpu.memory_space<vmem>> -> memref<100x128xf32, #tpu.memory_space<vmem>>
        %dma_start3A_867 = arith.constant 0 : i32
        %dma_start3A_868 = tpu.memref_slice %arg6[%add3A_863, %dma_start3A_867] : memref<64x100xi32, #tpu.memory_space<vmem>> -> memref<1x100xi32, #tpu.memory_space<vmem>>
        %dma_start3A_869 = tpu.memref_squeeze %dma_start3A_868 : memref<1x100xi32, #tpu.memory_space<vmem>> -> memref<100xi32, #tpu.memory_space<vmem>>
        %dma_start3A_870 = arith.constant 0 : i32
        %dma_start3A_871 = arith.constant 0 : i32
        %dma_start3A_872 = tpu.memref_slice %arg3[%dma_start3A_870, %dma_start3A_871] : memref<1000002x128xf32, #tpu.memory_space<hbm>> -> memref<1000002x128xf32, #tpu.memory_space<hbm>>
        tpu.enqueue_indirect_dma source(%dma_start3A_872 : memref<1000002x128xf32, #tpu.memory_space<hbm>>) target(%dma_start3A_866 : memref<100x128xf32, #tpu.memory_space<vmem>>) offsets(%dma_start3A_869 : memref<100xi32, #tpu.memory_space<vmem>>) semaphore(%arg13 : memref<!tpu.dma_semaphore, #tpu.memory_space<semaphore_mem>>)
        %mul3A_873 = arith.constant 2 : i32
        %mul3A_874 = arith.muli %add3A_859, %mul3A_873 : i32
        %add3A_875 = arith.constant 1 : i32
        %add3A_876 = arith.addi %mul3A_874, %add3A_875 : i32
        %dma_start3A_877 = arith.constant 100 : i32
        %dma_start3A_878 = arith.constant 0 : i32
        %dma_start3A_879 = tpu.memref_slice %arg9[%dma_start3A_877, %dma_start3A_878] : memref<200x128xf32, #tpu.memory_space<vmem>> -> memref<100x128xf32, #tpu.memory_space<vmem>>
        %dma_start3A_880 = arith.constant 0 : i32
        %dma_start3A_881 = tpu.memref_slice %arg6[%add3A_876, %dma_start3A_880] : memref<64x100xi32, #tpu.memory_space<vmem>> -> memref<1x100xi32, #tpu.memory_space<vmem>>
        %dma_start3A_882 = tpu.memref_squeeze %dma_start3A_881 : memref<1x100xi32, #tpu.memory_space<vmem>> -> memref<100xi32, #tpu.memory_space<vmem>>
        %dma_start3A_883 = arith.constant 0 : i32
        %dma_start3A_884 = arith.constant 0 : i32
        %dma_start3A_885 = tpu.memref_slice %arg3[%dma_start3A_883, %dma_start3A_884] : memref<1000002x128xf32, #tpu.memory_space<hbm>> -> memref<1000002x128xf32, #tpu.memory_space<hbm>>
        tpu.enqueue_indirect_dma source(%dma_start3A_885 : memref<1000002x128xf32, #tpu.memory_space<hbm>>) target(%dma_start3A_879 : memref<100x128xf32, #tpu.memory_space<vmem>>) offsets(%dma_start3A_882 : memref<100xi32, #tpu.memory_space<vmem>>) semaphore(%arg13 : memref<!tpu.dma_semaphore, #tpu.memory_space<semaphore_mem>>)
      } else {
      }
      %mul3A_472 = arith.constant 4 : i32
      %mul3A_473 = arith.muli %scan3A_89, %mul3A_472 : i32
      %add3A_474 = arith.constant 2 : i32
      %add3A_475 = arith.addi %mul3A_473, %add3A_474 : i32
      %mul3A_476 = arith.constant 2 : i32
      %mul3A_477 = arith.muli %add3A_475, %mul3A_476 : i32
      %add3A_478 = arith.constant 0 : i32
      %add3A_479 = arith.addi %mul3A_477, %add3A_478 : i32
      %dma_wait3A_480 = arith.constant 0 : i32
      %dma_wait3A_481 = arith.constant 0 : i32
      %dma_wait3A_482 = tpu.memref_slice %arg10[%dma_wait3A_480, %dma_wait3A_481] : memref<200x128xf32, #tpu.memory_space<vmem>> -> memref<100x128xf32, #tpu.memory_space<vmem>>
      %dma_wait3A_483 = arith.constant 0 : i32
      %dma_wait3A_484 = tpu.memref_slice %arg6[%add3A_479, %dma_wait3A_483] : memref<64x100xi32, #tpu.memory_space<vmem>> -> memref<1x100xi32, #tpu.memory_space<vmem>>
      %dma_wait3A_485 = tpu.memref_squeeze %dma_wait3A_484 : memref<1x100xi32, #tpu.memory_space<vmem>> -> memref<100xi32, #tpu.memory_space<vmem>>
      %dma_wait3A_486 = arith.constant 0 : i32
      %dma_wait3A_487 = arith.constant 0 : i32
      %dma_wait3A_488 = tpu.memref_slice %arg3[%dma_wait3A_486, %dma_wait3A_487] : memref<1000002x128xf32, #tpu.memory_space<hbm>> -> memref<1000002x128xf32, #tpu.memory_space<hbm>>
      tpu.wait_indirect_dma semaphore(%arg14 : memref<!tpu.dma_semaphore, #tpu.memory_space<semaphore_mem>>) src(%dma_wait3A_488 : memref<1000002x128xf32, #tpu.memory_space<hbm>>) dst(%dma_wait3A_482 : memref<100x128xf32, #tpu.memory_space<vmem>>)
      %mul3A_489 = arith.constant 2 : i32
      %mul3A_490 = arith.muli %add3A_475, %mul3A_489 : i32
      %add3A_491 = arith.constant 1 : i32
      %add3A_492 = arith.addi %mul3A_490, %add3A_491 : i32
      %dma_wait3A_493 = arith.constant 100 : i32
      %dma_wait3A_494 = arith.constant 0 : i32
      %dma_wait3A_495 = tpu.memref_slice %arg10[%dma_wait3A_493, %dma_wait3A_494] : memref<200x128xf32, #tpu.memory_space<vmem>> -> memref<100x128xf32, #tpu.memory_space<vmem>>
      %dma_wait3A_496 = arith.constant 0 : i32
      %dma_wait3A_497 = tpu.memref_slice %arg6[%add3A_492, %dma_wait3A_496] : memref<64x100xi32, #tpu.memory_space<vmem>> -> memref<1x100xi32, #tpu.memory_space<vmem>>
      %dma_wait3A_498 = tpu.memref_squeeze %dma_wait3A_497 : memref<1x100xi32, #tpu.memory_space<vmem>> -> memref<100xi32, #tpu.memory_space<vmem>>
      %dma_wait3A_499 = arith.constant 0 : i32
      %dma_wait3A_500 = arith.constant 0 : i32
      %dma_wait3A_501 = tpu.memref_slice %arg3[%dma_wait3A_499, %dma_wait3A_500] : memref<1000002x128xf32, #tpu.memory_space<hbm>> -> memref<1000002x128xf32, #tpu.memory_space<hbm>>
      tpu.wait_indirect_dma semaphore(%arg14 : memref<!tpu.dma_semaphore, #tpu.memory_space<semaphore_mem>>) src(%dma_wait3A_501 : memref<1000002x128xf32, #tpu.memory_space<hbm>>) dst(%dma_wait3A_495 : memref<100x128xf32, #tpu.memory_space<vmem>>)
      %scan3A_502 = arith.constant 0 : i32
      %scan3A_503 = arith.constant 0 : i32
      %scan3A_504 = arith.constant 50 : i32
      %scan3A_505 = arith.addi %scan3A_503, %scan3A_504 : i32
      %scan3A_506 = arith.constant 1 : i32
      scf.for %scan3A_858 = %scan3A_503 to %scan3A_505 step %scan3A_506  : i32 {
        %get3A = arith.index_cast %scan3A_858 : i32 to index
        %get3A_859 = arith.constant 0 : index
        %get3A_860 = tpu.vector_load %arg7[%get3A, %get3A_859] {strides = array<i32>} : memref<50x64xf32, #tpu.memory_space<vmem>>, vector<1x16xf32>,
        %get3A_861 = vector.shape_cast %get3A_860 : vector<1x16xf32> to vector<16xf32>
        %add3A_862 = arith.constant 0 : i32
        %add3A_863 = arith.addi %add3A_862, %scan3A_858 : i32
        %swap3A = arith.index_cast %add3A_863 : i32 to index
        %swap3A_864 = arith.constant 0 : index
        %swap3A_865 = tpu.vector_load %arg10[%swap3A, %swap3A_864] {strides = array<i32>} : memref<200x128xf32, #tpu.memory_space<vmem>>, vector<1x16xf32>,
        %swap3A_866 = vector.shape_cast %swap3A_865 : vector<1x16xf32> to vector<16xf32>
        %swap3A_867 = vector.shape_cast %get3A_861 : vector<16xf32> to vector<1x16xf32>
        tpu.vector_store %arg10[%swap3A, %swap3A_864], %swap3A_867 {add = true, strides = array<i32>} : memref<200x128xf32, #tpu.memory_space<vmem>>, vector<1x16xf32>,
        %add3A_868 = arith.constant 50 : i32
        %add3A_869 = arith.addi %add3A_868, %scan3A_858 : i32
        %swap3A_870 = arith.index_cast %add3A_869 : i32 to index
        %swap3A_871 = arith.constant 0 : index
        %swap3A_872 = tpu.vector_load %arg10[%swap3A_870, %swap3A_871] {strides = array<i32>} : memref<200x128xf32, #tpu.memory_space<vmem>>, vector<1x16xf32>,
        %swap3A_873 = vector.shape_cast %swap3A_872 : vector<1x16xf32> to vector<16xf32>
        %swap3A_874 = vector.shape_cast %get3A_861 : vector<16xf32> to vector<1x16xf32>
        tpu.vector_store %arg10[%swap3A_870, %swap3A_871], %swap3A_874 {add = true, strides = array<i32>} : memref<200x128xf32, #tpu.memory_space<vmem>>, vector<1x16xf32>,
        %add3A_875 = arith.constant 100 : i32
        %add3A_876 = arith.addi %add3A_875, %scan3A_858 : i32
        %swap3A_877 = arith.index_cast %add3A_876 : i32 to index
        %swap3A_878 = arith.constant 0 : index
        %swap3A_879 = tpu.vector_load %arg10[%swap3A_877, %swap3A_878] {strides = array<i32>} : memref<200x128xf32, #tpu.memory_space<vmem>>, vector<1x16xf32>,
        %swap3A_880 = vector.shape_cast %swap3A_879 : vector<1x16xf32> to vector<16xf32>
        %swap3A_881 = vector.shape_cast %get3A_861 : vector<16xf32> to vector<1x16xf32>
        tpu.vector_store %arg10[%swap3A_877, %swap3A_878], %swap3A_881 {add = true, strides = array<i32>} : memref<200x128xf32, #tpu.memory_space<vmem>>, vector<1x16xf32>,
        %add3A_882 = arith.constant 150 : i32
        %add3A_883 = arith.addi %add3A_882, %scan3A_858 : i32
        %swap3A_884 = arith.index_cast %add3A_883 : i32 to index
        %swap3A_885 = arith.constant 0 : index
        %swap3A_886 = tpu.vector_load %arg10[%swap3A_884, %swap3A_885] {strides = array<i32>} : memref<200x128xf32, #tpu.memory_space<vmem>>, vector<1x16xf32>,
        %swap3A_887 = vector.shape_cast %swap3A_886 : vector<1x16xf32> to vector<16xf32>
        %swap3A_888 = vector.shape_cast %get3A_861 : vector<16xf32> to vector<1x16xf32>
        tpu.vector_store %arg10[%swap3A_884, %swap3A_885], %swap3A_888 {add = true, strides = array<i32>} : memref<200x128xf32, #tpu.memory_space<vmem>>, vector<1x16xf32>,
        %get3A_889 = arith.index_cast %scan3A_858 : i32 to index
        %get3A_890 = arith.constant 16 : index
        %get3A_891 = tpu.vector_load %arg7[%get3A_889, %get3A_890] {strides = array<i32>} : memref<50x64xf32, #tpu.memory_space<vmem>>, vector<1x16xf32>,
        %get3A_892 = vector.shape_cast %get3A_891 : vector<1x16xf32> to vector<16xf32>
        %add3A_893 = arith.constant 0 : i32
        %add3A_894 = arith.addi %add3A_893, %scan3A_858 : i32
        %swap3A_895 = arith.index_cast %add3A_894 : i32 to index
        %swap3A_896 = arith.constant 16 : index
        %swap3A_897 = tpu.vector_load %arg10[%swap3A_895, %swap3A_896] {strides = array<i32>} : memref<200x128xf32, #tpu.memory_space<vmem>>, vector<1x16xf32>,
        %swap3A_898 = vector.shape_cast %swap3A_897 : vector<1x16xf32> to vector<16xf32>
        %swap3A_899 = vector.shape_cast %get3A_892 : vector<16xf32> to vector<1x16xf32>
        tpu.vector_store %arg10[%swap3A_895, %swap3A_896], %swap3A_899 {add = true, strides = array<i32>} : memref<200x128xf32, #tpu.memory_space<vmem>>, vector<1x16xf32>,
        %add3A_900 = arith.constant 50 : i32
        %add3A_901 = arith.addi %add3A_900, %scan3A_858 : i32
        %swap3A_902 = arith.index_cast %add3A_901 : i32 to index
        %swap3A_903 = arith.constant 16 : index
        %swap3A_904 = tpu.vector_load %arg10[%swap3A_902, %swap3A_903] {strides = array<i32>} : memref<200x128xf32, #tpu.memory_space<vmem>>, vector<1x16xf32>,
        %swap3A_905 = vector.shape_cast %swap3A_904 : vector<1x16xf32> to vector<16xf32>
        %swap3A_906 = vector.shape_cast %get3A_892 : vector<16xf32> to vector<1x16xf32>
        tpu.vector_store %arg10[%swap3A_902, %swap3A_903], %swap3A_906 {add = true, strides = array<i32>} : memref<200x128xf32, #tpu.memory_space<vmem>>, vector<1x16xf32>,
        %add3A_907 = arith.constant 100 : i32
        %add3A_908 = arith.addi %add3A_907, %scan3A_858 : i32
        %swap3A_909 = arith.index_cast %add3A_908 : i32 to index
        %swap3A_910 = arith.constant 16 : index
        %swap3A_911 = tpu.vector_load %arg10[%swap3A_909, %swap3A_910] {strides = array<i32>} : memref<200x128xf32, #tpu.memory_space<vmem>>, vector<1x16xf32>,
        %swap3A_912 = vector.shape_cast %swap3A_911 : vector<1x16xf32> to vector<16xf32>
        %swap3A_913 = vector.shape_cast %get3A_892 : vector<16xf32> to vector<1x16xf32>
        tpu.vector_store %arg10[%swap3A_909, %swap3A_910], %swap3A_913 {add = true, strides = array<i32>} : memref<200x128xf32, #tpu.memory_space<vmem>>, vector<1x16xf32>,
        %add3A_914 = arith.constant 150 : i32
        %add3A_915 = arith.addi %add3A_914, %scan3A_858 : i32
        %swap3A_916 = arith.index_cast %add3A_915 : i32 to index
        %swap3A_917 = arith.constant 16 : index
        %swap3A_918 = tpu.vector_load %arg10[%swap3A_916, %swap3A_917] {strides = array<i32>} : memref<200x128xf32, #tpu.memory_space<vmem>>, vector<1x16xf32>,
        %swap3A_919 = vector.shape_cast %swap3A_918 : vector<1x16xf32> to vector<16xf32>
        %swap3A_920 = vector.shape_cast %get3A_892 : vector<16xf32> to vector<1x16xf32>
        tpu.vector_store %arg10[%swap3A_916, %swap3A_917], %swap3A_920 {add = true, strides = array<i32>} : memref<200x128xf32, #tpu.memory_space<vmem>>, vector<1x16xf32>,
        %get3A_921 = arith.index_cast %scan3A_858 : i32 to index
        %get3A_922 = arith.constant 32 : index
        %get3A_923 = tpu.vector_load %arg7[%get3A_921, %get3A_922] {strides = array<i32>} : memref<50x64xf32, #tpu.memory_space<vmem>>, vector<1x16xf32>,
        %get3A_924 = vector.shape_cast %get3A_923 : vector<1x16xf32> to vector<16xf32>
        %add3A_925 = arith.constant 0 : i32
        %add3A_926 = arith.addi %add3A_925, %scan3A_858 : i32
        %swap3A_927 = arith.index_cast %add3A_926 : i32 to index
        %swap3A_928 = arith.constant 32 : index
        %swap3A_929 = tpu.vector_load %arg10[%swap3A_927, %swap3A_928] {strides = array<i32>} : memref<200x128xf32, #tpu.memory_space<vmem>>, vector<1x16xf32>,
        %swap3A_930 = vector.shape_cast %swap3A_929 : vector<1x16xf32> to vector<16xf32>
        %swap3A_931 = vector.shape_cast %get3A_924 : vector<16xf32> to vector<1x16xf32>
        tpu.vector_store %arg10[%swap3A_927, %swap3A_928], %swap3A_931 {add = true, strides = array<i32>} : memref<200x128xf32, #tpu.memory_space<vmem>>, vector<1x16xf32>,
        %add3A_932 = arith.constant 50 : i32
        %add3A_933 = arith.addi %add3A_932, %scan3A_858 : i32
        %swap3A_934 = arith.index_cast %add3A_933 : i32 to index
        %swap3A_935 = arith.constant 32 : index
        %swap3A_936 = tpu.vector_load %arg10[%swap3A_934, %swap3A_935] {strides = array<i32>} : memref<200x128xf32, #tpu.memory_space<vmem>>, vector<1x16xf32>,
        %swap3A_937 = vector.shape_cast %swap3A_936 : vector<1x16xf32> to vector<16xf32>
        %swap3A_938 = vector.shape_cast %get3A_924 : vector<16xf32> to vector<1x16xf32>
        tpu.vector_store %arg10[%swap3A_934, %swap3A_935], %swap3A_938 {add = true, strides = array<i32>} : memref<200x128xf32, #tpu.memory_space<vmem>>, vector<1x16xf32>,
        %add3A_939 = arith.constant 100 : i32
        %add3A_940 = arith.addi %add3A_939, %scan3A_858 : i32
        %swap3A_941 = arith.index_cast %add3A_940 : i32 to index
        %swap3A_942 = arith.constant 32 : index
        %swap3A_943 = tpu.vector_load %arg10[%swap3A_941, %swap3A_942] {strides = array<i32>} : memref<200x128xf32, #tpu.memory_space<vmem>>, vector<1x16xf32>,
        %swap3A_944 = vector.shape_cast %swap3A_943 : vector<1x16xf32> to vector<16xf32>
        %swap3A_945 = vector.shape_cast %get3A_924 : vector<16xf32> to vector<1x16xf32>
        tpu.vector_store %arg10[%swap3A_941, %swap3A_942], %swap3A_945 {add = true, strides = array<i32>} : memref<200x128xf32, #tpu.memory_space<vmem>>, vector<1x16xf32>,
        %add3A_946 = arith.constant 150 : i32
        %add3A_947 = arith.addi %add3A_946, %scan3A_858 : i32
        %swap3A_948 = arith.index_cast %add3A_947 : i32 to index
        %swap3A_949 = arith.constant 32 : index
        %swap3A_950 = tpu.vector_load %arg10[%swap3A_948, %swap3A_949] {strides = array<i32>} : memref<200x128xf32, #tpu.memory_space<vmem>>, vector<1x16xf32>,
        %swap3A_951 = vector.shape_cast %swap3A_950 : vector<1x16xf32> to vector<16xf32>
        %swap3A_952 = vector.shape_cast %get3A_924 : vector<16xf32> to vector<1x16xf32>
        tpu.vector_store %arg10[%swap3A_948, %swap3A_949], %swap3A_952 {add = true, strides = array<i32>} : memref<200x128xf32, #tpu.memory_space<vmem>>, vector<1x16xf32>,
        %get3A_953 = arith.index_cast %scan3A_858 : i32 to index
        %get3A_954 = arith.constant 48 : index
        %get3A_955 = tpu.vector_load %arg7[%get3A_953, %get3A_954] {strides = array<i32>} : memref<50x64xf32, #tpu.memory_space<vmem>>, vector<1x16xf32>,
        %get3A_956 = vector.shape_cast %get3A_955 : vector<1x16xf32> to vector<16xf32>
        %add3A_957 = arith.constant 0 : i32
        %add3A_958 = arith.addi %add3A_957, %scan3A_858 : i32
        %swap3A_959 = arith.index_cast %add3A_958 : i32 to index
        %swap3A_960 = arith.constant 48 : index
        %swap3A_961 = tpu.vector_load %arg10[%swap3A_959, %swap3A_960] {strides = array<i32>} : memref<200x128xf32, #tpu.memory_space<vmem>>, vector<1x16xf32>,
        %swap3A_962 = vector.shape_cast %swap3A_961 : vector<1x16xf32> to vector<16xf32>
        %swap3A_963 = vector.shape_cast %get3A_956 : vector<16xf32> to vector<1x16xf32>
        tpu.vector_store %arg10[%swap3A_959, %swap3A_960], %swap3A_963 {add = true, strides = array<i32>} : memref<200x128xf32, #tpu.memory_space<vmem>>, vector<1x16xf32>,
        %add3A_964 = arith.constant 50 : i32
        %add3A_965 = arith.addi %add3A_964, %scan3A_858 : i32
        %swap3A_966 = arith.index_cast %add3A_965 : i32 to index
        %swap3A_967 = arith.constant 48 : index
        %swap3A_968 = tpu.vector_load %arg10[%swap3A_966, %swap3A_967] {strides = array<i32>} : memref<200x128xf32, #tpu.memory_space<vmem>>, vector<1x16xf32>,
        %swap3A_969 = vector.shape_cast %swap3A_968 : vector<1x16xf32> to vector<16xf32>
        %swap3A_970 = vector.shape_cast %get3A_956 : vector<16xf32> to vector<1x16xf32>
        tpu.vector_store %arg10[%swap3A_966, %swap3A_967], %swap3A_970 {add = true, strides = array<i32>} : memref<200x128xf32, #tpu.memory_space<vmem>>, vector<1x16xf32>,
        %add3A_971 = arith.constant 100 : i32
        %add3A_972 = arith.addi %add3A_971, %scan3A_858 : i32
        %swap3A_973 = arith.index_cast %add3A_972 : i32 to index
        %swap3A_974 = arith.constant 48 : index
        %swap3A_975 = tpu.vector_load %arg10[%swap3A_973, %swap3A_974] {strides = array<i32>} : memref<200x128xf32, #tpu.memory_space<vmem>>, vector<1x16xf32>,
        %swap3A_976 = vector.shape_cast %swap3A_975 : vector<1x16xf32> to vector<16xf32>
        %swap3A_977 = vector.shape_cast %get3A_956 : vector<16xf32> to vector<1x16xf32>
        tpu.vector_store %arg10[%swap3A_973, %swap3A_974], %swap3A_977 {add = true, strides = array<i32>} : memref<200x128xf32, #tpu.memory_space<vmem>>, vector<1x16xf32>,
        %add3A_978 = arith.constant 150 : i32
        %add3A_979 = arith.addi %add3A_978, %scan3A_858 : i32
        %swap3A_980 = arith.index_cast %add3A_979 : i32 to index
        %swap3A_981 = arith.constant 48 : index
        %swap3A_982 = tpu.vector_load %arg10[%swap3A_980, %swap3A_981] {strides = array<i32>} : memref<200x128xf32, #tpu.memory_space<vmem>>, vector<1x16xf32>,
        %swap3A_983 = vector.shape_cast %swap3A_982 : vector<1x16xf32> to vector<16xf32>
        %swap3A_984 = vector.shape_cast %get3A_956 : vector<16xf32> to vector<1x16xf32>
        tpu.vector_store %arg10[%swap3A_980, %swap3A_981], %swap3A_984 {add = true, strides = array<i32>} : memref<200x128xf32, #tpu.memory_space<vmem>>, vector<1x16xf32>,
      }
      %scan3A_507 = arith.constant 50 : i32
      %mul3A_508 = arith.constant 4 : i32
      %mul3A_509 = arith.muli %add3A_475, %mul3A_508 : i32
      %add3A_510 = arith.addi %mul3A_4, %mul3A_509 : i32
      %add3A_511 = arith.constant 0 : i32
      %add3A_512 = arith.addi %add3A_510, %add3A_511 : i32
      %dma_start3A_513 = arith.constant 0 : i32
      %dma_start3A_514 = arith.constant 0 : i32
      %dma_start3A_515 = tpu.memref_slice %arg10[%dma_start3A_513, %dma_start3A_514] : memref<200x128xf32, #tpu.memory_space<vmem>> -> memref<50x128xf32, #tpu.memory_space<vmem>>
      %dma_start3A_516 = arith.constant 0 : i32
      %dma_start3A_517 = arith.constant 0 : i32
      %dma_start3A_518 = tpu.memref_slice %arg5[%add3A_512, %dma_start3A_516, %dma_start3A_517] : memref<4096x50x128xf32, #tpu.memory_space<hbm>> -> memref<1x50x128xf32, #tpu.memory_space<hbm>>
      %dma_start3A_519 = tpu.memref_squeeze %dma_start3A_518 : memref<1x50x128xf32, #tpu.memory_space<hbm>> -> memref<50x128xf32, #tpu.memory_space<hbm>>
      %dma_start3A_520 = arith.constant 0 : i32
      %dma_start3A_521 = arith.constant 0 : i32
      %dma_start3A_522 = tpu.memref_slice %arg5[%add3A_512, %dma_start3A_520, %dma_start3A_521] : memref<4096x50x128xf32, #tpu.memory_space<hbm>> -> memref<1x50x128xf32, #tpu.memory_space<hbm>>
      %dma_start3A_523 = tpu.memref_squeeze %dma_start3A_522 : memref<1x50x128xf32, #tpu.memory_space<hbm>> -> memref<50x128xf32, #tpu.memory_space<hbm>>
      %dma_start3A_524 = arith.constant 0 : i32
      %dma_start3A_525 = arith.constant 0 : i32
      %dma_start3A_526 = tpu.memref_slice %arg10[%dma_start3A_524, %dma_start3A_525] : memref<200x128xf32, #tpu.memory_space<vmem>> -> memref<50x128xf32, #tpu.memory_space<vmem>>
      tpu.enqueue_dma source(%dma_start3A_526 : memref<50x128xf32, #tpu.memory_space<vmem>>) target(%dma_start3A_523 : memref<50x128xf32, #tpu.memory_space<hbm>>) target_semaphore(%arg18 : memref<!tpu.dma_semaphore, #tpu.memory_space<semaphore_mem>>)
      %mul3A_527 = arith.constant 4 : i32
      %mul3A_528 = arith.muli %add3A_475, %mul3A_527 : i32
      %add3A_529 = arith.addi %mul3A_4, %mul3A_528 : i32
      %add3A_530 = arith.constant 1 : i32
      %add3A_531 = arith.addi %add3A_529, %add3A_530 : i32
      %dma_start3A_532 = arith.constant 50 : i32
      %dma_start3A_533 = arith.constant 0 : i32
      %dma_start3A_534 = tpu.memref_slice %arg10[%dma_start3A_532, %dma_start3A_533] : memref<200x128xf32, #tpu.memory_space<vmem>> -> memref<50x128xf32, #tpu.memory_space<vmem>>
      %dma_start3A_535 = arith.constant 0 : i32
      %dma_start3A_536 = arith.constant 0 : i32
      %dma_start3A_537 = tpu.memref_slice %arg5[%add3A_531, %dma_start3A_535, %dma_start3A_536] : memref<4096x50x128xf32, #tpu.memory_space<hbm>> -> memref<1x50x128xf32, #tpu.memory_space<hbm>>
      %dma_start3A_538 = tpu.memref_squeeze %dma_start3A_537 : memref<1x50x128xf32, #tpu.memory_space<hbm>> -> memref<50x128xf32, #tpu.memory_space<hbm>>
      %dma_start3A_539 = arith.constant 0 : i32
      %dma_start3A_540 = arith.constant 0 : i32
      %dma_start3A_541 = tpu.memref_slice %arg5[%add3A_531, %dma_start3A_539, %dma_start3A_540] : memref<4096x50x128xf32, #tpu.memory_space<hbm>> -> memref<1x50x128xf32, #tpu.memory_space<hbm>>
      %dma_start3A_542 = tpu.memref_squeeze %dma_start3A_541 : memref<1x50x128xf32, #tpu.memory_space<hbm>> -> memref<50x128xf32, #tpu.memory_space<hbm>>
      %dma_start3A_543 = arith.constant 50 : i32
      %dma_start3A_544 = arith.constant 0 : i32
      %dma_start3A_545 = tpu.memref_slice %arg10[%dma_start3A_543, %dma_start3A_544] : memref<200x128xf32, #tpu.memory_space<vmem>> -> memref<50x128xf32, #tpu.memory_space<vmem>>
      tpu.enqueue_dma source(%dma_start3A_545 : memref<50x128xf32, #tpu.memory_space<vmem>>) target(%dma_start3A_542 : memref<50x128xf32, #tpu.memory_space<hbm>>) target_semaphore(%arg18 : memref<!tpu.dma_semaphore, #tpu.memory_space<semaphore_mem>>)
      %mul3A_546 = arith.constant 4 : i32
      %mul3A_547 = arith.muli %add3A_475, %mul3A_546 : i32
      %add3A_548 = arith.addi %mul3A_4, %mul3A_547 : i32
      %add3A_549 = arith.constant 2 : i32
      %add3A_550 = arith.addi %add3A_548, %add3A_549 : i32
      %dma_start3A_551 = arith.constant 100 : i32
      %dma_start3A_552 = arith.constant 0 : i32
      %dma_start3A_553 = tpu.memref_slice %arg10[%dma_start3A_551, %dma_start3A_552] : memref<200x128xf32, #tpu.memory_space<vmem>> -> memref<50x128xf32, #tpu.memory_space<vmem>>
      %dma_start3A_554 = arith.constant 0 : i32
      %dma_start3A_555 = arith.constant 0 : i32
      %dma_start3A_556 = tpu.memref_slice %arg5[%add3A_550, %dma_start3A_554, %dma_start3A_555] : memref<4096x50x128xf32, #tpu.memory_space<hbm>> -> memref<1x50x128xf32, #tpu.memory_space<hbm>>
      %dma_start3A_557 = tpu.memref_squeeze %dma_start3A_556 : memref<1x50x128xf32, #tpu.memory_space<hbm>> -> memref<50x128xf32, #tpu.memory_space<hbm>>
      %dma_start3A_558 = arith.constant 0 : i32
      %dma_start3A_559 = arith.constant 0 : i32
      %dma_start3A_560 = tpu.memref_slice %arg5[%add3A_550, %dma_start3A_558, %dma_start3A_559] : memref<4096x50x128xf32, #tpu.memory_space<hbm>> -> memref<1x50x128xf32, #tpu.memory_space<hbm>>
      %dma_start3A_561 = tpu.memref_squeeze %dma_start3A_560 : memref<1x50x128xf32, #tpu.memory_space<hbm>> -> memref<50x128xf32, #tpu.memory_space<hbm>>
      %dma_start3A_562 = arith.constant 100 : i32
      %dma_start3A_563 = arith.constant 0 : i32
      %dma_start3A_564 = tpu.memref_slice %arg10[%dma_start3A_562, %dma_start3A_563] : memref<200x128xf32, #tpu.memory_space<vmem>> -> memref<50x128xf32, #tpu.memory_space<vmem>>
      tpu.enqueue_dma source(%dma_start3A_564 : memref<50x128xf32, #tpu.memory_space<vmem>>) target(%dma_start3A_561 : memref<50x128xf32, #tpu.memory_space<hbm>>) target_semaphore(%arg18 : memref<!tpu.dma_semaphore, #tpu.memory_space<semaphore_mem>>)
      %mul3A_565 = arith.constant 4 : i32
      %mul3A_566 = arith.muli %add3A_475, %mul3A_565 : i32
      %add3A_567 = arith.addi %mul3A_4, %mul3A_566 : i32
      %add3A_568 = arith.constant 3 : i32
      %add3A_569 = arith.addi %add3A_567, %add3A_568 : i32
      %dma_start3A_570 = arith.constant 150 : i32
      %dma_start3A_571 = arith.constant 0 : i32
      %dma_start3A_572 = tpu.memref_slice %arg10[%dma_start3A_570, %dma_start3A_571] : memref<200x128xf32, #tpu.memory_space<vmem>> -> memref<50x128xf32, #tpu.memory_space<vmem>>
      %dma_start3A_573 = arith.constant 0 : i32
      %dma_start3A_574 = arith.constant 0 : i32
      %dma_start3A_575 = tpu.memref_slice %arg5[%add3A_569, %dma_start3A_573, %dma_start3A_574] : memref<4096x50x128xf32, #tpu.memory_space<hbm>> -> memref<1x50x128xf32, #tpu.memory_space<hbm>>
      %dma_start3A_576 = tpu.memref_squeeze %dma_start3A_575 : memref<1x50x128xf32, #tpu.memory_space<hbm>> -> memref<50x128xf32, #tpu.memory_space<hbm>>
      %dma_start3A_577 = arith.constant 0 : i32
      %dma_start3A_578 = arith.constant 0 : i32
      %dma_start3A_579 = tpu.memref_slice %arg5[%add3A_569, %dma_start3A_577, %dma_start3A_578] : memref<4096x50x128xf32, #tpu.memory_space<hbm>> -> memref<1x50x128xf32, #tpu.memory_space<hbm>>
      %dma_start3A_580 = tpu.memref_squeeze %dma_start3A_579 : memref<1x50x128xf32, #tpu.memory_space<hbm>> -> memref<50x128xf32, #tpu.memory_space<hbm>>
      %dma_start3A_581 = arith.constant 150 : i32
      %dma_start3A_582 = arith.constant 0 : i32
      %dma_start3A_583 = tpu.memref_slice %arg10[%dma_start3A_581, %dma_start3A_582] : memref<200x128xf32, #tpu.memory_space<vmem>> -> memref<50x128xf32, #tpu.memory_space<vmem>>
      tpu.enqueue_dma source(%dma_start3A_583 : memref<50x128xf32, #tpu.memory_space<vmem>>) target(%dma_start3A_580 : memref<50x128xf32, #tpu.memory_space<hbm>>) target_semaphore(%arg18 : memref<!tpu.dma_semaphore, #tpu.memory_space<semaphore_mem>>)
      %mul3A_584 = arith.constant 4 : i32
      %mul3A_585 = arith.muli %add3A_475, %mul3A_584 : i32
      %add3A_586 = arith.addi %mul3A_4, %mul3A_585 : i32
      %add3A_587 = arith.constant 0 : i32
      %add3A_588 = arith.addi %add3A_586, %add3A_587 : i32
      %dma_wait3A_589 = arith.constant 0 : i32
      %dma_wait3A_590 = arith.constant 0 : i32
      %dma_wait3A_591 = tpu.memref_slice %arg10[%dma_wait3A_589, %dma_wait3A_590] : memref<200x128xf32, #tpu.memory_space<vmem>> -> memref<50x128xf32, #tpu.memory_space<vmem>>
      %dma_wait3A_592 = arith.constant 0 : i32
      %dma_wait3A_593 = arith.constant 0 : i32
      %dma_wait3A_594 = tpu.memref_slice %arg5[%add3A_588, %dma_wait3A_592, %dma_wait3A_593] : memref<4096x50x128xf32, #tpu.memory_space<hbm>> -> memref<1x50x128xf32, #tpu.memory_space<hbm>>
      %dma_wait3A_595 = tpu.memref_squeeze %dma_wait3A_594 : memref<1x50x128xf32, #tpu.memory_space<hbm>> -> memref<50x128xf32, #tpu.memory_space<hbm>>
      %dma_wait3A_596 = arith.constant 0 : i32
      %dma_wait3A_597 = arith.constant 0 : i32
      %dma_wait3A_598 = tpu.memref_slice %arg5[%add3A_588, %dma_wait3A_596, %dma_wait3A_597] : memref<4096x50x128xf32, #tpu.memory_space<hbm>> -> memref<1x50x128xf32, #tpu.memory_space<hbm>>
      %dma_wait3A_599 = tpu.memref_squeeze %dma_wait3A_598 : memref<1x50x128xf32, #tpu.memory_space<hbm>> -> memref<50x128xf32, #tpu.memory_space<hbm>>
      %dma_wait3A_600 = arith.constant 0 : i32
      %dma_wait3A_601 = arith.constant 0 : i32
      %dma_wait3A_602 = tpu.memref_slice %arg10[%dma_wait3A_600, %dma_wait3A_601] : memref<200x128xf32, #tpu.memory_space<vmem>> -> memref<50x128xf32, #tpu.memory_space<vmem>>
      tpu.wait_dma2 semaphore(%arg18 : memref<!tpu.dma_semaphore, #tpu.memory_space<semaphore_mem>>) src(%dma_wait3A_602 : memref<50x128xf32, #tpu.memory_space<vmem>>) dst(%dma_wait3A_599 : memref<50x128xf32, #tpu.memory_space<hbm>>)
      %mul3A_603 = arith.constant 4 : i32
      %mul3A_604 = arith.muli %add3A_475, %mul3A_603 : i32
      %add3A_605 = arith.addi %mul3A_4, %mul3A_604 : i32
      %add3A_606 = arith.constant 1 : i32
      %add3A_607 = arith.addi %add3A_605, %add3A_606 : i32
      %dma_wait3A_608 = arith.constant 50 : i32
      %dma_wait3A_609 = arith.constant 0 : i32
      %dma_wait3A_610 = tpu.memref_slice %arg10[%dma_wait3A_608, %dma_wait3A_609] : memref<200x128xf32, #tpu.memory_space<vmem>> -> memref<50x128xf32, #tpu.memory_space<vmem>>
      %dma_wait3A_611 = arith.constant 0 : i32
      %dma_wait3A_612 = arith.constant 0 : i32
      %dma_wait3A_613 = tpu.memref_slice %arg5[%add3A_607, %dma_wait3A_611, %dma_wait3A_612] : memref<4096x50x128xf32, #tpu.memory_space<hbm>> -> memref<1x50x128xf32, #tpu.memory_space<hbm>>
      %dma_wait3A_614 = tpu.memref_squeeze %dma_wait3A_613 : memref<1x50x128xf32, #tpu.memory_space<hbm>> -> memref<50x128xf32, #tpu.memory_space<hbm>>
      %dma_wait3A_615 = arith.constant 0 : i32
      %dma_wait3A_616 = arith.constant 0 : i32
      %dma_wait3A_617 = tpu.memref_slice %arg5[%add3A_607, %dma_wait3A_615, %dma_wait3A_616] : memref<4096x50x128xf32, #tpu.memory_space<hbm>> -> memref<1x50x128xf32, #tpu.memory_space<hbm>>
      %dma_wait3A_618 = tpu.memref_squeeze %dma_wait3A_617 : memref<1x50x128xf32, #tpu.memory_space<hbm>> -> memref<50x128xf32, #tpu.memory_space<hbm>>
      %dma_wait3A_619 = arith.constant 50 : i32
      %dma_wait3A_620 = arith.constant 0 : i32
      %dma_wait3A_621 = tpu.memref_slice %arg10[%dma_wait3A_619, %dma_wait3A_620] : memref<200x128xf32, #tpu.memory_space<vmem>> -> memref<50x128xf32, #tpu.memory_space<vmem>>
      tpu.wait_dma2 semaphore(%arg18 : memref<!tpu.dma_semaphore, #tpu.memory_space<semaphore_mem>>) src(%dma_wait3A_621 : memref<50x128xf32, #tpu.memory_space<vmem>>) dst(%dma_wait3A_618 : memref<50x128xf32, #tpu.memory_space<hbm>>)
      %mul3A_622 = arith.constant 4 : i32
      %mul3A_623 = arith.muli %add3A_475, %mul3A_622 : i32
      %add3A_624 = arith.addi %mul3A_4, %mul3A_623 : i32
      %add3A_625 = arith.constant 2 : i32
      %add3A_626 = arith.addi %add3A_624, %add3A_625 : i32
      %dma_wait3A_627 = arith.constant 100 : i32
      %dma_wait3A_628 = arith.constant 0 : i32
      %dma_wait3A_629 = tpu.memref_slice %arg10[%dma_wait3A_627, %dma_wait3A_628] : memref<200x128xf32, #tpu.memory_space<vmem>> -> memref<50x128xf32, #tpu.memory_space<vmem>>
      %dma_wait3A_630 = arith.constant 0 : i32
      %dma_wait3A_631 = arith.constant 0 : i32
      %dma_wait3A_632 = tpu.memref_slice %arg5[%add3A_626, %dma_wait3A_630, %dma_wait3A_631] : memref<4096x50x128xf32, #tpu.memory_space<hbm>> -> memref<1x50x128xf32, #tpu.memory_space<hbm>>
      %dma_wait3A_633 = tpu.memref_squeeze %dma_wait3A_632 : memref<1x50x128xf32, #tpu.memory_space<hbm>> -> memref<50x128xf32, #tpu.memory_space<hbm>>
      %dma_wait3A_634 = arith.constant 0 : i32
      %dma_wait3A_635 = arith.constant 0 : i32
      %dma_wait3A_636 = tpu.memref_slice %arg5[%add3A_626, %dma_wait3A_634, %dma_wait3A_635] : memref<4096x50x128xf32, #tpu.memory_space<hbm>> -> memref<1x50x128xf32, #tpu.memory_space<hbm>>
      %dma_wait3A_637 = tpu.memref_squeeze %dma_wait3A_636 : memref<1x50x128xf32, #tpu.memory_space<hbm>> -> memref<50x128xf32, #tpu.memory_space<hbm>>
      %dma_wait3A_638 = arith.constant 100 : i32
      %dma_wait3A_639 = arith.constant 0 : i32
      %dma_wait3A_640 = tpu.memref_slice %arg10[%dma_wait3A_638, %dma_wait3A_639] : memref<200x128xf32, #tpu.memory_space<vmem>> -> memref<50x128xf32, #tpu.memory_space<vmem>>
      tpu.wait_dma2 semaphore(%arg18 : memref<!tpu.dma_semaphore, #tpu.memory_space<semaphore_mem>>) src(%dma_wait3A_640 : memref<50x128xf32, #tpu.memory_space<vmem>>) dst(%dma_wait3A_637 : memref<50x128xf32, #tpu.memory_space<hbm>>)
      %mul3A_641 = arith.constant 4 : i32
      %mul3A_642 = arith.muli %add3A_475, %mul3A_641 : i32
      %add3A_643 = arith.addi %mul3A_4, %mul3A_642 : i32
      %add3A_644 = arith.constant 3 : i32
      %add3A_645 = arith.addi %add3A_643, %add3A_644 : i32
      %dma_wait3A_646 = arith.constant 150 : i32
      %dma_wait3A_647 = arith.constant 0 : i32
      %dma_wait3A_648 = tpu.memref_slice %arg10[%dma_wait3A_646, %dma_wait3A_647] : memref<200x128xf32, #tpu.memory_space<vmem>> -> memref<50x128xf32, #tpu.memory_space<vmem>>
      %dma_wait3A_649 = arith.constant 0 : i32
      %dma_wait3A_650 = arith.constant 0 : i32
      %dma_wait3A_651 = tpu.memref_slice %arg5[%add3A_645, %dma_wait3A_649, %dma_wait3A_650] : memref<4096x50x128xf32, #tpu.memory_space<hbm>> -> memref<1x50x128xf32, #tpu.memory_space<hbm>>
      %dma_wait3A_652 = tpu.memref_squeeze %dma_wait3A_651 : memref<1x50x128xf32, #tpu.memory_space<hbm>> -> memref<50x128xf32, #tpu.memory_space<hbm>>
      %dma_wait3A_653 = arith.constant 0 : i32
      %dma_wait3A_654 = arith.constant 0 : i32
      %dma_wait3A_655 = tpu.memref_slice %arg5[%add3A_645, %dma_wait3A_653, %dma_wait3A_654] : memref<4096x50x128xf32, #tpu.memory_space<hbm>> -> memref<1x50x128xf32, #tpu.memory_space<hbm>>
      %dma_wait3A_656 = tpu.memref_squeeze %dma_wait3A_655 : memref<1x50x128xf32, #tpu.memory_space<hbm>> -> memref<50x128xf32, #tpu.memory_space<hbm>>
      %dma_wait3A_657 = arith.constant 150 : i32
      %dma_wait3A_658 = arith.constant 0 : i32
      %dma_wait3A_659 = tpu.memref_slice %arg10[%dma_wait3A_657, %dma_wait3A_658] : memref<200x128xf32, #tpu.memory_space<vmem>> -> memref<50x128xf32, #tpu.memory_space<vmem>>
      tpu.wait_dma2 semaphore(%arg18 : memref<!tpu.dma_semaphore, #tpu.memory_space<semaphore_mem>>) src(%dma_wait3A_659 : memref<50x128xf32, #tpu.memory_space<vmem>>) dst(%dma_wait3A_656 : memref<50x128xf32, #tpu.memory_space<hbm>>)
      %lt3A_660 = arith.constant 7 : i32
      %lt3A_661 = arith.cmpi slt, %scan3A_89, %lt3A_660 : i32
      %convert_element_type3A_662 = arith.extui %lt3A_661 : i1 to i32
      %cond3A_663 = arith.constant 0 : i32
      %cond3A_664 = arith.cmpi ne, %convert_element_type3A_662, %cond3A_663 : i32
      scf.if %cond3A_664 {
        %add3A_858 = arith.constant 4 : i32
        %add3A_859 = arith.addi %add3A_475, %add3A_858 : i32
        %mul3A_860 = arith.constant 2 : i32
        %mul3A_861 = arith.muli %add3A_859, %mul3A_860 : i32
        %add3A_862 = arith.constant 0 : i32
        %add3A_863 = arith.addi %mul3A_861, %add3A_862 : i32
        %dma_start3A_864 = arith.constant 0 : i32
        %dma_start3A_865 = arith.constant 0 : i32
        %dma_start3A_866 = tpu.memref_slice %arg10[%dma_start3A_864, %dma_start3A_865] : memref<200x128xf32, #tpu.memory_space<vmem>> -> memref<100x128xf32, #tpu.memory_space<vmem>>
        %dma_start3A_867 = arith.constant 0 : i32
        %dma_start3A_868 = tpu.memref_slice %arg6[%add3A_863, %dma_start3A_867] : memref<64x100xi32, #tpu.memory_space<vmem>> -> memref<1x100xi32, #tpu.memory_space<vmem>>
        %dma_start3A_869 = tpu.memref_squeeze %dma_start3A_868 : memref<1x100xi32, #tpu.memory_space<vmem>> -> memref<100xi32, #tpu.memory_space<vmem>>
        %dma_start3A_870 = arith.constant 0 : i32
        %dma_start3A_871 = arith.constant 0 : i32
        %dma_start3A_872 = tpu.memref_slice %arg3[%dma_start3A_870, %dma_start3A_871] : memref<1000002x128xf32, #tpu.memory_space<hbm>> -> memref<1000002x128xf32, #tpu.memory_space<hbm>>
        tpu.enqueue_indirect_dma source(%dma_start3A_872 : memref<1000002x128xf32, #tpu.memory_space<hbm>>) target(%dma_start3A_866 : memref<100x128xf32, #tpu.memory_space<vmem>>) offsets(%dma_start3A_869 : memref<100xi32, #tpu.memory_space<vmem>>) semaphore(%arg14 : memref<!tpu.dma_semaphore, #tpu.memory_space<semaphore_mem>>)
        %mul3A_873 = arith.constant 2 : i32
        %mul3A_874 = arith.muli %add3A_859, %mul3A_873 : i32
        %add3A_875 = arith.constant 1 : i32
        %add3A_876 = arith.addi %mul3A_874, %add3A_875 : i32
        %dma_start3A_877 = arith.constant 100 : i32
        %dma_start3A_878 = arith.constant 0 : i32
        %dma_start3A_879 = tpu.memref_slice %arg10[%dma_start3A_877, %dma_start3A_878] : memref<200x128xf32, #tpu.memory_space<vmem>> -> memref<100x128xf32, #tpu.memory_space<vmem>>
        %dma_start3A_880 = arith.constant 0 : i32
        %dma_start3A_881 = tpu.memref_slice %arg6[%add3A_876, %dma_start3A_880] : memref<64x100xi32, #tpu.memory_space<vmem>> -> memref<1x100xi32, #tpu.memory_space<vmem>>
        %dma_start3A_882 = tpu.memref_squeeze %dma_start3A_881 : memref<1x100xi32, #tpu.memory_space<vmem>> -> memref<100xi32, #tpu.memory_space<vmem>>
        %dma_start3A_883 = arith.constant 0 : i32
        %dma_start3A_884 = arith.constant 0 : i32
        %dma_start3A_885 = tpu.memref_slice %arg3[%dma_start3A_883, %dma_start3A_884] : memref<1000002x128xf32, #tpu.memory_space<hbm>> -> memref<1000002x128xf32, #tpu.memory_space<hbm>>
        tpu.enqueue_indirect_dma source(%dma_start3A_885 : memref<1000002x128xf32, #tpu.memory_space<hbm>>) target(%dma_start3A_879 : memref<100x128xf32, #tpu.memory_space<vmem>>) offsets(%dma_start3A_882 : memref<100xi32, #tpu.memory_space<vmem>>) semaphore(%arg14 : memref<!tpu.dma_semaphore, #tpu.memory_space<semaphore_mem>>)
      } else {
      }
      %mul3A_665 = arith.constant 4 : i32
      %mul3A_666 = arith.muli %scan3A_89, %mul3A_665 : i32
      %add3A_667 = arith.constant 3 : i32
      %add3A_668 = arith.addi %mul3A_666, %add3A_667 : i32
      %mul3A_669 = arith.constant 2 : i32
      %mul3A_670 = arith.muli %add3A_668, %mul3A_669 : i32
      %add3A_671 = arith.constant 0 : i32
      %add3A_672 = arith.addi %mul3A_670, %add3A_671 : i32
      %dma_wait3A_673 = arith.constant 0 : i32
      %dma_wait3A_674 = arith.constant 0 : i32
      %dma_wait3A_675 = tpu.memref_slice %arg11[%dma_wait3A_673, %dma_wait3A_674] : memref<200x128xf32, #tpu.memory_space<vmem>> -> memref<100x128xf32, #tpu.memory_space<vmem>>
      %dma_wait3A_676 = arith.constant 0 : i32
      %dma_wait3A_677 = tpu.memref_slice %arg6[%add3A_672, %dma_wait3A_676] : memref<64x100xi32, #tpu.memory_space<vmem>> -> memref<1x100xi32, #tpu.memory_space<vmem>>
      %dma_wait3A_678 = tpu.memref_squeeze %dma_wait3A_677 : memref<1x100xi32, #tpu.memory_space<vmem>> -> memref<100xi32, #tpu.memory_space<vmem>>
      %dma_wait3A_679 = arith.constant 0 : i32
      %dma_wait3A_680 = arith.constant 0 : i32
      %dma_wait3A_681 = tpu.memref_slice %arg3[%dma_wait3A_679, %dma_wait3A_680] : memref<1000002x128xf32, #tpu.memory_space<hbm>> -> memref<1000002x128xf32, #tpu.memory_space<hbm>>
      tpu.wait_indirect_dma semaphore(%arg15 : memref<!tpu.dma_semaphore, #tpu.memory_space<semaphore_mem>>) src(%dma_wait3A_681 : memref<1000002x128xf32, #tpu.memory_space<hbm>>) dst(%dma_wait3A_675 : memref<100x128xf32, #tpu.memory_space<vmem>>)
      %mul3A_682 = arith.constant 2 : i32
      %mul3A_683 = arith.muli %add3A_668, %mul3A_682 : i32
      %add3A_684 = arith.constant 1 : i32
      %add3A_685 = arith.addi %mul3A_683, %add3A_684 : i32
      %dma_wait3A_686 = arith.constant 100 : i32
      %dma_wait3A_687 = arith.constant 0 : i32
      %dma_wait3A_688 = tpu.memref_slice %arg11[%dma_wait3A_686, %dma_wait3A_687] : memref<200x128xf32, #tpu.memory_space<vmem>> -> memref<100x128xf32, #tpu.memory_space<vmem>>
      %dma_wait3A_689 = arith.constant 0 : i32
      %dma_wait3A_690 = tpu.memref_slice %arg6[%add3A_685, %dma_wait3A_689] : memref<64x100xi32, #tpu.memory_space<vmem>> -> memref<1x100xi32, #tpu.memory_space<vmem>>
      %dma_wait3A_691 = tpu.memref_squeeze %dma_wait3A_690 : memref<1x100xi32, #tpu.memory_space<vmem>> -> memref<100xi32, #tpu.memory_space<vmem>>
      %dma_wait3A_692 = arith.constant 0 : i32
      %dma_wait3A_693 = arith.constant 0 : i32
      %dma_wait3A_694 = tpu.memref_slice %arg3[%dma_wait3A_692, %dma_wait3A_693] : memref<1000002x128xf32, #tpu.memory_space<hbm>> -> memref<1000002x128xf32, #tpu.memory_space<hbm>>
      tpu.wait_indirect_dma semaphore(%arg15 : memref<!tpu.dma_semaphore, #tpu.memory_space<semaphore_mem>>) src(%dma_wait3A_694 : memref<1000002x128xf32, #tpu.memory_space<hbm>>) dst(%dma_wait3A_688 : memref<100x128xf32, #tpu.memory_space<vmem>>)
      %scan3A_695 = arith.constant 0 : i32
      %scan3A_696 = arith.constant 0 : i32
      %scan3A_697 = arith.constant 50 : i32
      %scan3A_698 = arith.addi %scan3A_696, %scan3A_697 : i32
      %scan3A_699 = arith.constant 1 : i32
      scf.for %scan3A_858 = %scan3A_696 to %scan3A_698 step %scan3A_699  : i32 {
        %get3A = arith.index_cast %scan3A_858 : i32 to index
        %get3A_859 = arith.constant 0 : index
        %get3A_860 = tpu.vector_load %arg7[%get3A, %get3A_859] {strides = array<i32>} : memref<50x64xf32, #tpu.memory_space<vmem>>, vector<1x16xf32>,
        %get3A_861 = vector.shape_cast %get3A_860 : vector<1x16xf32> to vector<16xf32>
        %add3A_862 = arith.constant 0 : i32
        %add3A_863 = arith.addi %add3A_862, %scan3A_858 : i32
        %swap3A = arith.index_cast %add3A_863 : i32 to index
        %swap3A_864 = arith.constant 0 : index
        %swap3A_865 = tpu.vector_load %arg11[%swap3A, %swap3A_864] {strides = array<i32>} : memref<200x128xf32, #tpu.memory_space<vmem>>, vector<1x16xf32>,
        %swap3A_866 = vector.shape_cast %swap3A_865 : vector<1x16xf32> to vector<16xf32>
        %swap3A_867 = vector.shape_cast %get3A_861 : vector<16xf32> to vector<1x16xf32>
        tpu.vector_store %arg11[%swap3A, %swap3A_864], %swap3A_867 {add = true, strides = array<i32>} : memref<200x128xf32, #tpu.memory_space<vmem>>, vector<1x16xf32>,
        %add3A_868 = arith.constant 50 : i32
        %add3A_869 = arith.addi %add3A_868, %scan3A_858 : i32
        %swap3A_870 = arith.index_cast %add3A_869 : i32 to index
        %swap3A_871 = arith.constant 0 : index
        %swap3A_872 = tpu.vector_load %arg11[%swap3A_870, %swap3A_871] {strides = array<i32>} : memref<200x128xf32, #tpu.memory_space<vmem>>, vector<1x16xf32>,
        %swap3A_873 = vector.shape_cast %swap3A_872 : vector<1x16xf32> to vector<16xf32>
        %swap3A_874 = vector.shape_cast %get3A_861 : vector<16xf32> to vector<1x16xf32>
        tpu.vector_store %arg11[%swap3A_870, %swap3A_871], %swap3A_874 {add = true, strides = array<i32>} : memref<200x128xf32, #tpu.memory_space<vmem>>, vector<1x16xf32>,
        %add3A_875 = arith.constant 100 : i32
        %add3A_876 = arith.addi %add3A_875, %scan3A_858 : i32
        %swap3A_877 = arith.index_cast %add3A_876 : i32 to index
        %swap3A_878 = arith.constant 0 : index
        %swap3A_879 = tpu.vector_load %arg11[%swap3A_877, %swap3A_878] {strides = array<i32>} : memref<200x128xf32, #tpu.memory_space<vmem>>, vector<1x16xf32>,
        %swap3A_880 = vector.shape_cast %swap3A_879 : vector<1x16xf32> to vector<16xf32>
        %swap3A_881 = vector.shape_cast %get3A_861 : vector<16xf32> to vector<1x16xf32>
        tpu.vector_store %arg11[%swap3A_877, %swap3A_878], %swap3A_881 {add = true, strides = array<i32>} : memref<200x128xf32, #tpu.memory_space<vmem>>, vector<1x16xf32>,
        %add3A_882 = arith.constant 150 : i32
        %add3A_883 = arith.addi %add3A_882, %scan3A_858 : i32
        %swap3A_884 = arith.index_cast %add3A_883 : i32 to index
        %swap3A_885 = arith.constant 0 : index
        %swap3A_886 = tpu.vector_load %arg11[%swap3A_884, %swap3A_885] {strides = array<i32>} : memref<200x128xf32, #tpu.memory_space<vmem>>, vector<1x16xf32>,
        %swap3A_887 = vector.shape_cast %swap3A_886 : vector<1x16xf32> to vector<16xf32>
        %swap3A_888 = vector.shape_cast %get3A_861 : vector<16xf32> to vector<1x16xf32>
        tpu.vector_store %arg11[%swap3A_884, %swap3A_885], %swap3A_888 {add = true, strides = array<i32>} : memref<200x128xf32, #tpu.memory_space<vmem>>, vector<1x16xf32>,
        %get3A_889 = arith.index_cast %scan3A_858 : i32 to index
        %get3A_890 = arith.constant 16 : index
        %get3A_891 = tpu.vector_load %arg7[%get3A_889, %get3A_890] {strides = array<i32>} : memref<50x64xf32, #tpu.memory_space<vmem>>, vector<1x16xf32>,
        %get3A_892 = vector.shape_cast %get3A_891 : vector<1x16xf32> to vector<16xf32>
        %add3A_893 = arith.constant 0 : i32
        %add3A_894 = arith.addi %add3A_893, %scan3A_858 : i32
        %swap3A_895 = arith.index_cast %add3A_894 : i32 to index
        %swap3A_896 = arith.constant 16 : index
        %swap3A_897 = tpu.vector_load %arg11[%swap3A_895, %swap3A_896] {strides = array<i32>} : memref<200x128xf32, #tpu.memory_space<vmem>>, vector<1x16xf32>,
        %swap3A_898 = vector.shape_cast %swap3A_897 : vector<1x16xf32> to vector<16xf32>
        %swap3A_899 = vector.shape_cast %get3A_892 : vector<16xf32> to vector<1x16xf32>
        tpu.vector_store %arg11[%swap3A_895, %swap3A_896], %swap3A_899 {add = true, strides = array<i32>} : memref<200x128xf32, #tpu.memory_space<vmem>>, vector<1x16xf32>,
        %add3A_900 = arith.constant 50 : i32
        %add3A_901 = arith.addi %add3A_900, %scan3A_858 : i32
        %swap3A_902 = arith.index_cast %add3A_901 : i32 to index
        %swap3A_903 = arith.constant 16 : index
        %swap3A_904 = tpu.vector_load %arg11[%swap3A_902, %swap3A_903] {strides = array<i32>} : memref<200x128xf32, #tpu.memory_space<vmem>>, vector<1x16xf32>,
        %swap3A_905 = vector.shape_cast %swap3A_904 : vector<1x16xf32> to vector<16xf32>
        %swap3A_906 = vector.shape_cast %get3A_892 : vector<16xf32> to vector<1x16xf32>
        tpu.vector_store %arg11[%swap3A_902, %swap3A_903], %swap3A_906 {add = true, strides = array<i32>} : memref<200x128xf32, #tpu.memory_space<vmem>>, vector<1x16xf32>,
        %add3A_907 = arith.constant 100 : i32
        %add3A_908 = arith.addi %add3A_907, %scan3A_858 : i32
        %swap3A_909 = arith.index_cast %add3A_908 : i32 to index
        %swap3A_910 = arith.constant 16 : index
        %swap3A_911 = tpu.vector_load %arg11[%swap3A_909, %swap3A_910] {strides = array<i32>} : memref<200x128xf32, #tpu.memory_space<vmem>>, vector<1x16xf32>,
        %swap3A_912 = vector.shape_cast %swap3A_911 : vector<1x16xf32> to vector<16xf32>
        %swap3A_913 = vector.shape_cast %get3A_892 : vector<16xf32> to vector<1x16xf32>
        tpu.vector_store %arg11[%swap3A_909, %swap3A_910], %swap3A_913 {add = true, strides = array<i32>} : memref<200x128xf32, #tpu.memory_space<vmem>>, vector<1x16xf32>,
        %add3A_914 = arith.constant 150 : i32
        %add3A_915 = arith.addi %add3A_914, %scan3A_858 : i32
        %swap3A_916 = arith.index_cast %add3A_915 : i32 to index
        %swap3A_917 = arith.constant 16 : index
        %swap3A_918 = tpu.vector_load %arg11[%swap3A_916, %swap3A_917] {strides = array<i32>} : memref<200x128xf32, #tpu.memory_space<vmem>>, vector<1x16xf32>,
        %swap3A_919 = vector.shape_cast %swap3A_918 : vector<1x16xf32> to vector<16xf32>
        %swap3A_920 = vector.shape_cast %get3A_892 : vector<16xf32> to vector<1x16xf32>
        tpu.vector_store %arg11[%swap3A_916, %swap3A_917], %swap3A_920 {add = true, strides = array<i32>} : memref<200x128xf32, #tpu.memory_space<vmem>>, vector<1x16xf32>,
        %get3A_921 = arith.index_cast %scan3A_858 : i32 to index
        %get3A_922 = arith.constant 32 : index
        %get3A_923 = tpu.vector_load %arg7[%get3A_921, %get3A_922] {strides = array<i32>} : memref<50x64xf32, #tpu.memory_space<vmem>>, vector<1x16xf32>,
        %get3A_924 = vector.shape_cast %get3A_923 : vector<1x16xf32> to vector<16xf32>
        %add3A_925 = arith.constant 0 : i32
        %add3A_926 = arith.addi %add3A_925, %scan3A_858 : i32
        %swap3A_927 = arith.index_cast %add3A_926 : i32 to index
        %swap3A_928 = arith.constant 32 : index
        %swap3A_929 = tpu.vector_load %arg11[%swap3A_927, %swap3A_928] {strides = array<i32>} : memref<200x128xf32, #tpu.memory_space<vmem>>, vector<1x16xf32>,
        %swap3A_930 = vector.shape_cast %swap3A_929 : vector<1x16xf32> to vector<16xf32>
        %swap3A_931 = vector.shape_cast %get3A_924 : vector<16xf32> to vector<1x16xf32>
        tpu.vector_store %arg11[%swap3A_927, %swap3A_928], %swap3A_931 {add = true, strides = array<i32>} : memref<200x128xf32, #tpu.memory_space<vmem>>, vector<1x16xf32>,
        %add3A_932 = arith.constant 50 : i32
        %add3A_933 = arith.addi %add3A_932, %scan3A_858 : i32
        %swap3A_934 = arith.index_cast %add3A_933 : i32 to index
        %swap3A_935 = arith.constant 32 : index
        %swap3A_936 = tpu.vector_load %arg11[%swap3A_934, %swap3A_935] {strides = array<i32>} : memref<200x128xf32, #tpu.memory_space<vmem>>, vector<1x16xf32>,
        %swap3A_937 = vector.shape_cast %swap3A_936 : vector<1x16xf32> to vector<16xf32>
        %swap3A_938 = vector.shape_cast %get3A_924 : vector<16xf32> to vector<1x16xf32>
        tpu.vector_store %arg11[%swap3A_934, %swap3A_935], %swap3A_938 {add = true, strides = array<i32>} : memref<200x128xf32, #tpu.memory_space<vmem>>, vector<1x16xf32>,
        %add3A_939 = arith.constant 100 : i32
        %add3A_940 = arith.addi %add3A_939, %scan3A_858 : i32
        %swap3A_941 = arith.index_cast %add3A_940 : i32 to index
        %swap3A_942 = arith.constant 32 : index
        %swap3A_943 = tpu.vector_load %arg11[%swap3A_941, %swap3A_942] {strides = array<i32>} : memref<200x128xf32, #tpu.memory_space<vmem>>, vector<1x16xf32>,
        %swap3A_944 = vector.shape_cast %swap3A_943 : vector<1x16xf32> to vector<16xf32>
        %swap3A_945 = vector.shape_cast %get3A_924 : vector<16xf32> to vector<1x16xf32>
        tpu.vector_store %arg11[%swap3A_941, %swap3A_942], %swap3A_945 {add = true, strides = array<i32>} : memref<200x128xf32, #tpu.memory_space<vmem>>, vector<1x16xf32>,
        %add3A_946 = arith.constant 150 : i32
        %add3A_947 = arith.addi %add3A_946, %scan3A_858 : i32
        %swap3A_948 = arith.index_cast %add3A_947 : i32 to index
        %swap3A_949 = arith.constant 32 : index
        %swap3A_950 = tpu.vector_load %arg11[%swap3A_948, %swap3A_949] {strides = array<i32>} : memref<200x128xf32, #tpu.memory_space<vmem>>, vector<1x16xf32>,
        %swap3A_951 = vector.shape_cast %swap3A_950 : vector<1x16xf32> to vector<16xf32>
        %swap3A_952 = vector.shape_cast %get3A_924 : vector<16xf32> to vector<1x16xf32>
        tpu.vector_store %arg11[%swap3A_948, %swap3A_949], %swap3A_952 {add = true, strides = array<i32>} : memref<200x128xf32, #tpu.memory_space<vmem>>, vector<1x16xf32>,
        %get3A_953 = arith.index_cast %scan3A_858 : i32 to index
        %get3A_954 = arith.constant 48 : index
        %get3A_955 = tpu.vector_load %arg7[%get3A_953, %get3A_954] {strides = array<i32>} : memref<50x64xf32, #tpu.memory_space<vmem>>, vector<1x16xf32>,
        %get3A_956 = vector.shape_cast %get3A_955 : vector<1x16xf32> to vector<16xf32>
        %add3A_957 = arith.constant 0 : i32
        %add3A_958 = arith.addi %add3A_957, %scan3A_858 : i32
        %swap3A_959 = arith.index_cast %add3A_958 : i32 to index
        %swap3A_960 = arith.constant 48 : index
        %swap3A_961 = tpu.vector_load %arg11[%swap3A_959, %swap3A_960] {strides = array<i32>} : memref<200x128xf32, #tpu.memory_space<vmem>>, vector<1x16xf32>,
        %swap3A_962 = vector.shape_cast %swap3A_961 : vector<1x16xf32> to vector<16xf32>
        %swap3A_963 = vector.shape_cast %get3A_956 : vector<16xf32> to vector<1x16xf32>
        tpu.vector_store %arg11[%swap3A_959, %swap3A_960], %swap3A_963 {add = true, strides = array<i32>} : memref<200x128xf32, #tpu.memory_space<vmem>>, vector<1x16xf32>,
        %add3A_964 = arith.constant 50 : i32
        %add3A_965 = arith.addi %add3A_964, %scan3A_858 : i32
        %swap3A_966 = arith.index_cast %add3A_965 : i32 to index
        %swap3A_967 = arith.constant 48 : index
        %swap3A_968 = tpu.vector_load %arg11[%swap3A_966, %swap3A_967] {strides = array<i32>} : memref<200x128xf32, #tpu.memory_space<vmem>>, vector<1x16xf32>,
        %swap3A_969 = vector.shape_cast %swap3A_968 : vector<1x16xf32> to vector<16xf32>
        %swap3A_970 = vector.shape_cast %get3A_956 : vector<16xf32> to vector<1x16xf32>
        tpu.vector_store %arg11[%swap3A_966, %swap3A_967], %swap3A_970 {add = true, strides = array<i32>} : memref<200x128xf32, #tpu.memory_space<vmem>>, vector<1x16xf32>,
        %add3A_971 = arith.constant 100 : i32
        %add3A_972 = arith.addi %add3A_971, %scan3A_858 : i32
        %swap3A_973 = arith.index_cast %add3A_972 : i32 to index
        %swap3A_974 = arith.constant 48 : index
        %swap3A_975 = tpu.vector_load %arg11[%swap3A_973, %swap3A_974] {strides = array<i32>} : memref<200x128xf32, #tpu.memory_space<vmem>>, vector<1x16xf32>,
        %swap3A_976 = vector.shape_cast %swap3A_975 : vector<1x16xf32> to vector<16xf32>
        %swap3A_977 = vector.shape_cast %get3A_956 : vector<16xf32> to vector<1x16xf32>
        tpu.vector_store %arg11[%swap3A_973, %swap3A_974], %swap3A_977 {add = true, strides = array<i32>} : memref<200x128xf32, #tpu.memory_space<vmem>>, vector<1x16xf32>,
        %add3A_978 = arith.constant 150 : i32
        %add3A_979 = arith.addi %add3A_978, %scan3A_858 : i32
        %swap3A_980 = arith.index_cast %add3A_979 : i32 to index
        %swap3A_981 = arith.constant 48 : index
        %swap3A_982 = tpu.vector_load %arg11[%swap3A_980, %swap3A_981] {strides = array<i32>} : memref<200x128xf32, #tpu.memory_space<vmem>>, vector<1x16xf32>,
        %swap3A_983 = vector.shape_cast %swap3A_982 : vector<1x16xf32> to vector<16xf32>
        %swap3A_984 = vector.shape_cast %get3A_956 : vector<16xf32> to vector<1x16xf32>
        tpu.vector_store %arg11[%swap3A_980, %swap3A_981], %swap3A_984 {add = true, strides = array<i32>} : memref<200x128xf32, #tpu.memory_space<vmem>>, vector<1x16xf32>,
      }
      %scan3A_700 = arith.constant 50 : i32
      %mul3A_701 = arith.constant 4 : i32
      %mul3A_702 = arith.muli %add3A_668, %mul3A_701 : i32
      %add3A_703 = arith.addi %mul3A_4, %mul3A_702 : i32
      %add3A_704 = arith.constant 0 : i32
      %add3A_705 = arith.addi %add3A_703, %add3A_704 : i32
      %dma_start3A_706 = arith.constant 0 : i32
      %dma_start3A_707 = arith.constant 0 : i32
      %dma_start3A_708 = tpu.memref_slice %arg11[%dma_start3A_706, %dma_start3A_707] : memref<200x128xf32, #tpu.memory_space<vmem>> -> memref<50x128xf32, #tpu.memory_space<vmem>>
      %dma_start3A_709 = arith.constant 0 : i32
      %dma_start3A_710 = arith.constant 0 : i32
      %dma_start3A_711 = tpu.memref_slice %arg5[%add3A_705, %dma_start3A_709, %dma_start3A_710] : memref<4096x50x128xf32, #tpu.memory_space<hbm>> -> memref<1x50x128xf32, #tpu.memory_space<hbm>>
      %dma_start3A_712 = tpu.memref_squeeze %dma_start3A_711 : memref<1x50x128xf32, #tpu.memory_space<hbm>> -> memref<50x128xf32, #tpu.memory_space<hbm>>
      %dma_start3A_713 = arith.constant 0 : i32
      %dma_start3A_714 = arith.constant 0 : i32
      %dma_start3A_715 = tpu.memref_slice %arg5[%add3A_705, %dma_start3A_713, %dma_start3A_714] : memref<4096x50x128xf32, #tpu.memory_space<hbm>> -> memref<1x50x128xf32, #tpu.memory_space<hbm>>
      %dma_start3A_716 = tpu.memref_squeeze %dma_start3A_715 : memref<1x50x128xf32, #tpu.memory_space<hbm>> -> memref<50x128xf32, #tpu.memory_space<hbm>>
      %dma_start3A_717 = arith.constant 0 : i32
      %dma_start3A_718 = arith.constant 0 : i32
      %dma_start3A_719 = tpu.memref_slice %arg11[%dma_start3A_717, %dma_start3A_718] : memref<200x128xf32, #tpu.memory_space<vmem>> -> memref<50x128xf32, #tpu.memory_space<vmem>>
      tpu.enqueue_dma source(%dma_start3A_719 : memref<50x128xf32, #tpu.memory_space<vmem>>) target(%dma_start3A_716 : memref<50x128xf32, #tpu.memory_space<hbm>>) target_semaphore(%arg19 : memref<!tpu.dma_semaphore, #tpu.memory_space<semaphore_mem>>)
      %mul3A_720 = arith.constant 4 : i32
      %mul3A_721 = arith.muli %add3A_668, %mul3A_720 : i32
      %add3A_722 = arith.addi %mul3A_4, %mul3A_721 : i32
      %add3A_723 = arith.constant 1 : i32
      %add3A_724 = arith.addi %add3A_722, %add3A_723 : i32
      %dma_start3A_725 = arith.constant 50 : i32
      %dma_start3A_726 = arith.constant 0 : i32
      %dma_start3A_727 = tpu.memref_slice %arg11[%dma_start3A_725, %dma_start3A_726] : memref<200x128xf32, #tpu.memory_space<vmem>> -> memref<50x128xf32, #tpu.memory_space<vmem>>
      %dma_start3A_728 = arith.constant 0 : i32
      %dma_start3A_729 = arith.constant 0 : i32
      %dma_start3A_730 = tpu.memref_slice %arg5[%add3A_724, %dma_start3A_728, %dma_start3A_729] : memref<4096x50x128xf32, #tpu.memory_space<hbm>> -> memref<1x50x128xf32, #tpu.memory_space<hbm>>
      %dma_start3A_731 = tpu.memref_squeeze %dma_start3A_730 : memref<1x50x128xf32, #tpu.memory_space<hbm>> -> memref<50x128xf32, #tpu.memory_space<hbm>>
      %dma_start3A_732 = arith.constant 0 : i32
      %dma_start3A_733 = arith.constant 0 : i32
      %dma_start3A_734 = tpu.memref_slice %arg5[%add3A_724, %dma_start3A_732, %dma_start3A_733] : memref<4096x50x128xf32, #tpu.memory_space<hbm>> -> memref<1x50x128xf32, #tpu.memory_space<hbm>>
      %dma_start3A_735 = tpu.memref_squeeze %dma_start3A_734 : memref<1x50x128xf32, #tpu.memory_space<hbm>> -> memref<50x128xf32, #tpu.memory_space<hbm>>
      %dma_start3A_736 = arith.constant 50 : i32
      %dma_start3A_737 = arith.constant 0 : i32
      %dma_start3A_738 = tpu.memref_slice %arg11[%dma_start3A_736, %dma_start3A_737] : memref<200x128xf32, #tpu.memory_space<vmem>> -> memref<50x128xf32, #tpu.memory_space<vmem>>
      tpu.enqueue_dma source(%dma_start3A_738 : memref<50x128xf32, #tpu.memory_space<vmem>>) target(%dma_start3A_735 : memref<50x128xf32, #tpu.memory_space<hbm>>) target_semaphore(%arg19 : memref<!tpu.dma_semaphore, #tpu.memory_space<semaphore_mem>>)
      %mul3A_739 = arith.constant 4 : i32
      %mul3A_740 = arith.muli %add3A_668, %mul3A_739 : i32
      %add3A_741 = arith.addi %mul3A_4, %mul3A_740 : i32
      %add3A_742 = arith.constant 2 : i32
      %add3A_743 = arith.addi %add3A_741, %add3A_742 : i32
      %dma_start3A_744 = arith.constant 100 : i32
      %dma_start3A_745 = arith.constant 0 : i32
      %dma_start3A_746 = tpu.memref_slice %arg11[%dma_start3A_744, %dma_start3A_745] : memref<200x128xf32, #tpu.memory_space<vmem>> -> memref<50x128xf32, #tpu.memory_space<vmem>>
      %dma_start3A_747 = arith.constant 0 : i32
      %dma_start3A_748 = arith.constant 0 : i32
      %dma_start3A_749 = tpu.memref_slice %arg5[%add3A_743, %dma_start3A_747, %dma_start3A_748] : memref<4096x50x128xf32, #tpu.memory_space<hbm>> -> memref<1x50x128xf32, #tpu.memory_space<hbm>>
      %dma_start3A_750 = tpu.memref_squeeze %dma_start3A_749 : memref<1x50x128xf32, #tpu.memory_space<hbm>> -> memref<50x128xf32, #tpu.memory_space<hbm>>
      %dma_start3A_751 = arith.constant 0 : i32
      %dma_start3A_752 = arith.constant 0 : i32
      %dma_start3A_753 = tpu.memref_slice %arg5[%add3A_743, %dma_start3A_751, %dma_start3A_752] : memref<4096x50x128xf32, #tpu.memory_space<hbm>> -> memref<1x50x128xf32, #tpu.memory_space<hbm>>
      %dma_start3A_754 = tpu.memref_squeeze %dma_start3A_753 : memref<1x50x128xf32, #tpu.memory_space<hbm>> -> memref<50x128xf32, #tpu.memory_space<hbm>>
      %dma_start3A_755 = arith.constant 100 : i32
      %dma_start3A_756 = arith.constant 0 : i32
      %dma_start3A_757 = tpu.memref_slice %arg11[%dma_start3A_755, %dma_start3A_756] : memref<200x128xf32, #tpu.memory_space<vmem>> -> memref<50x128xf32, #tpu.memory_space<vmem>>
      tpu.enqueue_dma source(%dma_start3A_757 : memref<50x128xf32, #tpu.memory_space<vmem>>) target(%dma_start3A_754 : memref<50x128xf32, #tpu.memory_space<hbm>>) target_semaphore(%arg19 : memref<!tpu.dma_semaphore, #tpu.memory_space<semaphore_mem>>)
      %mul3A_758 = arith.constant 4 : i32
      %mul3A_759 = arith.muli %add3A_668, %mul3A_758 : i32
      %add3A_760 = arith.addi %mul3A_4, %mul3A_759 : i32
      %add3A_761 = arith.constant 3 : i32
      %add3A_762 = arith.addi %add3A_760, %add3A_761 : i32
      %dma_start3A_763 = arith.constant 150 : i32
      %dma_start3A_764 = arith.constant 0 : i32
      %dma_start3A_765 = tpu.memref_slice %arg11[%dma_start3A_763, %dma_start3A_764] : memref<200x128xf32, #tpu.memory_space<vmem>> -> memref<50x128xf32, #tpu.memory_space<vmem>>
      %dma_start3A_766 = arith.constant 0 : i32
      %dma_start3A_767 = arith.constant 0 : i32
      %dma_start3A_768 = tpu.memref_slice %arg5[%add3A_762, %dma_start3A_766, %dma_start3A_767] : memref<4096x50x128xf32, #tpu.memory_space<hbm>> -> memref<1x50x128xf32, #tpu.memory_space<hbm>>
      %dma_start3A_769 = tpu.memref_squeeze %dma_start3A_768 : memref<1x50x128xf32, #tpu.memory_space<hbm>> -> memref<50x128xf32, #tpu.memory_space<hbm>>
      %dma_start3A_770 = arith.constant 0 : i32
      %dma_start3A_771 = arith.constant 0 : i32
      %dma_start3A_772 = tpu.memref_slice %arg5[%add3A_762, %dma_start3A_770, %dma_start3A_771] : memref<4096x50x128xf32, #tpu.memory_space<hbm>> -> memref<1x50x128xf32, #tpu.memory_space<hbm>>
      %dma_start3A_773 = tpu.memref_squeeze %dma_start3A_772 : memref<1x50x128xf32, #tpu.memory_space<hbm>> -> memref<50x128xf32, #tpu.memory_space<hbm>>
      %dma_start3A_774 = arith.constant 150 : i32
      %dma_start3A_775 = arith.constant 0 : i32
      %dma_start3A_776 = tpu.memref_slice %arg11[%dma_start3A_774, %dma_start3A_775] : memref<200x128xf32, #tpu.memory_space<vmem>> -> memref<50x128xf32, #tpu.memory_space<vmem>>
      tpu.enqueue_dma source(%dma_start3A_776 : memref<50x128xf32, #tpu.memory_space<vmem>>) target(%dma_start3A_773 : memref<50x128xf32, #tpu.memory_space<hbm>>) target_semaphore(%arg19 : memref<!tpu.dma_semaphore, #tpu.memory_space<semaphore_mem>>)
      %mul3A_777 = arith.constant 4 : i32
      %mul3A_778 = arith.muli %add3A_668, %mul3A_777 : i32
      %add3A_779 = arith.addi %mul3A_4, %mul3A_778 : i32
      %add3A_780 = arith.constant 0 : i32
      %add3A_781 = arith.addi %add3A_779, %add3A_780 : i32
      %dma_wait3A_782 = arith.constant 0 : i32
      %dma_wait3A_783 = arith.constant 0 : i32
      %dma_wait3A_784 = tpu.memref_slice %arg11[%dma_wait3A_782, %dma_wait3A_783] : memref<200x128xf32, #tpu.memory_space<vmem>> -> memref<50x128xf32, #tpu.memory_space<vmem>>
      %dma_wait3A_785 = arith.constant 0 : i32
      %dma_wait3A_786 = arith.constant 0 : i32
      %dma_wait3A_787 = tpu.memref_slice %arg5[%add3A_781, %dma_wait3A_785, %dma_wait3A_786] : memref<4096x50x128xf32, #tpu.memory_space<hbm>> -> memref<1x50x128xf32, #tpu.memory_space<hbm>>
      %dma_wait3A_788 = tpu.memref_squeeze %dma_wait3A_787 : memref<1x50x128xf32, #tpu.memory_space<hbm>> -> memref<50x128xf32, #tpu.memory_space<hbm>>
      %dma_wait3A_789 = arith.constant 0 : i32
      %dma_wait3A_790 = arith.constant 0 : i32
      %dma_wait3A_791 = tpu.memref_slice %arg5[%add3A_781, %dma_wait3A_789, %dma_wait3A_790] : memref<4096x50x128xf32, #tpu.memory_space<hbm>> -> memref<1x50x128xf32, #tpu.memory_space<hbm>>
      %dma_wait3A_792 = tpu.memref_squeeze %dma_wait3A_791 : memref<1x50x128xf32, #tpu.memory_space<hbm>> -> memref<50x128xf32, #tpu.memory_space<hbm>>
      %dma_wait3A_793 = arith.constant 0 : i32
      %dma_wait3A_794 = arith.constant 0 : i32
      %dma_wait3A_795 = tpu.memref_slice %arg11[%dma_wait3A_793, %dma_wait3A_794] : memref<200x128xf32, #tpu.memory_space<vmem>> -> memref<50x128xf32, #tpu.memory_space<vmem>>
      tpu.wait_dma2 semaphore(%arg19 : memref<!tpu.dma_semaphore, #tpu.memory_space<semaphore_mem>>) src(%dma_wait3A_795 : memref<50x128xf32, #tpu.memory_space<vmem>>) dst(%dma_wait3A_792 : memref<50x128xf32, #tpu.memory_space<hbm>>)
      %mul3A_796 = arith.constant 4 : i32
      %mul3A_797 = arith.muli %add3A_668, %mul3A_796 : i32
      %add3A_798 = arith.addi %mul3A_4, %mul3A_797 : i32
      %add3A_799 = arith.constant 1 : i32
      %add3A_800 = arith.addi %add3A_798, %add3A_799 : i32
      %dma_wait3A_801 = arith.constant 50 : i32
      %dma_wait3A_802 = arith.constant 0 : i32
      %dma_wait3A_803 = tpu.memref_slice %arg11[%dma_wait3A_801, %dma_wait3A_802] : memref<200x128xf32, #tpu.memory_space<vmem>> -> memref<50x128xf32, #tpu.memory_space<vmem>>
      %dma_wait3A_804 = arith.constant 0 : i32
      %dma_wait3A_805 = arith.constant 0 : i32
      %dma_wait3A_806 = tpu.memref_slice %arg5[%add3A_800, %dma_wait3A_804, %dma_wait3A_805] : memref<4096x50x128xf32, #tpu.memory_space<hbm>> -> memref<1x50x128xf32, #tpu.memory_space<hbm>>
      %dma_wait3A_807 = tpu.memref_squeeze %dma_wait3A_806 : memref<1x50x128xf32, #tpu.memory_space<hbm>> -> memref<50x128xf32, #tpu.memory_space<hbm>>
      %dma_wait3A_808 = arith.constant 0 : i32
      %dma_wait3A_809 = arith.constant 0 : i32
      %dma_wait3A_810 = tpu.memref_slice %arg5[%add3A_800, %dma_wait3A_808, %dma_wait3A_809] : memref<4096x50x128xf32, #tpu.memory_space<hbm>> -> memref<1x50x128xf32, #tpu.memory_space<hbm>>
      %dma_wait3A_811 = tpu.memref_squeeze %dma_wait3A_810 : memref<1x50x128xf32, #tpu.memory_space<hbm>> -> memref<50x128xf32, #tpu.memory_space<hbm>>
      %dma_wait3A_812 = arith.constant 50 : i32
      %dma_wait3A_813 = arith.constant 0 : i32
      %dma_wait3A_814 = tpu.memref_slice %arg11[%dma_wait3A_812, %dma_wait3A_813] : memref<200x128xf32, #tpu.memory_space<vmem>> -> memref<50x128xf32, #tpu.memory_space<vmem>>
      tpu.wait_dma2 semaphore(%arg19 : memref<!tpu.dma_semaphore, #tpu.memory_space<semaphore_mem>>) src(%dma_wait3A_814 : memref<50x128xf32, #tpu.memory_space<vmem>>) dst(%dma_wait3A_811 : memref<50x128xf32, #tpu.memory_space<hbm>>)
      %mul3A_815 = arith.constant 4 : i32
      %mul3A_816 = arith.muli %add3A_668, %mul3A_815 : i32
      %add3A_817 = arith.addi %mul3A_4, %mul3A_816 : i32
      %add3A_818 = arith.constant 2 : i32
      %add3A_819 = arith.addi %add3A_817, %add3A_818 : i32
      %dma_wait3A_820 = arith.constant 100 : i32
      %dma_wait3A_821 = arith.constant 0 : i32
      %dma_wait3A_822 = tpu.memref_slice %arg11[%dma_wait3A_820, %dma_wait3A_821] : memref<200x128xf32, #tpu.memory_space<vmem>> -> memref<50x128xf32, #tpu.memory_space<vmem>>
      %dma_wait3A_823 = arith.constant 0 : i32
      %dma_wait3A_824 = arith.constant 0 : i32
      %dma_wait3A_825 = tpu.memref_slice %arg5[%add3A_819, %dma_wait3A_823, %dma_wait3A_824] : memref<4096x50x128xf32, #tpu.memory_space<hbm>> -> memref<1x50x128xf32, #tpu.memory_space<hbm>>
      %dma_wait3A_826 = tpu.memref_squeeze %dma_wait3A_825 : memref<1x50x128xf32, #tpu.memory_space<hbm>> -> memref<50x128xf32, #tpu.memory_space<hbm>>
      %dma_wait3A_827 = arith.constant 0 : i32
      %dma_wait3A_828 = arith.constant 0 : i32
      %dma_wait3A_829 = tpu.memref_slice %arg5[%add3A_819, %dma_wait3A_827, %dma_wait3A_828] : memref<4096x50x128xf32, #tpu.memory_space<hbm>> -> memref<1x50x128xf32, #tpu.memory_space<hbm>>
      %dma_wait3A_830 = tpu.memref_squeeze %dma_wait3A_829 : memref<1x50x128xf32, #tpu.memory_space<hbm>> -> memref<50x128xf32, #tpu.memory_space<hbm>>
      %dma_wait3A_831 = arith.constant 100 : i32
      %dma_wait3A_832 = arith.constant 0 : i32
      %dma_wait3A_833 = tpu.memref_slice %arg11[%dma_wait3A_831, %dma_wait3A_832] : memref<200x128xf32, #tpu.memory_space<vmem>> -> memref<50x128xf32, #tpu.memory_space<vmem>>
      tpu.wait_dma2 semaphore(%arg19 : memref<!tpu.dma_semaphore, #tpu.memory_space<semaphore_mem>>) src(%dma_wait3A_833 : memref<50x128xf32, #tpu.memory_space<vmem>>) dst(%dma_wait3A_830 : memref<50x128xf32, #tpu.memory_space<hbm>>)
      %mul3A_834 = arith.constant 4 : i32
      %mul3A_835 = arith.muli %add3A_668, %mul3A_834 : i32
      %add3A_836 = arith.addi %mul3A_4, %mul3A_835 : i32
      %add3A_837 = arith.constant 3 : i32
      %add3A_838 = arith.addi %add3A_836, %add3A_837 : i32
      %dma_wait3A_839 = arith.constant 150 : i32
      %dma_wait3A_840 = arith.constant 0 : i32
      %dma_wait3A_841 = tpu.memref_slice %arg11[%dma_wait3A_839, %dma_wait3A_840] : memref<200x128xf32, #tpu.memory_space<vmem>> -> memref<50x128xf32, #tpu.memory_space<vmem>>
      %dma_wait3A_842 = arith.constant 0 : i32
      %dma_wait3A_843 = arith.constant 0 : i32
      %dma_wait3A_844 = tpu.memref_slice %arg5[%add3A_838, %dma_wait3A_842, %dma_wait3A_843] : memref<4096x50x128xf32, #tpu.memory_space<hbm>> -> memref<1x50x128xf32, #tpu.memory_space<hbm>>
      %dma_wait3A_845 = tpu.memref_squeeze %dma_wait3A_844 : memref<1x50x128xf32, #tpu.memory_space<hbm>> -> memref<50x128xf32, #tpu.memory_space<hbm>>
      %dma_wait3A_846 = arith.constant 0 : i32
      %dma_wait3A_847 = arith.constant 0 : i32
      %dma_wait3A_848 = tpu.memref_slice %arg5[%add3A_838, %dma_wait3A_846, %dma_wait3A_847] : memref<4096x50x128xf32, #tpu.memory_space<hbm>> -> memref<1x50x128xf32, #tpu.memory_space<hbm>>
      %dma_wait3A_849 = tpu.memref_squeeze %dma_wait3A_848 : memref<1x50x128xf32, #tpu.memory_space<hbm>> -> memref<50x128xf32, #tpu.memory_space<hbm>>
      %dma_wait3A_850 = arith.constant 150 : i32
      %dma_wait3A_851 = arith.constant 0 : i32
      %dma_wait3A_852 = tpu.memref_slice %arg11[%dma_wait3A_850, %dma_wait3A_851] : memref<200x128xf32, #tpu.memory_space<vmem>> -> memref<50x128xf32, #tpu.memory_space<vmem>>
      tpu.wait_dma2 semaphore(%arg19 : memref<!tpu.dma_semaphore, #tpu.memory_space<semaphore_mem>>) src(%dma_wait3A_852 : memref<50x128xf32, #tpu.memory_space<vmem>>) dst(%dma_wait3A_849 : memref<50x128xf32, #tpu.memory_space<hbm>>)
      %lt3A_853 = arith.constant 7 : i32
      %lt3A_854 = arith.cmpi slt, %scan3A_89, %lt3A_853 : i32
      %convert_element_type3A_855 = arith.extui %lt3A_854 : i1 to i32
      %cond3A_856 = arith.constant 0 : i32
      %cond3A_857 = arith.cmpi ne, %convert_element_type3A_855, %cond3A_856 : i32
      scf.if %cond3A_857 {
        %add3A_858 = arith.constant 4 : i32
        %add3A_859 = arith.addi %add3A_668, %add3A_858 : i32
        %mul3A_860 = arith.constant 2 : i32
        %mul3A_861 = arith.muli %add3A_859, %mul3A_860 : i32
        %add3A_862 = arith.constant 0 : i32
        %add3A_863 = arith.addi %mul3A_861, %add3A_862 : i32
        %dma_start3A_864 = arith.constant 0 : i32
        %dma_start3A_865 = arith.constant 0 : i32
        %dma_start3A_866 = tpu.memref_slice %arg11[%dma_start3A_864, %dma_start3A_865] : memref<200x128xf32, #tpu.memory_space<vmem>> -> memref<100x128xf32, #tpu.memory_space<vmem>>
        %dma_start3A_867 = arith.constant 0 : i32
        %dma_start3A_868 = tpu.memref_slice %arg6[%add3A_863, %dma_start3A_867] : memref<64x100xi32, #tpu.memory_space<vmem>> -> memref<1x100xi32, #tpu.memory_space<vmem>>
        %dma_start3A_869 = tpu.memref_squeeze %dma_start3A_868 : memref<1x100xi32, #tpu.memory_space<vmem>> -> memref<100xi32, #tpu.memory_space<vmem>>
        %dma_start3A_870 = arith.constant 0 : i32
        %dma_start3A_871 = arith.constant 0 : i32
        %dma_start3A_872 = tpu.memref_slice %arg3[%dma_start3A_870, %dma_start3A_871] : memref<1000002x128xf32, #tpu.memory_space<hbm>> -> memref<1000002x128xf32, #tpu.memory_space<hbm>>
        tpu.enqueue_indirect_dma source(%dma_start3A_872 : memref<1000002x128xf32, #tpu.memory_space<hbm>>) target(%dma_start3A_866 : memref<100x128xf32, #tpu.memory_space<vmem>>) offsets(%dma_start3A_869 : memref<100xi32, #tpu.memory_space<vmem>>) semaphore(%arg15 : memref<!tpu.dma_semaphore, #tpu.memory_space<semaphore_mem>>)
        %mul3A_873 = arith.constant 2 : i32
        %mul3A_874 = arith.muli %add3A_859, %mul3A_873 : i32
        %add3A_875 = arith.constant 1 : i32
        %add3A_876 = arith.addi %mul3A_874, %add3A_875 : i32
        %dma_start3A_877 = arith.constant 100 : i32
        %dma_start3A_878 = arith.constant 0 : i32
        %dma_start3A_879 = tpu.memref_slice %arg11[%dma_start3A_877, %dma_start3A_878] : memref<200x128xf32, #tpu.memory_space<vmem>> -> memref<100x128xf32, #tpu.memory_space<vmem>>
        %dma_start3A_880 = arith.constant 0 : i32
        %dma_start3A_881 = tpu.memref_slice %arg6[%add3A_876, %dma_start3A_880] : memref<64x100xi32, #tpu.memory_space<vmem>> -> memref<1x100xi32, #tpu.memory_space<vmem>>
        %dma_start3A_882 = tpu.memref_squeeze %dma_start3A_881 : memref<1x100xi32, #tpu.memory_space<vmem>> -> memref<100xi32, #tpu.memory_space<vmem>>
        %dma_start3A_883 = arith.constant 0 : i32
        %dma_start3A_884 = arith.constant 0 : i32
        %dma_start3A_885 = tpu.memref_slice %arg3[%dma_start3A_883, %dma_start3A_884] : memref<1000002x128xf32, #tpu.memory_space<hbm>> -> memref<1000002x128xf32, #tpu.memory_space<hbm>>
        tpu.enqueue_indirect_dma source(%dma_start3A_885 : memref<1000002x128xf32, #tpu.memory_space<hbm>>) target(%dma_start3A_879 : memref<100x128xf32, #tpu.memory_space<vmem>>) offsets(%dma_start3A_882 : memref<100xi32, #tpu.memory_space<vmem>>) semaphore(%arg15 : memref<!tpu.dma_semaphore, #tpu.memory_space<semaphore_mem>>)
      } else {
      }
    }
    %scan3A_88 = arith.constant 8 : i32
    return
  }
}

</mosaic_0001>

<sc_bundles>
// kernel: kernel.3.cloned.1.call-start
scs
__scs_entry_jumppad:
0x0: {  	(pc) =	sbr.rel $0x88, $3  }
0x1: {  	(tag) =	ssettag $0x0;
	lr =	simm.s32 $0x1  }
0x2: {  	[smem:$0x3F9E] =	sst lr;
	_ =	strace $0xD0000000  }
0x3: {  	_ = 	snop  }
0x4: {  	_ = 	snop  }
0x5: {  	_ = 	snop  }
0x6: {  	_ = 	snop  }
0x7: {  	_ = 	snop  }
__scs_overlays_trampoline_lowered:
0x8: {  	[smem:$0x3FAD] =	sst s0  }
0x9: {  	[smem:$0x3FAE] =	sst s1  }
0xa: {  	[smem:$0x3FAF] =	sst s2  }
0xb: {  	[smem:$0x3FB0] =	sst s3  }
0xc: {  	[smem:$0x3FB1] =	sst s4  }
0xd: {  	[smem:$0x3FB2] =	sst s5  }
0xe: {  	[smem:$0x3FB3] =	sst s6  }
0xf: {  	[smem:$0x3FB4] =	sst s7  }
0x10: {  	[smem:$0x3FB5] =	sst s8  }
0x11: {  	[smem:$0x3FB6] =	sst s9;
	s0 =	simm.s32 @!p0 $0x0  }
0x12: {  	s1 =	sld [smem:$0x3F9C];
	s0 =	simm.s32 @p0 $0x1  }
0x13: {  	[smem:$0x3FB7] =	sst s0;
	s0 =	simm.s32 @!p1 $0x0  }
0x14: {  	s2 =	sld [smem:$0x3F9B];
	s0 =	simm.s32 @p1 $0x1  }
0x15: {  	[smem:$0x3FB8] =	sst s0;
	s0 =	simm.s32 @!p2 $0x0  }
0x16: {  	s3 =	sld [smem:$0x3FDB];
	s0 =	simm.s32 @p2 $0x1  }
0x17: {  	s4 =	simm.s32 $0x1BF5;
	[smem:$0x3FBA] =	sst s0  }
0x18: {  	s0 =	sld [smem:$0x3F9D];
	_ =	swait.ge [sflag:s4], $0x0  }
0x19: {  	s7 =	sld [smem:$0x3F9E]  }
0x1a: {  	s8 =	sadd.s32 $0xFFFFE003, lr  }
0x1b: {  	s9 =	sadd.s32 $0xFFFFFEF7, lr;
	s5 =	simm.s32 $0xFFFFFFFF;
	p2 =	slt.u32 s8, $0xFFFFF086  }
0x1c: {  	p1 =	slt.u32 s9, $0xF7A;
	s5 =	simm.s32 @!p2 $0x0  }
0x1d: {  	s5 =	simm.s32 @p1 $0x1;
	p0 =	seq.s32 s7, s2  }
0x1e: {  	s7 =	smul.u32 @!p0 $0xF7A, s2;
	p2 =	seq.s32 @!p0 s5, $0x0  }
0x1f: {  	s9 =	smul.u32 $0xF7A, s1;
	s8 =	simm.s32 @!p0 $0x1BF5;
	p2 =	por !p2, p0  }
0x20: {  	[sflag:s8] =	ssyncset.s32 @!p0 $0xFFFFF086;
	s6 =	sadd.s32 @!p0 s3, s7;
	s7 =	simm.s32 @!p0 $0x108  }
0x21: {  	s3 =	sadd.s32 s3, s9;
	s6 =	sadd.s32 @!p0 $0x88, s6;
	s7 =	simm.s32 @p2 $0x1082  }
0x22: {  	[simem:s7], [sflag:s8] =	dma.local @!p0 [hbm:s6], $0xF7A  }
0x23: {  	s9 =	sor.u32 $0xD0000000, s2;
	s6 =	simm.s32 $0x108;
	_ =	swait.ge @!p0 [sflag:s8], $0x0  }
0x24: {  	s3 =	sadd.s32 $0x88, s3;
	s6 =	simm.s32 @!p1 $0x1082;
	[sflag:s4] =	ssyncset.s32 $0xFFFFF086  }
0x25: {  	[simem:s6], [sflag:s4] =	dma.local [hbm:s3], $0xF7A  }
0x26: {  	[smem:$0x3F9E] =	sst s1;
	(tag) =	ssettag s2;
	_ =	strace s9  }
0x27: {  	s1 =	sld [smem:$0x3FAE]  }
0x28: {  	s2 =	sld [smem:$0x3FAF]  }
0x29: {  	s4 =	sld [smem:$0x3FB1]  }
0x2a: {  	p0 =	seq.s32 s5, $0x0;
	s5 =	sld [smem:$0x3FB2]  }
0x2b: {  	s6 =	sld [smem:$0x3FB3]  }
0x2c: {  	s7 =	sld [smem:$0x3FB4]  }
0x2d: {  	s3 =	simm.s32 $0x108;
	s8 =	sld [smem:$0x3FB5]  }
0x2e: {  	s3 =	simm.s32 @!p0 $0x1082;
	s9 =	sld [smem:$0x3FB6]  }
0x2f: {  	lr =	sadd.s32 s0, s3;
	s0 =	sld [smem:$0x3FAD]  }
0x30: {  	s3 =	sld [smem:$0x3FB0]  }
0x31: {  	[smem:$0x3FB9] =	sst s10  }
0x32: {  	s10 =	sld [smem:$0x3FB7];
	_ =	sdelay $0x3  }
0x33: {  	p0 =	seq.s32 s10, $0x1;
	s10 =	sld [smem:$0x3FB9];
	_ =	sdelay $0x3  }
0x34: {  	[smem:$0x3FB9] =	sst s10  }
0x35: {  	s10 =	sld [smem:$0x3FB8];
	_ =	sdelay $0x3  }
0x36: {  	p1 =	seq.s32 s10, $0x1;
	s10 =	sld [smem:$0x3FB9];
	_ =	sdelay $0x3  }
0x37: {  	[smem:$0x3FB9] =	sst s10  }
0x38: {  	s10 =	sld [smem:$0x3FBA]  }
0x39: {  	_ = 	snop;
	(pc) =	sbr.ind lr, $3  }
0x3a: {  	_ = 	snop  }
0x3b: {  	_ = 	snop  }
0x3c: {  	p2 =	seq.s32 s10, $0x1;
	s10 =	sld [smem:$0x3FB9]  }
0x3d: {  	_ =	shalt  }
0x3e: {  	_ =	shalt  }
0x3f: {  	_ =	shalt  }
0x40: {  	_ =	shalt  }
0x41: {  	_ =	shalt  }
0x42: {  	_ =	shalt  }
0x43: {  	_ =	shalt  }
0x44: {  	_ =	shalt  }
0x45: {  	_ =	shalt  }
0x46: {  	_ =	shalt  }
0x47: {  	_ =	shalt  }
0x48: {  	_ =	shalt  }
0x49: {  	_ =	shalt  }
0x4a: {  	_ =	shalt  }
0x4b: {  	_ =	shalt  }
0x4c: {  	_ =	shalt  }
0x4d: {  	_ =	shalt  }
0x4e: {  	_ =	shalt  }
0x4f: {  	_ =	shalt  }
0x50: {  	_ =	shalt  }
0x51: {  	_ =	shalt  }
0x52: {  	_ =	shalt  }
0x53: {  	_ =	shalt  }
0x54: {  	_ =	shalt  }
0x55: {  	_ =	shalt  }
0x56: {  	_ =	shalt  }
0x57: {  	_ =	shalt  }
0x58: {  	_ =	shalt  }
0x59: {  	_ =	shalt  }
0x5a: {  	_ =	shalt  }
0x5b: {  	_ =	shalt  }
0x5c: {  	_ =	shalt  }
0x5d: {  	_ =	shalt  }
0x5e: {  	_ =	shalt  }
0x5f: {  	_ =	shalt  }
0x60: {  	_ =	shalt  }
0x61: {  	_ =	shalt  }
0x62: {  	_ =	shalt  }
0x63: {  	_ =	shalt  }
0x64: {  	_ =	shalt  }
0x65: {  	_ =	shalt  }
0x66: {  	_ =	shalt  }
0x67: {  	_ =	shalt  }
0x68: {  	_ =	shalt  }
0x69: {  	_ =	shalt  }
0x6a: {  	_ =	shalt  }
0x6b: {  	_ =	shalt  }
0x6c: {  	_ =	shalt  }
0x6d: {  	_ =	shalt  }
0x6e: {  	_ =	shalt  }
0x6f: {  	_ =	shalt  }
0x70: {  	_ =	shalt  }
0x71: {  	_ =	shalt  }
0x72: {  	_ =	shalt  }
0x73: {  	_ =	shalt  }
0x74: {  	_ =	shalt  }
0x75: {  	_ =	shalt  }
0x76: {  	_ =	shalt  }
0x77: {  	_ =	shalt  }
0x78: {  	_ =	shalt  }
0x79: {  	_ =	shalt  }
0x7a: {  	_ =	shalt  }
0x7b: {  	_ =	shalt  }
0x7c: {  	_ =	shalt  }
0x7d: {  	_ =	shalt  }
0x7e: {  	_ =	shalt  }
0x7f: {  	_ =	shalt  }
0x80: {  	_ =	shalt  }
0x81: {  	_ =	shalt  }
0x82: {  	_ =	shalt  }
0x83: {  	_ =	shalt  }
0x84: {  	_ =	shalt  }
0x85: {  	_ =	shalt  }
0x86: {  	_ =	shalt  }
0x87: {  	_ =	shalt  }
.Lfunc_end0:
.L_simem_size_0:
called_computation.1_lowered:
.L_overlay_start_0:
0x88: {  	s2 =	sld [smem:$0x3FD9]  }
0x89: {  	s3 =	sld [smem:$0x3FFE];
	_ =	sdelay $0x1  }
0x8a: {  	s1 =	srdreg.scid  }
0x8b: {  	s0 =	sand.u32 $0x1, s1  }
0x8c: {  	s17 =	sshll.u32 s0, $0xA;
	s2 =	sadd.s32 s3, s2  }
0x8d: {  	s2 =	sadd.s32 s2, s17  }
0x8e: {  	[smem:$0x3FC5] =	sst s2  }
0x8f: {  	_ = 	snop  }
0x90: {  	s2 =	sld [smem:$0x3FC7]  }
0x91: {  	s18 =	sld [smem:$0x3FD0];
	(tm) =	ssettm $0x1  }
0x92: {  	s4 =	sld [smem:$0x3FFB];
	_ =	sdelay $0x3  }
0x93: {  	_ =	strace s4  }
0x94: {  	s4 =	sld [smem:$0x3FFC];
	_ =	sdelay $0x3  }
0x95: {  	_ =	strace s4  }
0x96: {  	s4 =	sld [smem:$0x3FFD];
	_ =	sdelay $0x3  }
0x97: {  	_ =	strace s4  }
0x98: {  	_ =	strace $0x8FFFFFFF  }
0x99: {  	s19 =	sld [smem:$0x3FDB];
	_ =	sdelay $0x1  }
0x9a: {  	s5 =	simm.s32 $_scs_section_size  }
0x9b: {  	s6 =	simm.s32 $_size__tile_overlayer_lowered;
	s7 =	simm.s32 $_tile_overlayer_lowered  }
0x9c: {  	s22 =	simm.s32 $0x1BFF;
	s21 =	sshll.u32 s7, $0x1;
	s4 =	sadd.s32 s5, s19  }
0x9d: {  	s8 =	simm.s32 $0x0;
	s20 =	sshll.u32 s6, $0x1;
	s6 =	sadd.s32 s21, s4  }
0x9e: {  	[timem:s8], [sflag:s22] =	dma.local [hbm:s6], s20  }
0x9f: {  	_ =	swait.ge [sflag:s22], s20  }
0xa0: {  	s5 =	ssub.s32 $0x0, s20;
	[sflag:s22] =	ssyncset.done $0x0  }
0xa1: {  	[sflag:s22] =	ssyncadd.s32 s5;
	_ =	sdelay $0x1  }
0xa2: {  	s23 =	simm.s32 $0x1B8B  }
0xa3: {  	_ =	swait.ge [sflag:s23], $0x1  }
0xa4: {  	[sflag:s23] =	ssyncset.done $0x0  }
0xa5: {  	s25 =	simm.s32 $0x1B8E;
	s24 =	sld [smem:$0x3FFE];
	[sflag:s23] =	ssyncadd.s32 $0xFFFFFFFF  }
0xa6: {  	s26 =	simm.s32 $execute0_lowered;
	[smem:$0x3FD2] =	sst s25  }
0xa7: {  	s6 =	sshll.u32 s26, $0x1;
	_ =	strace $0x80000046;
	[dreg:$0x1] =	wrdreg $0xFFFFFFFF  }
0xa8: {  	s28 =	simm.s32 $_size_execute0_lowered;
	s4 =	sadd.s32 s4, s6;
	[dreg:$0x0] =	wrdreg $0x0  }
0xa9: {  	s6 =	sshll.u32 s28, $0x1;
	[dreg:$0x2] =	wrdreg s4  }
0xaa: {  	[dreg:$0x3] =	wrdreg s6  }
0xab: {  	[dreg:$0x4] =	wrdreg $0xC0  }
0xac: {  	_ =	task [dreg:s8], $0x5FFFF  }
0xad: {  	[dreg:$0x1] =	wrdreg $0xFFFFFFFF  }
0xae: {  	[dreg:$0x0] =	wrdreg $0x60  }
0xaf: {  	[dreg:$0x2] =	wrdreg s18  }
0xb0: {  	[dreg:$0x3] =	wrdreg s24  }
0xb1: {  	[dreg:$0x4] =	wrdreg s2  }
0xb2: {  	[dreg:$0x5] =	wrdreg $0x9  }
0xb3: {  	_ =	task.clear_ibuf [dreg:s8], $0x6FFFF;
	_ =	strace $0x90000046  }
0xb4: {  	s29 =	simm.s32 $0x9;
	_ =	strace $0x80000048  }
0xb5: {  	_ =	swait.ge [sflag:s29], $0x1  }
0xb6: {  	[sflag:s29] =	ssyncadd.s32 $0xFFFFFFFF  }
0xb7: {  	_ =	strace $0x90000048  }
0xb8: {  	_ =	sfence  }
0xb9: {  	s30 =	sld [smem:$0x0];
	_ =	sdelay $0x2  }
0xba: {  	s31 =	sshll.u32 s1, $0xD;
	s1 =	sshrl.u32 s1, $0x2  }
0xbb: {  	s3 =	sand.u32 $0x4000, s31;
	s1 =	sadd.s32 s1, s30  }
0xbc: {  	s0 =	sor.u32 s3, s0;
	s1 =	sshll.u32 s1, $0x11  }
0xbd: {  	s0 =	sor.u32 s1, s0  }
0xbe: {  	s0 =	sadd.s32 $0x8F2B, s0  }
0xbf: {  	[sflag:s0] =	ssyncadd.remote.s32 $0x1  }
0xc0: {  	_ =	sfence.sel $0xFFFF  }
0xc1: {  	[dreg:$0x0] =	wrdreg $0xFFFFFFFF;
	(pc) =	sbr.abs _section_cstart, $3  }
0xc2: {  	[dreg:$0x1] =	wrdreg $0xFFFFFFFF  }
0xc3: {  	_ =	task.clear_ibuf [dreg:s8], $0x2FFFF;
	_ =	strace $0x9FFFFFFF  }
0xc4: {  	(tm) =	ssettm $0x7FFFFFFF  }
0xc5: {  	_ =	shalt  }
tec
execute0_lowered:
.L_overlay_start_1:
0x0: {  	(tag) =	ssettag $0x1  }
0x1: {  	s0 =	rddreg [dreg:$0x0]  }
0x2: {  	s1 =	rddreg [dreg:$0x1]  }
0x3: {  	s3 =	simm.s32 $0x0;
	s2 =	srdreg.scid;
	s5 =	stileid.u32  }
0x4: {  	s13 =	simm.s32 $0x64;
	s18 =	simm.s32 $0xA000;
	s20 =	simm.s32 $0xD200  }
0x5: {  	s22 =	simm.s32 $0x10400;
	s24 =	simm.s32 $0x13600;
	s29 =	simm.s32 $0x19A00  }
0x6: {  	s30 =	simm.s32 $0x1;
	s17 =	simm.s32 $0x6;
	s19 =	simm.s32 $0x3  }
0x7: {  	s21 =	simm.s32 $0x11D00;
	s23 =	simm.s32 $0x14F00;
	s25 =	simm.s32 $0x7  }
0x8: {  	s28 =	simm.s32 $0x4;
	s10 =	simm.s32 $0x1B300;
	s12 =	simm.s32 $0x8  }
0x9: {  	s11 =	simm.s32 $0x0;
	[smem:$0x7FF] =	sst s3;
	s2 =	sand.u32 $0x1, s2  }
0xa: {  	s4 =	sadd.s32 $0xF43000, s1;
	s7 =	sshll.u32 s5, $0x1;
	s5 =	sadd.s32 $0xA00, s1  }
0xb: {  	s9 =	sadd.s32 $0x1100, s1;
	_ =	strace $0x80000047;
	s6 =	ssub.s32 $0x2, s2  }
.Ltmp0:
0xc: {  	s2 =	sor.u32 s2, s7;
	s8 =	sshrl.u32 s6, $0x1;
	(pc) =	sbr.rel .LBB2_1-.Ltmp0, $4  }
0xd: {  	s26 =	ssub.s32 s6, s8;
	s6 =	sshll.u32 s2, $0x7;
	s2 =	sshll.u32 s2, $0xA  }
0xe: {  	s7 =	simm.s32 $0x18100;
	s8 =	sadd.s32 $0xD80, s1;
	s0 =	sadd.s32 s0, s2  }
0xf: {  	s1 =	simm.s32 $0x2;
	s31 =	smax.u32 s26, $0x1;
	[dreg:$0x4] =	wrdreg s0  }
0x10: {  	s26 =	simm.s32 $0x16800;
	s2 =	simm.s32 $0x5;
	[dreg:$0x5] =	wrdreg s31  }
.LBB2_12:
0x11: {  	s11 =	rddreg [dreg:$0x6]  }
0x12: {  	s0 =	rddreg [dreg:$0x5];
	s11 =	sadd.s32 $0x1, s11  }
0x13: {  	p0 =	sne.s32 s11, s0  }
.Ltmp1:
0x14: {  	_ = 	snop;
	(pc) =	sbr.rel @!p0 .LBB2_13-.Ltmp1, $1  }
0x15: {  	_ =	sdelay $0x3  }
.LBB2_1:
0x16: {  	[dreg:$0x6] =	wrdreg s11  }
0x17: {  	s0 =	rddreg [dreg:$0x2];
	s16 =	simm.s32 $0x2000;
	s14 =	simm.s32 $0x9  }
0x18: {  	[tilespmem:s16], [sflag:$0x9] =	stream.linear.gather [hbm4b:s0+s3], $0x1900, $0x38;
	[tilespmem:$0x1CC00] =	vst v63  }
0x19: {  	_ =	swait.ge [sflag:s14], $0x1900  }
0x1a: {  	[sflag:s14] =	ssyncset.done $0x0  }
0x1b: {  	s15 =	rddreg [dreg:$0x4];
	[sflag:s14] =	ssyncadd.s32 $0xFFFFE700  }
0x1c: {  	[tilespmem:s3], [sflag:$0x9] =	stream.linear.gather [hbm4b:s15+s3], $0x2000, $0x38;
	[tilespmem:$0x1CC00] =	vst v63  }
0x1d: {  	_ =	swait.ge [sflag:s14], $0x2000  }
0x1e: {  	[sflag:s14] =	ssyncset.done $0x0  }
0x1f: {  	s16 =	simm.s32 $0x3C00;
	[sflag:s14] =	ssyncadd.s32 $0xFFFFE000  }
0x20: {  	[tilespmem:s16], [sflag:$0x1] =	stream.indirect.gather [hbm4b:s4+s13], $0x80, s3, s13, $0xb8;
	[tilespmem:$0x1CC00] =	vst v63  }
0x21: {  	s11 =	simm.s32 $0x80;
	s14 =	simm.s32 $0x6E00  }
0x22: {  	[tilespmem:s14], [sflag:$0x1] =	stream.indirect.gather [hbm4b:s4+s13], $0x80, s11, s13, $0xb8;
	[tilespmem:$0x1CC00] =	vst v63  }
0x23: {  	s15 =	simm.s32 $0x100  }
0x24: {  	[tilespmem:s18], [sflag:$0x2] =	stream.indirect.gather [hbm4b:s4+s13], $0x80, s15, s13, $0xb8;
	[tilespmem:$0x1CC00] =	vst v63  }
0x25: {  	s16 =	simm.s32 $0x180  }
0x26: {  	[tilespmem:s20], [sflag:$0x2] =	stream.indirect.gather [hbm4b:s4+s13], $0x80, s16, s13, $0xb8;
	[tilespmem:$0x1CC00] =	vst v63  }
0x27: {  	s11 =	simm.s32 $0x200  }
0x28: {  	[tilespmem:s22], [sflag:$0x3] =	stream.indirect.gather [hbm4b:s4+s13], $0x80, s11, s13, $0xb8;
	[tilespmem:$0x1CC00] =	vst v63  }
0x29: {  	s14 =	simm.s32 $0x280  }
0x2a: {  	[tilespmem:s24], [sflag:$0x3] =	stream.indirect.gather [hbm4b:s4+s13], $0x80, s14, s13, $0xb8;
	[tilespmem:$0x1CC00] =	vst v63  }
0x2b: {  	s15 =	simm.s32 $0x300  }
0x2c: {  	[tilespmem:s26], [sflag:$0x4] =	stream.indirect.gather [hbm4b:s4+s13], $0x80, s15, s13, $0xb8;
	[tilespmem:$0x1CC00] =	vst v63  }
0x2d: {  	s31 =	simm.s32 $0x0;
	s16 =	simm.s32 $0x380  }
0x2e: {  	[tilespmem:s29], [sflag:$0x4] =	stream.indirect.gather [hbm4b:s4+s13], $0x80, s16, s13, $0xb8;
	[tilespmem:$0x1CC00] =	vst v63  }
.LBB2_2:
0x2f: {  	_ =	swait.ge [sflag:s30], $0x3200  }
0x30: {  	[sflag:s30] =	ssyncset.done $0x0  }
0x31: {  	[sflag:s30] =	ssyncadd.s32 $0xFFFFCE00  }
0x32: {  	_ =	swait.ge [sflag:s30], $0x3200  }
0x33: {  	[sflag:s30] =	ssyncset.done $0x0  }
0x34: {  	s0 =	simm.s32 $0x0;
	[sflag:s30] =	ssyncadd.s32 $0xFFFFCE00  }
0x35: {  	v0 =	vld [tilespmem:s0+$0x2030]  }
0x36: {  	v1 =	vld [tilespmem:s0+$0x2000];
	_ =	sdelay $0x1  }
0x37: {  	v2 =	vld [tilespmem:s0+$0x2010]  }
0x38: {  	v3 =	vld [tilespmem:s0+$0x2020]  }
0x39: {  	[tilespmem:s0+$0x8730] =	vst.add.f32.msk $0xffff, v0  }
0x3a: {  	[tilespmem:s0+$0x3C00] =	vst.add.f32.msk $0xffff, v1  }
0x3b: {  	[tilespmem:s0+$0x5500] =	vst.add.f32.msk $0xffff, v1  }
0x3c: {  	[tilespmem:s0+$0x6E00] =	vst.add.f32.msk $0xffff, v1  }
0x3d: {  	[tilespmem:s0+$0x8700] =	vst.add.f32.msk $0xffff, v1  }
0x3e: {  	[tilespmem:s0+$0x3C10] =	vst.add.f32.msk $0xffff, v2  }
0x3f: {  	[tilespmem:s0+$0x5510] =	vst.add.f32.msk $0xffff, v2  }
0x40: {  	[tilespmem:s0+$0x6E10] =	vst.add.f32.msk $0xffff, v2  }
0x41: {  	[tilespmem:s0+$0x8710] =	vst.add.f32.msk $0xffff, v2  }
0x42: {  	[tilespmem:s0+$0x3C20] =	vst.add.f32.msk $0xffff, v3  }
0x43: {  	[tilespmem:s0+$0x5520] =	vst.add.f32.msk $0xffff, v3  }
0x44: {  	[tilespmem:s0+$0x6E20] =	vst.add.f32.msk $0xffff, v3  }
0x45: {  	[tilespmem:s0+$0x8720] =	vst.add.f32.msk $0xffff, v3  }
0x46: {  	[tilespmem:s0+$0x3C30] =	vst.add.f32.msk $0xffff, v0  }
0x47: {  	s14 =	simm.s32 $0x80;
	s11 =	simm.s32 $0x400;
	[tilespmem:s0+$0x5530] =	vst.add.f32.msk $0xffff, v0  }
.LBB2_3:
0x48: {  	p0 =	sne.s32 s11, $0x6200;
	v1 =	vld [tilespmem:s14+$0x2030]  }
0x49: {  	v2 =	vld [tilespmem:s14+$0x2000]  }
0x4a: {  	v3 =	vld [tilespmem:s14+$0x2010]  }
0x4b: {  	v4 =	vld [tilespmem:s14+$0x2020]  }
0x4c: {  	[tilespmem:s0+$0x6E30] =	vst.add.f32.msk $0xffff, v0;
	s0 =	smov.u32 s14  }
0x4d: {  	[tilespmem:s0+$0x8730] =	vst.add.f32.msk $0xffff, v1;
	v0 =	vmov v1  }
0x4e: {  	[tilespmem:s0+$0x3C00] =	vst.add.f32.msk $0xffff, v2  }
0x4f: {  	[tilespmem:s0+$0x5500] =	vst.add.f32.msk $0xffff, v2  }
0x50: {  	[tilespmem:s0+$0x6E00] =	vst.add.f32.msk $0xffff, v2  }
0x51: {  	[tilespmem:s0+$0x8700] =	vst.add.f32.msk $0xffff, v2  }
0x52: {  	[tilespmem:s0+$0x3C10] =	vst.add.f32.msk $0xffff, v3  }
0x53: {  	[tilespmem:s0+$0x5510] =	vst.add.f32.msk $0xffff, v3  }
0x54: {  	[tilespmem:s0+$0x6E10] =	vst.add.f32.msk $0xffff, v3  }
0x55: {  	[tilespmem:s0+$0x8710] =	vst.add.f32.msk $0xffff, v3  }
0x56: {  	[tilespmem:s0+$0x3C20] =	vst.add.f32.msk $0xffff, v4  }
.Ltmp2:
0x57: {  	[tilespmem:s0+$0x5520] =	vst.add.f32.msk $0xffff, v4;
	(pc) =	sbr.rel @p0 .LBB2_3-.Ltmp2, $4  }
0x58: {  	[tilespmem:s0+$0x6E20] =	vst.add.f32.msk $0xffff, v4  }
0x59: {  	[tilespmem:s0+$0x8720] =	vst.add.f32.msk $0xffff, v4  }
0x5a: {  	[tilespmem:s0+$0x3C30] =	vst.add.f32.msk $0xffff, v0  }
0x5b: {  	s14 =	sshra.s32 s11, $0x2;
	s11 =	sadd.s32 $0x200, s11;
	[tilespmem:s0+$0x5530] =	vst.add.f32.msk $0xffff, v0  }
0x5c: {  	v1 =	vld [tilespmem:s14+$0x2030]  }
0x5d: {  	v2 =	vld [tilespmem:s14+$0x2000]  }
0x5e: {  	v3 =	vld [tilespmem:s14+$0x2010]  }
0x5f: {  	v4 =	vld [tilespmem:s14+$0x2020]  }
0x60: {  	[tilespmem:s0+$0x6E30] =	vst.add.f32.msk $0xffff, v0  }
0x61: {  	[tilespmem:s14+$0x8730] =	vst.add.f32.msk $0xffff, v1  }
0x62: {  	[tilespmem:s14+$0x3C00] =	vst.add.f32.msk $0xffff, v2  }
0x63: {  	[tilespmem:s14+$0x5500] =	vst.add.f32.msk $0xffff, v2  }
0x64: {  	[tilespmem:s14+$0x6E00] =	vst.add.f32.msk $0xffff, v2  }
0x65: {  	[tilespmem:s14+$0x8700] =	vst.add.f32.msk $0xffff, v2  }
0x66: {  	[tilespmem:s14+$0x3C10] =	vst.add.f32.msk $0xffff, v3  }
0x67: {  	[tilespmem:s14+$0x5510] =	vst.add.f32.msk $0xffff, v3  }
0x68: {  	[tilespmem:s14+$0x6E10] =	vst.add.f32.msk $0xffff, v3  }
0x69: {  	[tilespmem:s14+$0x8710] =	vst.add.f32.msk $0xffff, v3  }
0x6a: {  	[tilespmem:s14+$0x3C20] =	vst.add.f32.msk $0xffff, v4  }
0x6b: {  	[tilespmem:s14+$0x5520] =	vst.add.f32.msk $0xffff, v4  }
0x6c: {  	s15 =	sshll.u32 s31, $0x4;
	[tilespmem:s14+$0x6E20] =	vst.add.f32.msk $0xffff, v4  }
0x6d: {  	s0 =	sor.u32 s6, s15;
	[tilespmem:s14+$0x8720] =	vst.add.f32.msk $0xffff, v4  }
0x6e: {  	s11 =	smul.u32 $0x380, s0;
	[tilespmem:s14+$0x3C30] =	vst.add.f32.msk $0xffff, v1  }
0x6f: {  	[tilespmem:s14+$0x5530] =	vst.add.f32.msk $0xffff, v1  }
0x70: {  	s15 =	simm.s32 $0x3C00;
	s16 =	sadd.s32 s5, s11;
	[tilespmem:s14+$0x6E30] =	vst.add.f32.msk $0xffff, v1  }
0x71: {  	[hbm4b:s16+s3] =	stream.linear.scatter [tilespmem:s15], [sflag:$0x5], $0x1900, $0x38;
	[tilespmem:$0x1CC00] =	vst v63  }
0x72: {  	s14 =	smul.u32 $0x1C00, s0;
	s15 =	sadd.s32 s11, s8;
	s16 =	simm.s32 $0x5500  }
0x73: {  	[hbm4b:s15+s3] =	stream.linear.scatter [tilespmem:s16], [sflag:$0x5], $0x1900, $0x38;
	[tilespmem:$0x1CC00] =	vst v63  }
0x74: {  	s11 =	sadd.s32 s11, s9;
	s16 =	simm.s32 $0x6E00;
	s15 =	sshrl.u32 s14, $0x3  }
0x75: {  	[hbm4b:s11+s3] =	stream.linear.scatter [tilespmem:s16], [sflag:$0x5], $0x1900, $0x38;
	[tilespmem:$0x1CC00] =	vst v63  }
0x76: {  	s11 =	sadd.s32 s5, s15  }
0x77: {  	s16 =	simm.s32 $0x8700;
	s11 =	sadd.s32 $0xA80, s11  }
0x78: {  	[hbm4b:s11+s3] =	stream.linear.scatter [tilespmem:s16], [sflag:$0x5], $0x1900, $0x38;
	[tilespmem:$0x1CC00] =	vst v63  }
0x79: {  	_ =	swait.ge [sflag:s2], $0x1900  }
0x7a: {  	[sflag:s2] =	ssyncset.done $0x0  }
0x7b: {  	[sflag:s2] =	ssyncadd.s32 $0xFFFFE700  }
0x7c: {  	_ =	swait.ge [sflag:s2], $0x1900  }
0x7d: {  	[sflag:s2] =	ssyncset.done $0x0  }
0x7e: {  	[sflag:s2] =	ssyncadd.s32 $0xFFFFE700  }
0x7f: {  	_ =	swait.ge [sflag:s2], $0x1900  }
0x80: {  	[sflag:s2] =	ssyncset.done $0x0  }
0x81: {  	p0 =	seq.s32 s31, $0x7;
	[sflag:s2] =	ssyncadd.s32 $0xFFFFE700  }
0x82: {  	s11 =	sshll.u32 @!p0 s31, $0xA;
	_ =	swait.ge [sflag:s2], $0x1900  }
0x83: {  	s15 =	simm.s32 @!p0 $0x64;
	s14 =	sand.u32 @!p0 $0x3FFFFC00, s11;
	[sflag:s2] =	ssyncset.done $0x0  }
0x84: {  	s16 =	simm.s32 @!p0 $0x3C00;
	s11 =	sadd.s32 @!p0 $0x400, s14;
	[sflag:s2] =	ssyncadd.s32 $0xFFFFE700  }
0x85: {  	[tilespmem:s16], [sflag:$0x1] =	stream.indirect.gather @!p0 [hbm4b:s4+s15], $0x80, s11, s15, $0xb8;
	[tilespmem:$0x1CC00] =	vst v63  }
0x86: {  	s11 =	sadd.s32 @!p0 $0x480, s14;
	s16 =	simm.s32 @!p0 $0x6E00  }
0x87: {  	[tilespmem:s16], [sflag:$0x1] =	stream.indirect.gather @!p0 [hbm4b:s4+s15], $0x80, s11, s15, $0xb8;
	[tilespmem:$0x1CC00] =	vst v63  }
0x88: {  	_ =	swait.ge [sflag:s1], $0x3200  }
0x89: {  	[sflag:s1] =	ssyncset.done $0x0  }
0x8a: {  	[sflag:s1] =	ssyncadd.s32 $0xFFFFCE00  }
0x8b: {  	_ =	swait.ge [sflag:s1], $0x3200  }
0x8c: {  	[sflag:s1] =	ssyncset.done $0x0  }
0x8d: {  	s11 =	simm.s32 $0x0;
	[sflag:s1] =	ssyncadd.s32 $0xFFFFCE00  }
0x8e: {  	v0 =	vld [tilespmem:s11+$0x2030]  }
0x8f: {  	v1 =	vld [tilespmem:s11+$0x2000];
	_ =	sdelay $0x1  }
0x90: {  	v2 =	vld [tilespmem:s11+$0x2010]  }
0x91: {  	v3 =	vld [tilespmem:s11+$0x2020]  }
0x92: {  	[tilespmem:s11+$0xEB30] =	vst.add.f32.msk $0xffff, v0  }
0x93: {  	[tilespmem:s11+$0xA000] =	vst.add.f32.msk $0xffff, v1  }
0x94: {  	[tilespmem:s11+$0xB900] =	vst.add.f32.msk $0xffff, v1  }
0x95: {  	[tilespmem:s11+$0xD200] =	vst.add.f32.msk $0xffff, v1  }
0x96: {  	[tilespmem:s11+$0xEB00] =	vst.add.f32.msk $0xffff, v1  }
0x97: {  	[tilespmem:s11+$0xA010] =	vst.add.f32.msk $0xffff, v2  }
0x98: {  	[tilespmem:s11+$0xB910] =	vst.add.f32.msk $0xffff, v2  }
0x99: {  	[tilespmem:s11+$0xD210] =	vst.add.f32.msk $0xffff, v2  }
0x9a: {  	[tilespmem:s11+$0xEB10] =	vst.add.f32.msk $0xffff, v2  }
0x9b: {  	[tilespmem:s11+$0xA020] =	vst.add.f32.msk $0xffff, v3  }
0x9c: {  	[tilespmem:s11+$0xB920] =	vst.add.f32.msk $0xffff, v3  }
0x9d: {  	[tilespmem:s11+$0xD220] =	vst.add.f32.msk $0xffff, v3  }
0x9e: {  	[tilespmem:s11+$0xEB20] =	vst.add.f32.msk $0xffff, v3  }
0x9f: {  	[tilespmem:s11+$0xA030] =	vst.add.f32.msk $0xffff, v0  }
0xa0: {  	s15 =	simm.s32 $0x80;
	s16 =	simm.s32 $0x400;
	[tilespmem:s11+$0xB930] =	vst.add.f32.msk $0xffff, v0  }
.LBB2_5:
0xa1: {  	p1 =	sne.s32 s16, $0x6200;
	v1 =	vld [tilespmem:s15+$0x2030]  }
0xa2: {  	v2 =	vld [tilespmem:s15+$0x2000]  }
0xa3: {  	v3 =	vld [tilespmem:s15+$0x2010]  }
0xa4: {  	v4 =	vld [tilespmem:s15+$0x2020]  }
0xa5: {  	[tilespmem:s11+$0xD230] =	vst.add.f32.msk $0xffff, v0;
	s11 =	smov.u32 s15  }
0xa6: {  	[tilespmem:s11+$0xEB30] =	vst.add.f32.msk $0xffff, v1;
	v0 =	vmov v1  }
0xa7: {  	[tilespmem:s11+$0xA000] =	vst.add.f32.msk $0xffff, v2  }
0xa8: {  	[tilespmem:s11+$0xB900] =	vst.add.f32.msk $0xffff, v2  }
0xa9: {  	[tilespmem:s11+$0xD200] =	vst.add.f32.msk $0xffff, v2  }
0xaa: {  	[tilespmem:s11+$0xEB00] =	vst.add.f32.msk $0xffff, v2  }
0xab: {  	[tilespmem:s11+$0xA010] =	vst.add.f32.msk $0xffff, v3  }
0xac: {  	[tilespmem:s11+$0xB910] =	vst.add.f32.msk $0xffff, v3  }
0xad: {  	[tilespmem:s11+$0xD210] =	vst.add.f32.msk $0xffff, v3  }
0xae: {  	[tilespmem:s11+$0xEB10] =	vst.add.f32.msk $0xffff, v3  }
0xaf: {  	[tilespmem:s11+$0xA020] =	vst.add.f32.msk $0xffff, v4  }
.Ltmp3:
0xb0: {  	[tilespmem:s11+$0xB920] =	vst.add.f32.msk $0xffff, v4;
	(pc) =	sbr.rel @p1 .LBB2_5-.Ltmp3, $4  }
0xb1: {  	[tilespmem:s11+$0xD220] =	vst.add.f32.msk $0xffff, v4  }
0xb2: {  	[tilespmem:s11+$0xEB20] =	vst.add.f32.msk $0xffff, v4  }
0xb3: {  	[tilespmem:s11+$0xA030] =	vst.add.f32.msk $0xffff, v0  }
0xb4: {  	s15 =	sshra.s32 s16, $0x2;
	s16 =	sadd.s32 $0x200, s16;
	[tilespmem:s11+$0xB930] =	vst.add.f32.msk $0xffff, v0  }
0xb5: {  	v1 =	vld [tilespmem:s15+$0x2030]  }
0xb6: {  	v2 =	vld [tilespmem:s15+$0x2000]  }
0xb7: {  	v3 =	vld [tilespmem:s15+$0x2010]  }
0xb8: {  	v4 =	vld [tilespmem:s15+$0x2020]  }
0xb9: {  	[tilespmem:s11+$0xD230] =	vst.add.f32.msk $0xffff, v0  }
0xba: {  	[tilespmem:s15+$0xEB30] =	vst.add.f32.msk $0xffff, v1  }
0xbb: {  	[tilespmem:s15+$0xA000] =	vst.add.f32.msk $0xffff, v2  }
0xbc: {  	[tilespmem:s15+$0xB900] =	vst.add.f32.msk $0xffff, v2  }
0xbd: {  	[tilespmem:s15+$0xD200] =	vst.add.f32.msk $0xffff, v2  }
0xbe: {  	[tilespmem:s15+$0xEB00] =	vst.add.f32.msk $0xffff, v2  }
0xbf: {  	[tilespmem:s15+$0xA010] =	vst.add.f32.msk $0xffff, v3  }
0xc0: {  	[tilespmem:s15+$0xB910] =	vst.add.f32.msk $0xffff, v3  }
0xc1: {  	[tilespmem:s15+$0xD210] =	vst.add.f32.msk $0xffff, v3  }
0xc2: {  	[tilespmem:s15+$0xEB10] =	vst.add.f32.msk $0xffff, v3  }
0xc3: {  	[tilespmem:s15+$0xA020] =	vst.add.f32.msk $0xffff, v4  }
0xc4: {  	s11 =	sor.u32 $0x4, s0;
	[tilespmem:s15+$0xB920] =	vst.add.f32.msk $0xffff, v4  }
0xc5: {  	s16 =	smul.u32 $0x380, s11;
	[tilespmem:s15+$0xD220] =	vst.add.f32.msk $0xffff, v4  }
0xc6: {  	s11 =	smul.u32 $0x1C00, s11;
	[tilespmem:s15+$0xEB20] =	vst.add.f32.msk $0xffff, v4  }
0xc7: {  	[tilespmem:s15+$0xA030] =	vst.add.f32.msk $0xffff, v1  }
0xc8: {  	s11 =	sshrl.u32 s11, $0x3;
	[tilespmem:s15+$0xB930] =	vst.add.f32.msk $0xffff, v1  }
0xc9: {  	s16 =	sadd.s32 s5, s16;
	s11 =	sadd.s32 s5, s11;
	[tilespmem:s15+$0xD230] =	vst.add.f32.msk $0xffff, v1  }
0xca: {  	[hbm4b:s16+s3] =	stream.linear.scatter [tilespmem:s18], [sflag:$0x6], $0x1900, $0x38;
	[tilespmem:$0x1CC00] =	vst v63  }
0xcb: {  	s15 =	sadd.s32 $0x380, s11;
	s16 =	simm.s32 $0xB900  }
0xcc: {  	[hbm4b:s15+s3] =	stream.linear.scatter [tilespmem:s16], [sflag:$0x6], $0x1900, $0x38;
	[tilespmem:$0x1CC00] =	vst v63  }
0xcd: {  	s16 =	sadd.s32 $0x700, s11  }
0xce: {  	[hbm4b:s16+s3] =	stream.linear.scatter [tilespmem:s20], [sflag:$0x6], $0x1900, $0x38;
	[tilespmem:$0x1CC00] =	vst v63  }
0xcf: {  	s11 =	sadd.s32 $0xA80, s11;
	s16 =	simm.s32 $0xEB00  }
0xd0: {  	[hbm4b:s11+s3] =	stream.linear.scatter [tilespmem:s16], [sflag:$0x6], $0x1900, $0x38;
	[tilespmem:$0x1CC00] =	vst v63  }
0xd1: {  	_ =	swait.ge [sflag:s17], $0x1900  }
0xd2: {  	[sflag:s17] =	ssyncset.done $0x0  }
0xd3: {  	[sflag:s17] =	ssyncadd.s32 $0xFFFFE700  }
0xd4: {  	_ =	swait.ge [sflag:s17], $0x1900  }
0xd5: {  	[sflag:s17] =	ssyncset.done $0x0  }
0xd6: {  	[sflag:s17] =	ssyncadd.s32 $0xFFFFE700  }
0xd7: {  	_ =	swait.ge [sflag:s17], $0x1900  }
0xd8: {  	[sflag:s17] =	ssyncset.done $0x0  }
0xd9: {  	[sflag:s17] =	ssyncadd.s32 $0xFFFFE700  }
0xda: {  	_ =	swait.ge [sflag:s17], $0x1900  }
0xdb: {  	s15 =	simm.s32 @!p0 $0x64;
	[sflag:s17] =	ssyncset.done $0x0  }
0xdc: {  	s11 =	sadd.s32 @!p0 $0x500, s14;
	s16 =	simm.s32 @!p0 $0xA000;
	[sflag:s17] =	ssyncadd.s32 $0xFFFFE700  }
0xdd: {  	[tilespmem:s16], [sflag:$0x2] =	stream.indirect.gather @!p0 [hbm4b:s4+s15], $0x80, s11, s15, $0xb8;
	[tilespmem:$0x1CC00] =	vst v63  }
0xde: {  	s11 =	sadd.s32 @!p0 $0x580, s14;
	s16 =	simm.s32 @!p0 $0xD200  }
0xdf: {  	[tilespmem:s16], [sflag:$0x2] =	stream.indirect.gather @!p0 [hbm4b:s4+s15], $0x80, s11, s15, $0xb8;
	[tilespmem:$0x1CC00] =	vst v63  }
0xe0: {  	_ =	swait.ge [sflag:s19], $0x3200  }
0xe1: {  	[sflag:s19] =	ssyncset.done $0x0  }
0xe2: {  	[sflag:s19] =	ssyncadd.s32 $0xFFFFCE00  }
0xe3: {  	_ =	swait.ge [sflag:s19], $0x3200  }
0xe4: {  	[sflag:s19] =	ssyncset.done $0x0  }
0xe5: {  	s11 =	simm.s32 $0x0;
	[sflag:s19] =	ssyncadd.s32 $0xFFFFCE00  }
0xe6: {  	v0 =	vld [tilespmem:s11+$0x2030]  }
0xe7: {  	v1 =	vld [tilespmem:s11+$0x2000];
	_ =	sdelay $0x1  }
0xe8: {  	v2 =	vld [tilespmem:s11+$0x2010]  }
0xe9: {  	v3 =	vld [tilespmem:s11+$0x2020]  }
0xea: {  	[tilespmem:s11+$0x14F30] =	vst.add.f32.msk $0xffff, v0  }
0xeb: {  	[tilespmem:s11+$0x10400] =	vst.add.f32.msk $0xffff, v1  }
0xec: {  	[tilespmem:s11+$0x11D00] =	vst.add.f32.msk $0xffff, v1  }
0xed: {  	[tilespmem:s11+$0x13600] =	vst.add.f32.msk $0xffff, v1  }
0xee: {  	[tilespmem:s11+$0x14F00] =	vst.add.f32.msk $0xffff, v1  }
0xef: {  	[tilespmem:s11+$0x10410] =	vst.add.f32.msk $0xffff, v2  }
0xf0: {  	[tilespmem:s11+$0x11D10] =	vst.add.f32.msk $0xffff, v2  }
0xf1: {  	[tilespmem:s11+$0x13610] =	vst.add.f32.msk $0xffff, v2  }
0xf2: {  	[tilespmem:s11+$0x14F10] =	vst.add.f32.msk $0xffff, v2  }
0xf3: {  	[tilespmem:s11+$0x10420] =	vst.add.f32.msk $0xffff, v3  }
0xf4: {  	[tilespmem:s11+$0x11D20] =	vst.add.f32.msk $0xffff, v3  }
0xf5: {  	[tilespmem:s11+$0x13620] =	vst.add.f32.msk $0xffff, v3  }
0xf6: {  	[tilespmem:s11+$0x14F20] =	vst.add.f32.msk $0xffff, v3  }
0xf7: {  	[tilespmem:s11+$0x10430] =	vst.add.f32.msk $0xffff, v0  }
0xf8: {  	s15 =	simm.s32 $0x80;
	s16 =	simm.s32 $0x400;
	[tilespmem:s11+$0x11D30] =	vst.add.f32.msk $0xffff, v0  }
.LBB2_7:
0xf9: {  	p1 =	sne.s32 s16, $0x6200;
	v1 =	vld [tilespmem:s15+$0x2030]  }
0xfa: {  	v2 =	vld [tilespmem:s15+$0x2000]  }
0xfb: {  	v3 =	vld [tilespmem:s15+$0x2010]  }
0xfc: {  	v4 =	vld [tilespmem:s15+$0x2020]  }
0xfd: {  	[tilespmem:s11+$0x13630] =	vst.add.f32.msk $0xffff, v0;
	s11 =	smov.u32 s15  }
0xfe: {  	[tilespmem:s11+$0x14F30] =	vst.add.f32.msk $0xffff, v1;
	v0 =	vmov v1  }
0xff: {  	[tilespmem:s11+$0x10400] =	vst.add.f32.msk $0xffff, v2  }
0x100: {  	[tilespmem:s11+$0x11D00] =	vst.add.f32.msk $0xffff, v2  }
0x101: {  	[tilespmem:s11+$0x13600] =	vst.add.f32.msk $0xffff, v2  }
0x102: {  	[tilespmem:s11+$0x14F00] =	vst.add.f32.msk $0xffff, v2  }
0x103: {  	[tilespmem:s11+$0x10410] =	vst.add.f32.msk $0xffff, v3  }
0x104: {  	[tilespmem:s11+$0x11D10] =	vst.add.f32.msk $0xffff, v3  }
0x105: {  	[tilespmem:s11+$0x13610] =	vst.add.f32.msk $0xffff, v3  }
0x106: {  	[tilespmem:s11+$0x14F10] =	vst.add.f32.msk $0xffff, v3  }
0x107: {  	[tilespmem:s11+$0x10420] =	vst.add.f32.msk $0xffff, v4  }
.Ltmp4:
0x108: {  	[tilespmem:s11+$0x11D20] =	vst.add.f32.msk $0xffff, v4;
	(pc) =	sbr.rel @p1 .LBB2_7-.Ltmp4, $4  }
0x109: {  	[tilespmem:s11+$0x13620] =	vst.add.f32.msk $0xffff, v4  }
0x10a: {  	[tilespmem:s11+$0x14F20] =	vst.add.f32.msk $0xffff, v4  }
0x10b: {  	[tilespmem:s11+$0x10430] =	vst.add.f32.msk $0xffff, v0  }
0x10c: {  	s15 =	sshra.s32 s16, $0x2;
	s16 =	sadd.s32 $0x200, s16;
	[tilespmem:s11+$0x11D30] =	vst.add.f32.msk $0xffff, v0  }
0x10d: {  	v1 =	vld [tilespmem:s15+$0x2030]  }
0x10e: {  	v2 =	vld [tilespmem:s15+$0x2000]  }
0x10f: {  	v3 =	vld [tilespmem:s15+$0x2010]  }
0x110: {  	v4 =	vld [tilespmem:s15+$0x2020]  }
0x111: {  	[tilespmem:s11+$0x13630] =	vst.add.f32.msk $0xffff, v0  }
0x112: {  	[tilespmem:s15+$0x14F30] =	vst.add.f32.msk $0xffff, v1  }
0x113: {  	[tilespmem:s15+$0x10400] =	vst.add.f32.msk $0xffff, v2  }
0x114: {  	[tilespmem:s15+$0x11D00] =	vst.add.f32.msk $0xffff, v2  }
0x115: {  	[tilespmem:s15+$0x13600] =	vst.add.f32.msk $0xffff, v2  }
0x116: {  	[tilespmem:s15+$0x14F00] =	vst.add.f32.msk $0xffff, v2  }
0x117: {  	[tilespmem:s15+$0x10410] =	vst.add.f32.msk $0xffff, v3  }
0x118: {  	[tilespmem:s15+$0x11D10] =	vst.add.f32.msk $0xffff, v3  }
0x119: {  	[tilespmem:s15+$0x13610] =	vst.add.f32.msk $0xffff, v3  }
0x11a: {  	[tilespmem:s15+$0x14F10] =	vst.add.f32.msk $0xffff, v3  }
0x11b: {  	[tilespmem:s15+$0x10420] =	vst.add.f32.msk $0xffff, v4  }
0x11c: {  	[tilespmem:s15+$0x11D20] =	vst.add.f32.msk $0xffff, v4  }
0x11d: {  	s11 =	sor.u32 $0x8, s0;
	[tilespmem:s15+$0x13620] =	vst.add.f32.msk $0xffff, v4  }
0x11e: {  	s16 =	smul.u32 $0x380, s11;
	[tilespmem:s15+$0x14F20] =	vst.add.f32.msk $0xffff, v4  }
0x11f: {  	s11 =	smul.u32 $0x1C00, s11;
	[tilespmem:s15+$0x10430] =	vst.add.f32.msk $0xffff, v1  }
0x120: {  	[tilespmem:s15+$0x11D30] =	vst.add.f32.msk $0xffff, v1  }
0x121: {  	s11 =	sshrl.u32 s11, $0x3;
	[tilespmem:s15+$0x13630] =	vst.add.f32.msk $0xffff, v1;
	s15 =	sadd.s32 s5, s16  }
0x122: {  	[hbm4b:s15+s3] =	stream.linear.scatter [tilespmem:s22], [sflag:$0x7], $0x1900, $0x38;
	[tilespmem:$0x1CC00] =	vst v63  }
0x123: {  	s11 =	sadd.s32 s5, s11;
	s16 =	sadd.s32 s16, s8  }
0x124: {  	[hbm4b:s16+s3] =	stream.linear.scatter [tilespmem:s21], [sflag:$0x7], $0x1900, $0x38;
	[tilespmem:$0x1CC00] =	vst v63  }
0x125: {  	s16 =	sadd.s32 $0x700, s11  }
0x126: {  	[hbm4b:s16+s3] =	stream.linear.scatter [tilespmem:s24], [sflag:$0x7], $0x1900, $0x38;
	[tilespmem:$0x1CC00] =	vst v63  }
0x127: {  	s11 =	sadd.s32 $0xA80, s11  }
0x128: {  	[hbm4b:s11+s3] =	stream.linear.scatter [tilespmem:s23], [sflag:$0x7], $0x1900, $0x38;
	[tilespmem:$0x1CC00] =	vst v63  }
0x129: {  	_ =	swait.ge [sflag:s25], $0x1900  }
0x12a: {  	[sflag:s25] =	ssyncset.done $0x0  }
0x12b: {  	[sflag:s25] =	ssyncadd.s32 $0xFFFFE700  }
0x12c: {  	_ =	swait.ge [sflag:s25], $0x1900  }
0x12d: {  	[sflag:s25] =	ssyncset.done $0x0  }
0x12e: {  	[sflag:s25] =	ssyncadd.s32 $0xFFFFE700  }
0x12f: {  	_ =	swait.ge [sflag:s25], $0x1900  }
0x130: {  	[sflag:s25] =	ssyncset.done $0x0  }
0x131: {  	[sflag:s25] =	ssyncadd.s32 $0xFFFFE700  }
0x132: {  	_ =	swait.ge [sflag:s25], $0x1900  }
0x133: {  	s15 =	simm.s32 @!p0 $0x64;
	[sflag:s25] =	ssyncset.done $0x0  }
0x134: {  	s16 =	simm.s32 @!p0 $0x10400;
	s11 =	sadd.s32 @!p0 $0x600, s14;
	[sflag:s25] =	ssyncadd.s32 $0xFFFFE700  }
0x135: {  	[tilespmem:s16], [sflag:$0x3] =	stream.indirect.gather @!p0 [hbm4b:s4+s15], $0x80, s11, s15, $0xb8;
	[tilespmem:$0x1CC00] =	vst v63  }
0x136: {  	s11 =	sadd.s32 @!p0 $0x680, s14;
	s14 =	simm.s32 @!p0 $0x13600  }
0x137: {  	[tilespmem:s14], [sflag:$0x3] =	stream.indirect.gather @!p0 [hbm4b:s4+s15], $0x80, s11, s15, $0xb8;
	[tilespmem:$0x1CC00] =	vst v63  }
0x138: {  	_ =	swait.ge [sflag:s28], $0x3200  }
0x139: {  	[sflag:s28] =	ssyncset.done $0x0  }
0x13a: {  	[sflag:s28] =	ssyncadd.s32 $0xFFFFCE00  }
0x13b: {  	_ =	swait.ge [sflag:s28], $0x3200  }
0x13c: {  	[sflag:s28] =	ssyncset.done $0x0  }
0x13d: {  	s11 =	simm.s32 $0x0;
	[sflag:s28] =	ssyncadd.s32 $0xFFFFCE00  }
0x13e: {  	v0 =	vld [tilespmem:s11+$0x2030]  }
0x13f: {  	v1 =	vld [tilespmem:s11+$0x2000];
	_ =	sdelay $0x1  }
0x140: {  	v2 =	vld [tilespmem:s11+$0x2010]  }
0x141: {  	v3 =	vld [tilespmem:s11+$0x2020]  }
0x142: {  	[tilespmem:s11+$0x1B330] =	vst.add.f32.msk $0xffff, v0  }
0x143: {  	[tilespmem:s11+$0x16800] =	vst.add.f32.msk $0xffff, v1  }
0x144: {  	[tilespmem:s11+$0x18100] =	vst.add.f32.msk $0xffff, v1  }
0x145: {  	[tilespmem:s11+$0x19A00] =	vst.add.f32.msk $0xffff, v1  }
0x146: {  	[tilespmem:s11+$0x1B300] =	vst.add.f32.msk $0xffff, v1  }
0x147: {  	[tilespmem:s11+$0x16810] =	vst.add.f32.msk $0xffff, v2  }
0x148: {  	[tilespmem:s11+$0x18110] =	vst.add.f32.msk $0xffff, v2  }
0x149: {  	[tilespmem:s11+$0x19A10] =	vst.add.f32.msk $0xffff, v2  }
0x14a: {  	[tilespmem:s11+$0x1B310] =	vst.add.f32.msk $0xffff, v2  }
0x14b: {  	[tilespmem:s11+$0x16820] =	vst.add.f32.msk $0xffff, v3  }
0x14c: {  	[tilespmem:s11+$0x18120] =	vst.add.f32.msk $0xffff, v3  }
0x14d: {  	[tilespmem:s11+$0x19A20] =	vst.add.f32.msk $0xffff, v3  }
0x14e: {  	[tilespmem:s11+$0x1B320] =	vst.add.f32.msk $0xffff, v3  }
0x14f: {  	[tilespmem:s11+$0x16830] =	vst.add.f32.msk $0xffff, v0  }
0x150: {  	s15 =	simm.s32 $0x80;
	s14 =	simm.s32 $0x400;
	[tilespmem:s11+$0x18130] =	vst.add.f32.msk $0xffff, v0  }
.LBB2_9:
0x151: {  	p1 =	sne.s32 s14, $0x6200;
	v1 =	vld [tilespmem:s15+$0x2030]  }
0x152: {  	v2 =	vld [tilespmem:s15+$0x2000]  }
0x153: {  	v3 =	vld [tilespmem:s15+$0x2010]  }
0x154: {  	v4 =	vld [tilespmem:s15+$0x2020]  }
0x155: {  	[tilespmem:s11+$0x19A30] =	vst.add.f32.msk $0xffff, v0;
	s11 =	smov.u32 s15  }
0x156: {  	[tilespmem:s11+$0x1B330] =	vst.add.f32.msk $0xffff, v1;
	v0 =	vmov v1  }
0x157: {  	[tilespmem:s11+$0x16800] =	vst.add.f32.msk $0xffff, v2  }
0x158: {  	[tilespmem:s11+$0x18100] =	vst.add.f32.msk $0xffff, v2  }
0x159: {  	[tilespmem:s11+$0x19A00] =	vst.add.f32.msk $0xffff, v2  }
0x15a: {  	[tilespmem:s11+$0x1B300] =	vst.add.f32.msk $0xffff, v2  }
0x15b: {  	[tilespmem:s11+$0x16810] =	vst.add.f32.msk $0xffff, v3  }
0x15c: {  	[tilespmem:s11+$0x18110] =	vst.add.f32.msk $0xffff, v3  }
0x15d: {  	[tilespmem:s11+$0x19A10] =	vst.add.f32.msk $0xffff, v3  }
0x15e: {  	[tilespmem:s11+$0x1B310] =	vst.add.f32.msk $0xffff, v3  }
0x15f: {  	[tilespmem:s11+$0x16820] =	vst.add.f32.msk $0xffff, v4  }
.Ltmp5:
0x160: {  	[tilespmem:s11+$0x18120] =	vst.add.f32.msk $0xffff, v4;
	(pc) =	sbr.rel @p1 .LBB2_9-.Ltmp5, $4  }
0x161: {  	[tilespmem:s11+$0x19A20] =	vst.add.f32.msk $0xffff, v4  }
0x162: {  	[tilespmem:s11+$0x1B320] =	vst.add.f32.msk $0xffff, v4  }
0x163: {  	[tilespmem:s11+$0x16830] =	vst.add.f32.msk $0xffff, v0  }
0x164: {  	s15 =	sshra.s32 s14, $0x2;
	s14 =	sadd.s32 $0x200, s14;
	[tilespmem:s11+$0x18130] =	vst.add.f32.msk $0xffff, v0  }
0x165: {  	v1 =	vld [tilespmem:s15+$0x2030]  }
0x166: {  	v2 =	vld [tilespmem:s15+$0x2000]  }
0x167: {  	v3 =	vld [tilespmem:s15+$0x2010]  }
0x168: {  	v4 =	vld [tilespmem:s15+$0x2020]  }
0x169: {  	[tilespmem:s11+$0x19A30] =	vst.add.f32.msk $0xffff, v0  }
0x16a: {  	[tilespmem:s15+$0x1B330] =	vst.add.f32.msk $0xffff, v1  }
0x16b: {  	[tilespmem:s15+$0x16800] =	vst.add.f32.msk $0xffff, v2  }
0x16c: {  	[tilespmem:s15+$0x18100] =	vst.add.f32.msk $0xffff, v2  }
0x16d: {  	[tilespmem:s15+$0x19A00] =	vst.add.f32.msk $0xffff, v2  }
0x16e: {  	[tilespmem:s15+$0x1B300] =	vst.add.f32.msk $0xffff, v2  }
0x16f: {  	[tilespmem:s15+$0x16810] =	vst.add.f32.msk $0xffff, v3  }
0x170: {  	[tilespmem:s15+$0x18110] =	vst.add.f32.msk $0xffff, v3  }
0x171: {  	[tilespmem:s15+$0x19A10] =	vst.add.f32.msk $0xffff, v3  }
0x172: {  	[tilespmem:s15+$0x1B310] =	vst.add.f32.msk $0xffff, v3  }
0x173: {  	[tilespmem:s15+$0x16820] =	vst.add.f32.msk $0xffff, v4  }
0x174: {  	s0 =	sor.u32 $0xC, s0;
	[tilespmem:s15+$0x18120] =	vst.add.f32.msk $0xffff, v4  }
0x175: {  	s14 =	smul.u32 $0x380, s0;
	[tilespmem:s15+$0x19A20] =	vst.add.f32.msk $0xffff, v4  }
0x176: {  	s0 =	smul.u32 $0x1C00, s0;
	[tilespmem:s15+$0x1B320] =	vst.add.f32.msk $0xffff, v4  }
0x177: {  	[tilespmem:s15+$0x16830] =	vst.add.f32.msk $0xffff, v1  }
0x178: {  	s0 =	sshrl.u32 s0, $0x3;
	[tilespmem:s15+$0x18130] =	vst.add.f32.msk $0xffff, v1  }
0x179: {  	s11 =	sadd.s32 s5, s14;
	s0 =	sadd.s32 s5, s0;
	[tilespmem:s15+$0x19A30] =	vst.add.f32.msk $0xffff, v1  }
0x17a: {  	[hbm4b:s11+s3] =	stream.linear.scatter [tilespmem:s26], [sflag:$0x8], $0x1900, $0x38;
	[tilespmem:$0x1CC00] =	vst v63  }
0x17b: {  	s15 =	sadd.s32 $0x380, s0  }
0x17c: {  	[hbm4b:s15+s3] =	stream.linear.scatter [tilespmem:s7], [sflag:$0x8], $0x1900, $0x38;
	[tilespmem:$0x1CC00] =	vst v63  }
0x17d: {  	s16 =	sadd.s32 $0x700, s0  }
0x17e: {  	[hbm4b:s16+s3] =	stream.linear.scatter [tilespmem:s29], [sflag:$0x8], $0x1900, $0x38;
	[tilespmem:$0x1CC00] =	vst v63  }
0x17f: {  	s0 =	sadd.s32 $0xA80, s0  }
0x180: {  	[hbm4b:s0+s3] =	stream.linear.scatter [tilespmem:s10], [sflag:$0x8], $0x1900, $0x38;
	[tilespmem:$0x1CC00] =	vst v63  }
0x181: {  	_ =	swait.ge [sflag:s12], $0x1900  }
0x182: {  	[sflag:s12] =	ssyncset.done $0x0  }
0x183: {  	[sflag:s12] =	ssyncadd.s32 $0xFFFFE700  }
0x184: {  	_ =	swait.ge [sflag:s12], $0x1900  }
0x185: {  	[sflag:s12] =	ssyncset.done $0x0  }
0x186: {  	[sflag:s12] =	ssyncadd.s32 $0xFFFFE700  }
0x187: {  	_ =	swait.ge [sflag:s12], $0x1900  }
.Ltmp6:
0x188: {  	[sflag:s12] =	ssyncset.done $0x0;
	(pc) =	sbr.rel @p0 .LBB2_12-.Ltmp6, $4  }
0x189: {  	[sflag:s12] =	ssyncadd.s32 $0xFFFFE700  }
0x18a: {  	_ =	swait.ge [sflag:s12], $0x1900  }
0x18b: {  	[sflag:s12] =	ssyncset.done $0x0  }
0x18c: {  	[sflag:s12] =	ssyncadd.s32 $0xFFFFE700  }
0x18d: {  	s0 =	sshll.u32 s31, $0xA  }
.Ltmp7:
0x18e: {  	s0 =	sand.u32 $0x3FFFFC00, s0;
	(pc) =	sbr.rel .LBB2_2-.Ltmp7, $4  }
0x18f: {  	s11 =	sadd.s32 $0x700, s0  }
0x190: {  	[tilespmem:s26], [sflag:$0x4] =	stream.indirect.gather [hbm4b:s4+s13], $0x80, s11, s13, $0xb8;
	[tilespmem:$0x1CC00] =	vst v63  }
0x191: {  	s31 =	sadd.s32 $0x1, s31;
	s0 =	sadd.s32 $0x780, s0  }
0x192: {  	[tilespmem:s29], [sflag:$0x4] =	stream.indirect.gather [hbm4b:s4+s13], $0x80, s0, s13, $0xb8;
	[tilespmem:$0x1CC00] =	vst v63  }
.LBB2_13:
0x193: {  	_ =	sfence.sel $0x180000  }
0x194: {  	[bflag:$0x0] =	sbarrier.arrive $0xFFFF  }
0x195: {  	_ =	strace $0x90000047  }
0x196: {  	s0 =	stileid.u32;
	[bflag:$0x2] =	sbarrier.arrive $0xFFFF  }
0x197: {  	p0 =	sne.s32 s0, $0x0;
	s0 =	rddreg [dreg:$0x3]  }
0x198: {  	s0 =	sadd.s32 @!p0 $0x100000, s0  }
0x199: {  	[sflag:s0] =	ssyncadd.tile.s32 @!p0 $0x1;
	_ =	shalt  }
.Lfunc_end2:
_tile_overlayer_lowered:
.L_overlay_start_2:
0x19a: {  	(tag) =	ssettag $0x2  }
0x19b: {  	s0 =	rddreg [dreg:$0x0];
	s2 =	stileid.u32  }
0x19c: {  	s1 =	rddreg [dreg:$0x1];
	p0 =	sne.s32 s2, $0x0  }
0x19d: {  	s3 =	rddreg [dreg:$0x2];
	[bflag:$0x3] =	sbarrier.arrive $0xFFFF;
	s2 =	simm.s32 @!p0 $0x1C09  }
0x19e: {  	[timem:s3], [sflag:s2] =	dma.local @!p0 [hbm:s0], s1  }
0x19f: {  	s0 =	simm.s32 @!p0 $0x9  }
0x1a0: {  	_ =	swait.ge @!p0 [sflag:s0], s1  }
0x1a1: {  	s1 =	ssub.s32 @!p0 $0x0, s1;
	[sflag:s0] =	ssyncset.done @!p0 $0x0  }
0x1a2: {  	[sflag:s0] =	ssyncadd.s32 @!p0 s1  }
0x1a3: {  	[bflag:$0x3] =	sbarrier.arrive $0xFFFF  }
0x1a4: {  	_ =	shalt  }

// kernel: sparse-core-data-format-call.cloned.1.call-start
scs
called_computation_lowered:
.L_overlay_start_0:
0x0: {  	s2 =	sld [smem:$0x3FD9]  }
0x1: {  	s3 =	sld [smem:$0x3FFE];
	_ =	sdelay $0x1  }
0x2: {  	s1 =	srdreg.scid  }
0x3: {  	s0 =	sand.u32 $0x1, s1  }
0x4: {  	s18 =	sshll.u32 s0, $0xA;
	s2 =	sadd.s32 s3, s2  }
0x5: {  	s2 =	sadd.s32 s2, s18  }
0x6: {  	[smem:$0x3FC5] =	sst s2  }
0x7: {  	_ = 	snop  }
0x8: {  	s2 =	sld [smem:$0x3FD0];
	(tm) =	ssettm $0x1  }
0x9: {  	s19 =	sld [smem:$0x3FFB];
	_ =	sdelay $0x3  }
0xa: {  	_ =	strace s19  }
0xb: {  	s3 =	sld [smem:$0x3FFC];
	_ =	sdelay $0x3  }
0xc: {  	_ =	strace s3  }
0xd: {  	s3 =	sld [smem:$0x3FFD];
	_ =	sdelay $0x3  }
0xe: {  	_ =	strace s3  }
0xf: {  	_ =	strace $0x8FFFFFFF  }
0x10: {  	s20 =	sld [smem:$0x3FDB];
	_ =	sdelay $0x1  }
0x11: {  	s4 =	simm.s32 $_scs_section_size  }
0x12: {  	s5 =	simm.s32 $_size__tile_overlayer_lowered;
	s6 =	simm.s32 $_tile_overlayer_lowered  }
0x13: {  	s23 =	simm.s32 $0x1BFF;
	s22 =	sshll.u32 s6, $0x1;
	s3 =	sadd.s32 s4, s20  }
0x14: {  	s7 =	simm.s32 $0x0;
	s21 =	sshll.u32 s5, $0x1;
	s5 =	sadd.s32 s22, s3  }
0x15: {  	[timem:s7], [sflag:s23] =	dma.local [hbm:s5], s21  }
0x16: {  	_ =	swait.ge [sflag:s23], s21  }
0x17: {  	s4 =	ssub.s32 $0x0, s21;
	[sflag:s23] =	ssyncset.done $0x0  }
0x18: {  	[sflag:s23] =	ssyncadd.s32 s4;
	_ =	sdelay $0x1  }
0x19: {  	s24 =	simm.s32 $0x1B8B  }
0x1a: {  	_ =	swait.ge [sflag:s24], $0x1  }
0x1b: {  	[sflag:s24] =	ssyncset.done $0x0  }
0x1c: {  	s26 =	simm.s32 $0x1B8E;
	s25 =	sld [smem:$0x3FFE];
	[sflag:s24] =	ssyncadd.s32 $0xFFFFFFFF  }
0x1d: {  	s27 =	simm.s32 $execute0_lowered;
	[smem:$0x3FD2] =	sst s26  }
0x1e: {  	s5 =	sshll.u32 s27, $0x1;
	_ =	strace $0x80000049;
	[dreg:$0x1] =	wrdreg $0xFFFFFFFF  }
0x1f: {  	s28 =	simm.s32 $_size_execute0_lowered;
	s3 =	sadd.s32 s3, s5;
	[dreg:$0x0] =	wrdreg $0x0  }
0x20: {  	s5 =	sshll.u32 s28, $0x1;
	[dreg:$0x2] =	wrdreg s3  }
0x21: {  	[dreg:$0x3] =	wrdreg s5  }
0x22: {  	[dreg:$0x4] =	wrdreg $0xC0  }
0x23: {  	_ =	task [dreg:s7], $0x5FFFF  }
0x24: {  	[dreg:$0x1] =	wrdreg $0xFFFFFFFF  }
0x25: {  	[dreg:$0x0] =	wrdreg $0x60  }
0x26: {  	[dreg:$0x2] =	wrdreg s25  }
0x27: {  	[dreg:$0x3] =	wrdreg s2  }
0x28: {  	[dreg:$0x4] =	wrdreg $0x9  }
0x29: {  	_ =	task.clear_ibuf [dreg:s7], $0x5FFFF;
	_ =	strace $0x90000049  }
0x2a: {  	s29 =	simm.s32 $0x9;
	_ =	strace $0x8000004B  }
0x2b: {  	_ =	swait.ge [sflag:s29], $0x1  }
0x2c: {  	[sflag:s29] =	ssyncadd.s32 $0xFFFFFFFF  }
0x2d: {  	_ =	strace $0x9000004B  }
0x2e: {  	_ =	sfence  }
0x2f: {  	s30 =	sld [smem:$0x0];
	_ =	sdelay $0x2  }
0x30: {  	s31 =	sshll.u32 s1, $0xD;
	s1 =	sshrl.u32 s1, $0x2  }
0x31: {  	s3 =	sand.u32 $0x4000, s31;
	s1 =	sadd.s32 s1, s30  }
0x32: {  	s0 =	sor.u32 s3, s0;
	s1 =	sshll.u32 s1, $0x11  }
0x33: {  	s0 =	sor.u32 s1, s0  }
0x34: {  	s0 =	sadd.s32 $0x8F2B, s0  }
0x35: {  	[sflag:s0] =	ssyncadd.remote.s32 $0x1  }
0x36: {  	_ =	sfence.sel $0xFFFF  }
0x37: {  	[dreg:$0x0] =	wrdreg $0xFFFFFFFF;
	(pc) =	sbr.abs _section_cstart, $3  }
0x38: {  	[dreg:$0x1] =	wrdreg $0xFFFFFFFF  }
0x39: {  	_ =	task.clear_ibuf [dreg:s7], $0x2FFFF;
	_ =	strace $0x9FFFFFFF  }
0x3a: {  	(tm) =	ssettm $0x7FFFFFFF  }
0x3b: {  	_ =	shalt  }
tec
execute0_lowered:
.L_overlay_start_1:
0x0: {  	(tag) =	ssettag $0x1  }
0x1: {  	s0 =	srdreg.scid  }
0x2: {  	s1 =	sshll.u32 s0, $0x4  }
0x3: {  	s0 =	stileid.u32;
	s1 =	sand.u32 $0x10, s1  }
0x4: {  	s1 =	sor.u32 s0, s1  }
0x5: {  	s6 =	rddreg [dreg:$0x0];
	s4 =	simm.s32 $0x1;
	s2 =	sshll.u32 s1, $0x7  }
0x6: {  	s7 =	simm.s32 $0x2;
	s12 =	simm.s32 $0x0;
	s1 =	ssub.s32 $0x1000, s2  }
0x7: {  	s8 =	simm.s32 $0x8000;
	s13 =	simm.s32 $0x0;
	s3 =	sand.u32 $0xF80, s1  }
0x8: {  	s9 =	simm.s32 $0x0;
	s5 =	sshrl.u32 s1, $0xC;
	p0 =	sne.s32 s3, $0x0  }
.Ltmp0:
0x9: {  	s1 =	rddreg [dreg:$0x2];
	s4 =	simm.s32 @!p0 $0x0;
	(pc) =	sbr.rel .LBB1_1-.Ltmp0, $4  }
0xa: {  	s11 =	simm.s32 $0x0;
	s3 =	rddreg [dreg:$0x1];
	s5 =	sadd.s32 s4, s5  }
0xb: {  	_ =	strace $0x8000004A;
	s4 =	simm.s32 $0x1;
	s5 =	smul.u32 $0x32, s5  }
0xc: {  	s6 =	sadd.s32 $0xA00, s6;
	s10 =	smov.u32 s2;
	[sflag:s4] =	ssyncpa.u1 $0x0  }
0xd: {  	p0 =	por $0x0, $0x0;
	[sflag:s7] =	ssyncpa.u1 $0x0;
	s7 =	sor.u32 $0x1, s5  }
.LBB1_4:
0xe: {  	s16 =	sshll.u32 s13, $0x3;
	s17 =	sand.u32 $0x78, s13  }
0xf: {  	s30 =	sand.u32 $0x7E00, s13;
	s12 =	sshll.u32 s12, $0xF;
	s16 =	sand.u32 $0xC00, s16  }
0x10: {  	[tilespmem:s15+$0x810 ss:$0x81] =	vst.msk $0xffff, v2;
	s31 =	sand.u32 $0x7, s13;
	s16 =	sor.u32 s17, s16;
	s17 =	sadd.s32 s3, s30  }
0x11: {  	[tilespmem:s15+$0x1020 ss:$0x81] =	vst.msk $0xffff, v0;
	s13 =	sshll.u32 s31, $0x12;
	s12 =	sadd.s32 s12, s17;
	s16 =	sshrl.u32 s16, $0x3  }
0x12: {  	[tilespmem:s15+$0x0 ss:$0x81] =	vst.msk $0xffff, v1;
	s13 =	sor.u32 $0x400, s13;
	s12 =	sadd.s32 s16, s12  }
0x13: {  	[hbm4b:s12+s13] =	stream.strided.scatter [tilespmem:s14], [sflag:$0x2], $0x2000, s8, s13, $0x20;
	[tilespmem:$0x8080] =	vst v63  }
.LBB1_5:
0x14: {  	s14 =	sadd.s32 $0x1, s9  }
0x15: {  	s12 =	sadd.s32 $0x1000, s10;
	s16 =	smov.u32 s10;
	p2 =	sgt.s32 s14, $0x31  }
0x16: {  	s16 =	smov.u32 @p2 s12  }
0x17: {  	s14 =	simm.s32 @p2 $0x0;
	p2 =	sgt.s32 s16, $0xFFF  }
0x18: {  	s16 =	smov.u32 @p2 s2;
	p2 =	sne.s32 s11, s7  }
.Ltmp1:
0x19: {  	p1 =	slt.u32 s11, $0x2;
	(pc) =	sbr.rel @!p2 .LBB1_6-.Ltmp1, $4  }
0x1a: {  	s15 =	simm.s32 @!p1 $0x2  }
0x1b: {  	s13 =	smov.u32 s10;
	p0 =	por !p0, !p0;
	_ =	swait.ge @!p1 [sflag:s15], $0x2000  }
0x1c: {  	s12 =	smov.u32 s9;
	[sflag:s15] =	ssyncset.done @!p1 $0x0;
	s9 =	smov.u32 s14  }
0x1d: {  	s11 =	sadd.s32 $0x1, s11;
	[sflag:s15] =	ssyncadd.s32 @!p1 $0xFFFFE000;
	s10 =	smov.u32 s16  }
.LBB1_1:
0x1e: {  	p1 =	sge.u32 s11, s5  }
0x1f: {  	s14 =	sand.u32 @!p1 $0x1FFFFFF, s9  }
0x20: {  	s15 =	smulhi.u32 @!p1 $0x4924925, s14;
	_ =	sdelay $0x1  }
0x21: {  	s15 =	smul.u32 @!p1 $0x38, s15  }
0x22: {  	s16 =	sxor.u32 @!p1 $0xFFFFFFFF, s11;
	s17 =	smul.u32 @!p1 $0x380, s10  }
0x23: {  	s31 =	sadd.s32 $0xFFFFFFFF, s11;
	s16 =	sshll.u32 @!p1 s16, $0xD;
	s14 =	ssub.s32 @!p1 s14, s15  }
0x24: {  	s15 =	sand.u32 @!p1 $0x2000, s16;
	s16 =	sadd.s32 @!p1 s6, s17;
	s14 =	sshll.u32 @!p1 s14, $0x4  }
0x25: {  	s17 =	simm.s32 @!p1 $0x1C00;
	s14 =	sadd.s32 @!p1 s14, s16;
	s16 =	simm.s32 @!p1 $0x40  }
0x26: {  	[tilespmem:s15], [sflag:$0x1] =	stream.strided.gather @!p1 [hbm4b:s14+s16], $0x2000, s17, s16, $0x38;
	[tilespmem:$0x8080] =	vst v63  }
0x27: {  	p1 =	sge.u32 s31, s5  }
.Ltmp2:
0x28: {  	_ = 	snop;
	(pc) =	sbr.rel @p1 .LBB1_5-.Ltmp2, $1  }
0x29: {  	_ =	sdelay $0x3  }
0x2a: {  	s14 =	simm.s32 $0x1  }
0x2b: {  	_ =	swait.ge [sflag:s4], $0x2000;
	s14 =	simm.s32 @!p0 $0x0  }
0x2c: {  	[sflag:s4] =	ssyncset.done $0x0;
	s15 =	sshll.u32 s14, $0xD  }
0x2d: {  	[sflag:s4] =	ssyncadd.s32 $0xFFFFE000;
	s18 =	sor.u32 $0x20, s15  }
0x2e: {  	s14 =	smul.u32 $0x8100, s14;
	v3 =	vld [tilespmem:s18+$0x10]  }
0x2f: {  	s30 =	sand.u32 $0x1, s11;
	v2 =	vld [tilespmem:s18+$0xFFFFFFF0]  }
0x30: {  	s15 =	smul.u32 $0x8100, s30;
	s14 =	sshrl.u32 s14, $0x2;
	v0 =	vld [tilespmem:s18+$0x0]  }
0x31: {  	v1 =	vld [tilespmem:s18+$0xFFFFFFE0];
	s16 =	sor.u32 $0x4000, s14  }
0x32: {  	s31 =	sshrl.u32 s15, $0x2;
	s15 =	sadd.s32 $0x0, s16  }
0x33: {  	s17 =	simm.s32 $0x4;
	s18 =	sadd.s32 $0x40, s18;
	s14 =	sor.u32 $0x4000, s31;
	[tilespmem:s15+$0x1830 ss:$0x81] =	vst.msk $0xffff, v3  }
.LBB1_3:
0x34: {  	v3 =	vld [tilespmem:s18+$0x10];
	p1 =	sne.s32 s17, $0x1FC;
	[tilespmem:s15+$0x810 ss:$0x81] =	vst.msk $0xffff, v2;
	s19 =	smov.u32 s17;
	s17 =	sadd.s32 $0x4, s17  }
.Ltmp3:
0x35: {  	v2 =	vld [tilespmem:s18+$0xFFFFFFF0];
	[tilespmem:s15+$0x1020 ss:$0x81] =	vst.msk $0xffff, v0;
	(pc) =	sbr.rel @p1 .LBB1_3-.Ltmp3, $4  }
0x36: {  	v0 =	vld [tilespmem:s18+$0x0];
	[tilespmem:s15+$0x0 ss:$0x81] =	vst.msk $0xffff, v1  }
0x37: {  	s15 =	sshra.s32 s19, $0x2;
	v1 =	vld [tilespmem:s18+$0xFFFFFFE0]  }
0x38: {  	s15 =	sadd.s32 s15, s16  }
0x39: {  	s18 =	sadd.s32 $0x40, s18;
	[tilespmem:s15+$0x1830 ss:$0x81] =	vst.msk $0xffff, v3  }
.Ltmp4:
0x3a: {  	_ = 	snop;
	(pc) =	sbr.rel .LBB1_4-.Ltmp4, $1  }
0x3b: {  	_ =	sdelay $0x3  }
.LBB1_6:
0x3c: {  	_ =	sfence.sel $0x180000  }
0x3d: {  	s2 =	simm.s32 $0x1;
	[bflag:$0x0] =	sbarrier.arrive $0xFFFF  }
0x3e: {  	s31 =	simm.s32 $0x2;
	[sflag:s2] =	ssyncpa.u1 $0x1  }
0x3f: {  	[sflag:s31] =	ssyncpa.u1 $0x1  }
0x40: {  	p0 =	sne.s32 s0, $0x0;
	_ =	strace $0x9000004A  }
0x41: {  	s0 =	sadd.s32 @!p0 $0x100000, s1;
	[bflag:$0x2] =	sbarrier.arrive $0xFFFF  }
0x42: {  	[sflag:s0] =	ssyncadd.tile.s32 @!p0 $0x1;
	_ =	shalt  }
.Lfunc_end1:
_tile_overlayer_lowered:
.L_overlay_start_2:
0x43: {  	(tag) =	ssettag $0x2  }
0x44: {  	s0 =	rddreg [dreg:$0x0];
	s2 =	stileid.u32  }
0x45: {  	s1 =	rddreg [dreg:$0x1];
	p0 =	sne.s32 s2, $0x0  }
0x46: {  	s3 =	rddreg [dreg:$0x2];
	[bflag:$0x3] =	sbarrier.arrive $0xFFFF;
	s2 =	simm.s32 @!p0 $0x1C01  }
0x47: {  	[timem:s3], [sflag:s2] =	dma.local @!p0 [hbm:s0], s1  }
0x48: {  	s0 =	simm.s32 @!p0 $0x1  }
0x49: {  	_ =	swait.ge @!p0 [sflag:s0], s1  }
0x4a: {  	s1 =	ssub.s32 @!p0 $0x0, s1;
	[sflag:s0] =	ssyncset.done @!p0 $0x0  }
0x4b: {  	[sflag:s0] =	ssyncadd.s32 @!p0 s1  }
0x4c: {  	[bflag:$0x3] =	sbarrier.arrive $0xFFFF  }
0x4d: {  	_ =	shalt  }

</sc_bundles>
